<compile_context>
chip_gen: v7x
topology: tpu7x:2x2x1
jax: 0.10.2.dev20260603
libtpu: 0.0.44.dev20260713+nightly
codegen_flags: <defaults>
</compile_context>

<pallas_src>
import functools

import jax
import jax.numpy as jnp
from jax import lax
from jax.experimental import pallas as pl
from jax.experimental.pallas import tpu as pltpu
from jax.experimental.pallas import tpu_sc as plsc

_BN_EPS = 1e-5
_NUM_GRAPHS = 128




_CB = 128
_HALVES = 2


def _sc_geometry(n, e):
    info = plsc.get_sparse_core_info()
    nc, ns = info.num_cores, info.num_subcores
    nw = nc * ns
    rpt = ((n + ns - 1) // ns + _CB - 1) // _CB * _CB
    n_pad = ns * rpt
    et = -(-e // nw)
    chunks = -(-et // _CB)
    chunks = -(-chunks // (2 * _HALVES)) * (2 * _HALVES)
    return nc, ns, nw, rpt, n_pad, chunks


@functools.cache
def _make_seg_sum(n, d, e):
    nc, ns, nw, rpt, n_pad, chunks = _sc_geometry(n, e)
    hchunks = chunks // _HALVES

    mesh = plsc.VectorSubcoreMesh(core_axis_name="c", subcore_axis_name="s")

    def body(h_hbm, sd_hbm, out_hbm, sd_v, rows0, rows1, acc_sh, g0, g1, gi):
        c = lax.axis_index("c")
        s = lax.axis_index("s")
        wid = s * nc + c

        cp_idx = pltpu.async_copy(sd_hbm.at[wid, 0], sd_v, gi)

        def _zrow(i, carry):
            for l in range(d // 16):
                rows0[i, pl.ds(l * 16, 16)] = jnp.zeros((16,), jnp.float32)
            return carry

        lax.fori_loop(0, _CB, _zrow, 0)
        zcps = [
            pltpu.async_copy(rows0, acc_sh.at[pl.ds(s * rpt + q * _CB, _CB)],
                             g1)
            for q in range(rpt // _CB)
        ]
        for cp in zcps:
            cp.wait()
        cp_idx.wait()
        pltpu.async_copy(h_hbm.at[sd_v.at[0, 0]], rows0, g0)
        pltpu.async_copy(h_hbm.at[sd_v.at[0, 1]], rows1, g1)
        plsc.subcore_barrier()

        def step(t, carry):
            j = 2 * t
            pltpu.make_async_copy(h_hbm.at[sd_v.at[0, j]], rows0, g0).wait()
            pltpu.sync_copy(rows0, acc_sh.at[sd_v.at[1, j]], add=True)
            pltpu.async_copy(h_hbm.at[sd_v.at[0, j + 2]], rows0, g0)
            pltpu.make_async_copy(h_hbm.at[sd_v.at[0, j + 1]], rows1,
                                  g1).wait()
            pltpu.sync_copy(rows1, acc_sh.at[sd_v.at[1, j + 1]], add=True)
            pltpu.async_copy(h_hbm.at[sd_v.at[0, j + 3]], rows1, g1)
            return carry

        for half in range(_HALVES):
            lax.fori_loop(0, hchunks // 2, step, 0)
            pltpu.make_async_copy(h_hbm.at[sd_v.at[0, hchunks]], rows0,
                                  g0).wait()
            pltpu.make_async_copy(h_hbm.at[sd_v.at[0, hchunks + 1]], rows1,
                                  g1).wait()
            if half + 1 < _HALVES:
                pltpu.sync_copy(sd_hbm.at[wid, half + 1], sd_v)
                pltpu.async_copy(h_hbm.at[sd_v.at[0, 0]], rows0, g0)
                pltpu.async_copy(h_hbm.at[sd_v.at[0, 1]], rows1, g1)

        plsc.subcore_barrier()
        pltpu.sync_copy(acc_sh.at[pl.ds(s * rpt, rpt)], out_hbm.at[c, s])

    return pl.kernel(
        body,
        out_type=jax.ShapeDtypeStruct((nc, ns, rpt, d), jnp.float32),
        mesh=mesh,
        scratch_types=[
            pltpu.VMEM((2, hchunks + 2, _CB), jnp.int32),
            pltpu.VMEM((_CB, d), jnp.float32),
            pltpu.VMEM((_CB, d), jnp.float32),
            pltpu.VMEM_SHARED((n_pad, d), jnp.float32),
            pltpu.SemaphoreType.DMA,
            pltpu.SemaphoreType.DMA,
            pltpu.SemaphoreType.DMA,
        ],
        name="sc_segment_sum",
    )




def _lin_relu_body(x_ref, w_ref, b_ref, o_ref):
    o_ref[...] = jnp.maximum(
        jnp.dot(x_ref[...], w_ref[...], preferred_element_type=jnp.float32)
        + b_ref[...], 0.0)


def _bnorm(z, g, bt):
    m = jnp.mean(z, axis=0, keepdims=True)
    v = jnp.mean((z - m) ** 2, axis=0, keepdims=True)
    return g * (z - m) * lax.rsqrt(v + _BN_EPS) + bt


def _gin_mlp(h_ref, p_ref, eps_ref, w0_ref, b0_ref, g0_ref, t0_ref,
             w1_ref, b1_ref, g1_ref, t1_ref):
    h = h_ref[...]
    n = h.shape[0]
    z = (1.0 + eps_ref[...]) * h + p_ref[0, :n] + p_ref[1, :n]
    z = jnp.dot(z, w0_ref[...], preferred_element_type=jnp.float32) + b0_ref[...]
    z = jnp.maximum(_bnorm(z, g0_ref[...], t0_ref[...]), 0.0)
    z = jnp.dot(z, w1_ref[...], preferred_element_type=jnp.float32) + b1_ref[...]
    z = jnp.maximum(_bnorm(z, g1_ref[...], t1_ref[...]), 0.0)
    return z + h


def _mlp_body(h_ref, p_ref, eps_ref, w0_ref, b0_ref, g0_ref, t0_ref,
              w1_ref, b1_ref, g1_ref, t1_ref, o_ref):
    o_ref[...] = _gin_mlp(h_ref, p_ref, eps_ref, w0_ref, b0_ref, g0_ref,
                          t0_ref, w1_ref, b1_ref, g1_ref, t1_ref)


def _mlp_pool_body(h_ref, p_ref, eps_ref, w0_ref, b0_ref, g0_ref, t0_ref,
                   w1_ref, b1_ref, g1_ref, t1_ref, batch_ref, wo_ref, bo_ref,
                   o_ref):
    hn = _gin_mlp(h_ref, p_ref, eps_ref, w0_ref, b0_ref, g0_ref, t0_ref,
                  w1_ref, b1_ref, g1_ref, t1_ref)
    n = hn.shape[0]
    g = o_ref.shape[0]
    ids = lax.broadcasted_iota(jnp.int32, (g, n), 0)
    mask = (ids == batch_ref[...]).astype(jnp.float32)
    pooled = jnp.dot(mask, hn, preferred_element_type=jnp.float32)
    o_ref[...] = (jnp.dot(pooled, wo_ref[...],
                          preferred_element_type=jnp.float32) + bo_ref[...])




def kernel(x, edge_index, batch, params):
    n, d = x.shape
    e = edge_index.shape[1]
    seg_sum = _make_seg_sum(n, d, e)

    nc, ns, nw, rpt, n_pad, chunks = _sc_geometry(n, e)
    assert e % nw == 0
    et = e // nw
    cap = chunks * _CB
    npad_e = cap - et
    pad_src = (jnp.arange(npad_e, dtype=jnp.int32) * 7) % n
    pad_dst = n + jnp.arange(npad_e, dtype=jnp.int32) % (n_pad - n)
    hchunks = chunks // _HALVES
    src_r = jnp.concatenate(
        [edge_index[0].reshape(nw, et),
         jnp.broadcast_to(pad_src, (nw, npad_e))], 1)
    dst_r = jnp.concatenate(
        [edge_index[1].reshape(nw, et),
         jnp.broadcast_to(pad_dst, (nw, npad_e))], 1)
    sd = jnp.stack([src_r.reshape(nw, _HALVES, hchunks, _CB),
                    dst_r.reshape(nw, _HALVES, hchunks, _CB)], axis=2)
    sd = jnp.concatenate([sd, sd[:, :, :, :2]], axis=3)

    h = pl.pallas_call(
        _lin_relu_body,
        out_shape=jax.ShapeDtypeStruct((n, d), jnp.float32),
    )(x, params["lin0_W"], params["lin0_b"].reshape(1, d))

    layers = params["layers"]
    for i, lp in enumerate(layers):
        part = seg_sum(h, sd).reshape(nc, n_pad, d)
        args = (h, part, lp["eps"].reshape(1, 1),
                lp["W0"], lp["b0"].reshape(1, d),
                lp["g0"].reshape(1, d), lp["bt0"].reshape(1, d),
                lp["W1"], lp["b1"].reshape(1, d),
                lp["g1"].reshape(1, d), lp["bt1"].reshape(1, d))
        if i + 1 < len(layers):
            h = pl.pallas_call(
                _mlp_body,
                out_shape=jax.ShapeDtypeStruct((n, d), jnp.float32),
            )(*args)
        else:
            out = pl.pallas_call(
                _mlp_pool_body,
                out_shape=jax.ShapeDtypeStruct((_NUM_GRAPHS, d), jnp.float32),
            )(*args, batch.reshape(1, n), params["lin1_W"],
              params["lin1_b"].reshape(1, d))
    return out

# --- scband reference (transcript-rebuilt; emitter-appended) ---
"""Pipeline reference for scband-gin-53197464928919 (READ-ONLY COPY).

The authoritative reference and input builder live on the scoring server;
editing this copy changes nothing except your own understanding.
"""

import jax, jax.numpy as jnp
import numpy as np

N = 10000
E = 320000
D = 128
G = 128
L = 3


def _bn(h, gamma, beta):
    mean = jnp.mean(h, axis=0)
    var = jnp.var(h, axis=0)
    return gamma * (h - mean) * jax.lax.rsqrt(var + 1e-5) + beta


def setup_inputs(seed: int = 0) -> dict:
    key = jax.random.key(seed)
    ks = iter(jax.random.split(key, 64))
    x = jax.random.normal(next(ks), (N, D), jnp.float32)
    edge_index = jax.random.randint(next(ks), (2, E), 0, N, jnp.int32)
    batch = jnp.sort(jax.random.randint(next(ks), (N,), 0, G, jnp.int32))
    s = 1.0 / np.sqrt(D)
    params = {}
    params["lin0_W"] = jax.random.uniform(next(ks), (D, D), jnp.float32, -s, s)
    params["lin0_b"] = jnp.zeros((D,), jnp.float32)
    params["lin1_W"] = jax.random.uniform(next(ks), (D, D), jnp.float32, -s, s)
    params["lin1_b"] = jnp.zeros((D,), jnp.float32)
    layers = []
    for _ in range(L):
        lp = {
            "eps": jnp.zeros((), jnp.float32),
            "W0": jax.random.uniform(next(ks), (D, D), jnp.float32, -s, s),
            "b0": jnp.zeros((D,), jnp.float32),
            "g0": jnp.ones((D,), jnp.float32),
            "bt0": jnp.zeros((D,), jnp.float32),
            "W1": jax.random.uniform(next(ks), (D, D), jnp.float32, -s, s),
            "b1": jnp.zeros((D,), jnp.float32),
            "g1": jnp.ones((D,), jnp.float32),
            "bt1": jnp.zeros((D,), jnp.float32),
        }
        layers.append(lp)
    params["layers"] = layers
    return {"x": x, "edge_index": edge_index, "batch": batch, "params": params}


def reference(x, edge_index, batch, params):
    # x -> lin0 -> relu
    h = jax.nn.relu(x @ params["lin0_W"] + params["lin0_b"])
    src = edge_index[0]
    dst = edge_index[1]
    for lp in params["layers"]:
        # GINConv: mlp((1+eps)*x + sum_{j in N(i)} x_j)
        agg = jax.ops.segment_sum(h[src], dst, num_segments=N)
        z = (1.0 + lp["eps"]) * h + agg
        z = z @ lp["W0"] + lp["b0"]
        z = _bn(z, lp["g0"], lp["bt0"])  # BN inside GIN mlp (training-mode stats)
        z = jax.nn.relu(z)
        z = z @ lp["W1"] + lp["b1"]
        z = _bn(z, lp["g1"], lp["bt1"])  # outer BN layer
        z = jax.nn.relu(z)                # activation='relu'
        h = z + h                         # residual
    # global_add_pool over graphs
    pooled = jax.ops.segment_sum(h, batch, num_segments=G)
    out = pooled @ params["lin1_W"] + params["lin1_b"]
    return out

if __name__ == "__main__":
    import jax
    _d = setup_inputs()
    print(jax.jit(kernel)(*tuple(_d.values())))

</pallas_src>

<mosaic_0001>
#map = affine_map<(d0, d1) -> (0, 0)>
#map1 = affine_map<(d0, d1) -> (0, 0, 0, 0, 0)>
#map2 = affine_map<(d0, d1) -> (0, 0, 0, 0)>
module attributes {stable_mosaic.version = 14 : i64} {
  func.func @sc_segment_sum(%arg0: i32, %arg1: i32, %arg2: memref<10000x128xf32, #tpu.memory_space<hbm>>, %arg3: memref<32x2x2x42x128xi32, #tpu.memory_space<hbm>>, %arg4: memref<2x16x640x128xf32, #tpu.memory_space<hbm>>, %arg5: memref<2x42x128xi32, #tpu.memory_space<vmem>>, %arg6: memref<128x128xf32, #tpu.memory_space<vmem>>, %arg7: memref<128x128xf32, #tpu.memory_space<vmem>>, %arg8: memref<10240x128xf32, #tpu.memory_space<vmem_shared>>, %arg9: memref<!tpu.dma_semaphore, #tpu.memory_space<semaphore_mem>>, %arg10: memref<!tpu.dma_semaphore, #tpu.memory_space<semaphore_mem>>, %arg11: memref<!tpu.dma_semaphore, #tpu.memory_space<semaphore_mem>>) attributes {dimension_semantics = [#tpu.dimension_semantics<core_parallel>, #tpu.dimension_semantics<subcore_parallel>], iteration_bounds = array<i64: 2, 16>, scalar_prefetch = 0 : i64, scratch_operands = 7 : i64, tpu.core_type = #tpu.core_type<sc_vector_subcore>, window_params = [{transform_indices = #map}, {transform_indices = #map1}, {transform_indices = #map2}]} {
    %mul3A = arith.constant 2 : i32
    %mul3A_0 = arith.muli %arg1, %mul3A : i32
    %add3A = arith.addi %mul3A_0, %arg0 : i32
    %dma_start3A = arith.constant 0 : i32
    %dma_start3A_1 = arith.constant 0 : i32
    %dma_start3A_2 = arith.constant 0 : i32
    %dma_start3A_3 = arith.constant 0 : i32
    %dma_start3A_4 = tpu.memref_slice %arg3[%add3A, %dma_start3A, %dma_start3A_1, %dma_start3A_2, %dma_start3A_3] : memref<32x2x2x42x128xi32, #tpu.memory_space<hbm>> -> memref<1x1x2x42x128xi32, #tpu.memory_space<hbm>>
    %dma_start3A_5 = tpu.memref_squeeze %dma_start3A_4 : memref<1x1x2x42x128xi32, #tpu.memory_space<hbm>> -> memref<2x42x128xi32, #tpu.memory_space<hbm>>
    %dma_start3A_6 = arith.constant 0 : i32
    %dma_start3A_7 = arith.constant 0 : i32
    %dma_start3A_8 = arith.constant 0 : i32
    %dma_start3A_9 = tpu.memref_slice %arg3[%add3A, %dma_start3A, %dma_start3A_6, %dma_start3A_7, %dma_start3A_8] : memref<32x2x2x42x128xi32, #tpu.memory_space<hbm>> -> memref<1x1x2x42x128xi32, #tpu.memory_space<hbm>>
    %dma_start3A_10 = tpu.memref_squeeze %dma_start3A_9 : memref<1x1x2x42x128xi32, #tpu.memory_space<hbm>> -> memref<2x42x128xi32, #tpu.memory_space<hbm>>
    tpu.enqueue_dma source(%dma_start3A_10 : memref<2x42x128xi32, #tpu.memory_space<hbm>>) target(%arg5 : memref<2x42x128xi32, #tpu.memory_space<vmem>>) target_semaphore(%arg11 : memref<!tpu.dma_semaphore, #tpu.memory_space<semaphore_mem>>)
    %scan3A = arith.constant 0 : i32
    %scan3A_11 = arith.constant 0 : i32
    %scan3A_12 = arith.constant 128 : i32
    %scan3A_13 = arith.addi %scan3A_11, %scan3A_12 : i32
    %scan3A_14 = arith.constant 1 : i32
    scf.for %scan3A_165 = %scan3A_11 to %scan3A_13 step %scan3A_14  : i32 {
      %broadcast_in_dim3A = arith.constant 0.000000e+00 : f32
      %broadcast_in_dim3A_166 = vector.broadcast %broadcast_in_dim3A : f32 to vector<16xf32>
      %swap3A = arith.index_cast %scan3A_165 : i32 to index
      %swap3A_167 = arith.constant 0 : index
      %swap3A_168 = tpu.vector_load %arg6[%swap3A, %swap3A_167] {strides = array<i32>} : memref<128x128xf32, #tpu.memory_space<vmem>>, vector<1x16xf32>,
      %swap3A_169 = vector.shape_cast %swap3A_168 : vector<1x16xf32> to vector<16xf32>
      %swap3A_170 = vector.shape_cast %broadcast_in_dim3A_166 : vector<16xf32> to vector<1x16xf32>
      tpu.vector_store %arg6[%swap3A, %swap3A_167], %swap3A_170 {strides = array<i32>} : memref<128x128xf32, #tpu.memory_space<vmem>>, vector<1x16xf32>,
      %broadcast_in_dim3A_171 = arith.constant 0.000000e+00 : f32
      %broadcast_in_dim3A_172 = vector.broadcast %broadcast_in_dim3A_171 : f32 to vector<16xf32>
      %swap3A_173 = arith.index_cast %scan3A_165 : i32 to index
      %swap3A_174 = arith.constant 16 : index
      %swap3A_175 = tpu.vector_load %arg6[%swap3A_173, %swap3A_174] {strides = array<i32>} : memref<128x128xf32, #tpu.memory_space<vmem>>, vector<1x16xf32>,
      %swap3A_176 = vector.shape_cast %swap3A_175 : vector<1x16xf32> to vector<16xf32>
      %swap3A_177 = vector.shape_cast %broadcast_in_dim3A_172 : vector<16xf32> to vector<1x16xf32>
      tpu.vector_store %arg6[%swap3A_173, %swap3A_174], %swap3A_177 {strides = array<i32>} : memref<128x128xf32, #tpu.memory_space<vmem>>, vector<1x16xf32>,
      %broadcast_in_dim3A_178 = arith.constant 0.000000e+00 : f32
      %broadcast_in_dim3A_179 = vector.broadcast %broadcast_in_dim3A_178 : f32 to vector<16xf32>
      %swap3A_180 = arith.index_cast %scan3A_165 : i32 to index
      %swap3A_181 = arith.constant 32 : index
      %swap3A_182 = tpu.vector_load %arg6[%swap3A_180, %swap3A_181] {strides = array<i32>} : memref<128x128xf32, #tpu.memory_space<vmem>>, vector<1x16xf32>,
      %swap3A_183 = vector.shape_cast %swap3A_182 : vector<1x16xf32> to vector<16xf32>
      %swap3A_184 = vector.shape_cast %broadcast_in_dim3A_179 : vector<16xf32> to vector<1x16xf32>
      tpu.vector_store %arg6[%swap3A_180, %swap3A_181], %swap3A_184 {strides = array<i32>} : memref<128x128xf32, #tpu.memory_space<vmem>>, vector<1x16xf32>,
      %broadcast_in_dim3A_185 = arith.constant 0.000000e+00 : f32
      %broadcast_in_dim3A_186 = vector.broadcast %broadcast_in_dim3A_185 : f32 to vector<16xf32>
      %swap3A_187 = arith.index_cast %scan3A_165 : i32 to index
      %swap3A_188 = arith.constant 48 : index
      %swap3A_189 = tpu.vector_load %arg6[%swap3A_187, %swap3A_188] {strides = array<i32>} : memref<128x128xf32, #tpu.memory_space<vmem>>, vector<1x16xf32>,
      %swap3A_190 = vector.shape_cast %swap3A_189 : vector<1x16xf32> to vector<16xf32>
      %swap3A_191 = vector.shape_cast %broadcast_in_dim3A_186 : vector<16xf32> to vector<1x16xf32>
      tpu.vector_store %arg6[%swap3A_187, %swap3A_188], %swap3A_191 {strides = array<i32>} : memref<128x128xf32, #tpu.memory_space<vmem>>, vector<1x16xf32>,
      %broadcast_in_dim3A_192 = arith.constant 0.000000e+00 : f32
      %broadcast_in_dim3A_193 = vector.broadcast %broadcast_in_dim3A_192 : f32 to vector<16xf32>
      %swap3A_194 = arith.index_cast %scan3A_165 : i32 to index
      %swap3A_195 = arith.constant 64 : index
      %swap3A_196 = tpu.vector_load %arg6[%swap3A_194, %swap3A_195] {strides = array<i32>} : memref<128x128xf32, #tpu.memory_space<vmem>>, vector<1x16xf32>,
      %swap3A_197 = vector.shape_cast %swap3A_196 : vector<1x16xf32> to vector<16xf32>
      %swap3A_198 = vector.shape_cast %broadcast_in_dim3A_193 : vector<16xf32> to vector<1x16xf32>
      tpu.vector_store %arg6[%swap3A_194, %swap3A_195], %swap3A_198 {strides = array<i32>} : memref<128x128xf32, #tpu.memory_space<vmem>>, vector<1x16xf32>,
      %broadcast_in_dim3A_199 = arith.constant 0.000000e+00 : f32
      %broadcast_in_dim3A_200 = vector.broadcast %broadcast_in_dim3A_199 : f32 to vector<16xf32>
      %swap3A_201 = arith.index_cast %scan3A_165 : i32 to index
      %swap3A_202 = arith.constant 80 : index
      %swap3A_203 = tpu.vector_load %arg6[%swap3A_201, %swap3A_202] {strides = array<i32>} : memref<128x128xf32, #tpu.memory_space<vmem>>, vector<1x16xf32>,
      %swap3A_204 = vector.shape_cast %swap3A_203 : vector<1x16xf32> to vector<16xf32>
      %swap3A_205 = vector.shape_cast %broadcast_in_dim3A_200 : vector<16xf32> to vector<1x16xf32>
      tpu.vector_store %arg6[%swap3A_201, %swap3A_202], %swap3A_205 {strides = array<i32>} : memref<128x128xf32, #tpu.memory_space<vmem>>, vector<1x16xf32>,
      %broadcast_in_dim3A_206 = arith.constant 0.000000e+00 : f32
      %broadcast_in_dim3A_207 = vector.broadcast %broadcast_in_dim3A_206 : f32 to vector<16xf32>
      %swap3A_208 = arith.index_cast %scan3A_165 : i32 to index
      %swap3A_209 = arith.constant 96 : index
      %swap3A_210 = tpu.vector_load %arg6[%swap3A_208, %swap3A_209] {strides = array<i32>} : memref<128x128xf32, #tpu.memory_space<vmem>>, vector<1x16xf32>,
      %swap3A_211 = vector.shape_cast %swap3A_210 : vector<1x16xf32> to vector<16xf32>
      %swap3A_212 = vector.shape_cast %broadcast_in_dim3A_207 : vector<16xf32> to vector<1x16xf32>
      tpu.vector_store %arg6[%swap3A_208, %swap3A_209], %swap3A_212 {strides = array<i32>} : memref<128x128xf32, #tpu.memory_space<vmem>>, vector<1x16xf32>,
      %broadcast_in_dim3A_213 = arith.constant 0.000000e+00 : f32
      %broadcast_in_dim3A_214 = vector.broadcast %broadcast_in_dim3A_213 : f32 to vector<16xf32>
      %swap3A_215 = arith.index_cast %scan3A_165 : i32 to index
      %swap3A_216 = arith.constant 112 : index
      %swap3A_217 = tpu.vector_load %arg6[%swap3A_215, %swap3A_216] {strides = array<i32>} : memref<128x128xf32, #tpu.memory_space<vmem>>, vector<1x16xf32>,
      %swap3A_218 = vector.shape_cast %swap3A_217 : vector<1x16xf32> to vector<16xf32>
      %swap3A_219 = vector.shape_cast %broadcast_in_dim3A_214 : vector<16xf32> to vector<1x16xf32>
      tpu.vector_store %arg6[%swap3A_215, %swap3A_216], %swap3A_219 {strides = array<i32>} : memref<128x128xf32, #tpu.memory_space<vmem>>, vector<1x16xf32>,
    }
    %scan3A_15 = arith.constant 128 : i32
    %mul3A_16 = arith.constant 640 : i32
    %mul3A_17 = arith.muli %arg1, %mul3A_16 : i32
    %add3A_18 = arith.constant 0 : i32
    %add3A_19 = arith.addi %mul3A_17, %add3A_18 : i32
    %dma_start3A_20 = arith.constant 0 : i32
    %dma_start3A_21 = tpu.memref_slice %arg8[%add3A_19, %dma_start3A_20] : memref<10240x128xf32, #tpu.memory_space<vmem_shared>> -> memref<128x128xf32, #tpu.memory_space<vmem_shared>>
    %dma_start3A_22 = arith.constant 0 : i32
    %dma_start3A_23 = tpu.memref_slice %arg8[%add3A_19, %dma_start3A_22] : memref<10240x128xf32, #tpu.memory_space<vmem_shared>> -> memref<128x128xf32, #tpu.memory_space<vmem_shared>>
    tpu.enqueue_dma source(%arg6 : memref<128x128xf32, #tpu.memory_space<vmem>>) target(%dma_start3A_23 : memref<128x128xf32, #tpu.memory_space<vmem_shared>>) target_semaphore(%arg10 : memref<!tpu.dma_semaphore, #tpu.memory_space<semaphore_mem>>)
    %mul3A_24 = arith.constant 640 : i32
    %mul3A_25 = arith.muli %arg1, %mul3A_24 : i32
    %add3A_26 = arith.constant 128 : i32
    %add3A_27 = arith.addi %mul3A_25, %add3A_26 : i32
    %dma_start3A_28 = arith.constant 0 : i32
    %dma_start3A_29 = tpu.memref_slice %arg8[%add3A_27, %dma_start3A_28] : memref<10240x128xf32, #tpu.memory_space<vmem_shared>> -> memref<128x128xf32, #tpu.memory_space<vmem_shared>>
    %dma_start3A_30 = arith.constant 0 : i32
    %dma_start3A_31 = tpu.memref_slice %arg8[%add3A_27, %dma_start3A_30] : memref<10240x128xf32, #tpu.memory_space<vmem_shared>> -> memref<128x128xf32, #tpu.memory_space<vmem_shared>>
    tpu.enqueue_dma source(%arg6 : memref<128x128xf32, #tpu.memory_space<vmem>>) target(%dma_start3A_31 : memref<128x128xf32, #tpu.memory_space<vmem_shared>>) target_semaphore(%arg10 : memref<!tpu.dma_semaphore, #tpu.memory_space<semaphore_mem>>)
    %mul3A_32 = arith.constant 640 : i32
    %mul3A_33 = arith.muli %arg1, %mul3A_32 : i32
    %add3A_34 = arith.constant 256 : i32
    %add3A_35 = arith.addi %mul3A_33, %add3A_34 : i32
    %dma_start3A_36 = arith.constant 0 : i32
    %dma_start3A_37 = tpu.memref_slice %arg8[%add3A_35, %dma_start3A_36] : memref<10240x128xf32, #tpu.memory_space<vmem_shared>> -> memref<128x128xf32, #tpu.memory_space<vmem_shared>>
    %dma_start3A_38 = arith.constant 0 : i32
    %dma_start3A_39 = tpu.memref_slice %arg8[%add3A_35, %dma_start3A_38] : memref<10240x128xf32, #tpu.memory_space<vmem_shared>> -> memref<128x128xf32, #tpu.memory_space<vmem_shared>>
    tpu.enqueue_dma source(%arg6 : memref<128x128xf32, #tpu.memory_space<vmem>>) target(%dma_start3A_39 : memref<128x128xf32, #tpu.memory_space<vmem_shared>>) target_semaphore(%arg10 : memref<!tpu.dma_semaphore, #tpu.memory_space<semaphore_mem>>)
    %mul3A_40 = arith.constant 640 : i32
    %mul3A_41 = arith.muli %arg1, %mul3A_40 : i32
    %add3A_42 = arith.constant 384 : i32
    %add3A_43 = arith.addi %mul3A_41, %add3A_42 : i32
    %dma_start3A_44 = arith.constant 0 : i32
    %dma_start3A_45 = tpu.memref_slice %arg8[%add3A_43, %dma_start3A_44] : memref<10240x128xf32, #tpu.memory_space<vmem_shared>> -> memref<128x128xf32, #tpu.memory_space<vmem_shared>>
    %dma_start3A_46 = arith.constant 0 : i32
    %dma_start3A_47 = tpu.memref_slice %arg8[%add3A_43, %dma_start3A_46] : memref<10240x128xf32, #tpu.memory_space<vmem_shared>> -> memref<128x128xf32, #tpu.memory_space<vmem_shared>>
    tpu.enqueue_dma source(%arg6 : memref<128x128xf32, #tpu.memory_space<vmem>>) target(%dma_start3A_47 : memref<128x128xf32, #tpu.memory_space<vmem_shared>>) target_semaphore(%arg10 : memref<!tpu.dma_semaphore, #tpu.memory_space<semaphore_mem>>)
    %mul3A_48 = arith.constant 640 : i32
    %mul3A_49 = arith.muli %arg1, %mul3A_48 : i32
    %add3A_50 = arith.constant 512 : i32
    %add3A_51 = arith.addi %mul3A_49, %add3A_50 : i32
    %dma_start3A_52 = arith.constant 0 : i32
    %dma_start3A_53 = tpu.memref_slice %arg8[%add3A_51, %dma_start3A_52] : memref<10240x128xf32, #tpu.memory_space<vmem_shared>> -> memref<128x128xf32, #tpu.memory_space<vmem_shared>>
    %dma_start3A_54 = arith.constant 0 : i32
    %dma_start3A_55 = tpu.memref_slice %arg8[%add3A_51, %dma_start3A_54] : memref<10240x128xf32, #tpu.memory_space<vmem_shared>> -> memref<128x128xf32, #tpu.memory_space<vmem_shared>>
    tpu.enqueue_dma source(%arg6 : memref<128x128xf32, #tpu.memory_space<vmem>>) target(%dma_start3A_55 : memref<128x128xf32, #tpu.memory_space<vmem_shared>>) target_semaphore(%arg10 : memref<!tpu.dma_semaphore, #tpu.memory_space<semaphore_mem>>)
    %dma_wait3A = arith.constant 0 : i32
    %dma_wait3A_56 = tpu.memref_slice %arg8[%add3A_19, %dma_wait3A] : memref<10240x128xf32, #tpu.memory_space<vmem_shared>> -> memref<128x128xf32, #tpu.memory_space<vmem_shared>>
    %dma_wait3A_57 = arith.constant 0 : i32
    %dma_wait3A_58 = tpu.memref_slice %arg8[%add3A_19, %dma_wait3A_57] : memref<10240x128xf32, #tpu.memory_space<vmem_shared>> -> memref<128x128xf32, #tpu.memory_space<vmem_shared>>
    tpu.wait_dma2 semaphore(%arg10 : memref<!tpu.dma_semaphore, #tpu.memory_space<semaphore_mem>>) src(%arg6 : memref<128x128xf32, #tpu.memory_space<vmem>>) dst(%dma_wait3A_58 : memref<128x128xf32, #tpu.memory_space<vmem_shared>>)
    %dma_wait3A_59 = arith.constant 0 : i32
    %dma_wait3A_60 = tpu.memref_slice %arg8[%add3A_27, %dma_wait3A_59] : memref<10240x128xf32, #tpu.memory_space<vmem_shared>> -> memref<128x128xf32, #tpu.memory_space<vmem_shared>>
    %dma_wait3A_61 = arith.constant 0 : i32
    %dma_wait3A_62 = tpu.memref_slice %arg8[%add3A_27, %dma_wait3A_61] : memref<10240x128xf32, #tpu.memory_space<vmem_shared>> -> memref<128x128xf32, #tpu.memory_space<vmem_shared>>
    tpu.wait_dma2 semaphore(%arg10 : memref<!tpu.dma_semaphore, #tpu.memory_space<semaphore_mem>>) src(%arg6 : memref<128x128xf32, #tpu.memory_space<vmem>>) dst(%dma_wait3A_62 : memref<128x128xf32, #tpu.memory_space<vmem_shared>>)
    %dma_wait3A_63 = arith.constant 0 : i32
    %dma_wait3A_64 = tpu.memref_slice %arg8[%add3A_35, %dma_wait3A_63] : memref<10240x128xf32, #tpu.memory_space<vmem_shared>> -> memref<128x128xf32, #tpu.memory_space<vmem_shared>>
    %dma_wait3A_65 = arith.constant 0 : i32
    %dma_wait3A_66 = tpu.memref_slice %arg8[%add3A_35, %dma_wait3A_65] : memref<10240x128xf32, #tpu.memory_space<vmem_shared>> -> memref<128x128xf32, #tpu.memory_space<vmem_shared>>
    tpu.wait_dma2 semaphore(%arg10 : memref<!tpu.dma_semaphore, #tpu.memory_space<semaphore_mem>>) src(%arg6 : memref<128x128xf32, #tpu.memory_space<vmem>>) dst(%dma_wait3A_66 : memref<128x128xf32, #tpu.memory_space<vmem_shared>>)
    %dma_wait3A_67 = arith.constant 0 : i32
    %dma_wait3A_68 = tpu.memref_slice %arg8[%add3A_43, %dma_wait3A_67] : memref<10240x128xf32, #tpu.memory_space<vmem_shared>> -> memref<128x128xf32, #tpu.memory_space<vmem_shared>>
    %dma_wait3A_69 = arith.constant 0 : i32
    %dma_wait3A_70 = tpu.memref_slice %arg8[%add3A_43, %dma_wait3A_69] : memref<10240x128xf32, #tpu.memory_space<vmem_shared>> -> memref<128x128xf32, #tpu.memory_space<vmem_shared>>
    tpu.wait_dma2 semaphore(%arg10 : memref<!tpu.dma_semaphore, #tpu.memory_space<semaphore_mem>>) src(%arg6 : memref<128x128xf32, #tpu.memory_space<vmem>>) dst(%dma_wait3A_70 : memref<128x128xf32, #tpu.memory_space<vmem_shared>>)
    %dma_wait3A_71 = arith.constant 0 : i32
    %dma_wait3A_72 = tpu.memref_slice %arg8[%add3A_51, %dma_wait3A_71] : memref<10240x128xf32, #tpu.memory_space<vmem_shared>> -> memref<128x128xf32, #tpu.memory_space<vmem_shared>>
    %dma_wait3A_73 = arith.constant 0 : i32
    %dma_wait3A_74 = tpu.memref_slice %arg8[%add3A_51, %dma_wait3A_73] : memref<10240x128xf32, #tpu.memory_space<vmem_shared>> -> memref<128x128xf32, #tpu.memory_space<vmem_shared>>
    tpu.wait_dma2 semaphore(%arg10 : memref<!tpu.dma_semaphore, #tpu.memory_space<semaphore_mem>>) src(%arg6 : memref<128x128xf32, #tpu.memory_space<vmem>>) dst(%dma_wait3A_74 : memref<128x128xf32, #tpu.memory_space<vmem_shared>>)
    %dma_wait3A_75 = arith.constant 0 : i32
    %dma_wait3A_76 = arith.constant 0 : i32
    %dma_wait3A_77 = arith.constant 0 : i32
    %dma_wait3A_78 = arith.constant 0 : i32
    %dma_wait3A_79 = tpu.memref_slice %arg3[%add3A, %dma_wait3A_75, %dma_wait3A_76, %dma_wait3A_77, %dma_wait3A_78] : memref<32x2x2x42x128xi32, #tpu.memory_space<hbm>> -> memref<1x1x2x42x128xi32, #tpu.memory_space<hbm>>
    %dma_wait3A_80 = tpu.memref_squeeze %dma_wait3A_79 : memref<1x1x2x42x128xi32, #tpu.memory_space<hbm>> -> memref<2x42x128xi32, #tpu.memory_space<hbm>>
    %dma_wait3A_81 = arith.constant 0 : i32
    %dma_wait3A_82 = arith.constant 0 : i32
    %dma_wait3A_83 = arith.constant 0 : i32
    %dma_wait3A_84 = tpu.memref_slice %arg3[%add3A, %dma_wait3A_75, %dma_wait3A_81, %dma_wait3A_82, %dma_wait3A_83] : memref<32x2x2x42x128xi32, #tpu.memory_space<hbm>> -> memref<1x1x2x42x128xi32, #tpu.memory_space<hbm>>
    %dma_wait3A_85 = tpu.memref_squeeze %dma_wait3A_84 : memref<1x1x2x42x128xi32, #tpu.memory_space<hbm>> -> memref<2x42x128xi32, #tpu.memory_space<hbm>>
    tpu.wait_dma2 semaphore(%arg11 : memref<!tpu.dma_semaphore, #tpu.memory_space<semaphore_mem>>) src(%dma_wait3A_85 : memref<2x42x128xi32, #tpu.memory_space<hbm>>) dst(%arg5 : memref<2x42x128xi32, #tpu.memory_space<vmem>>)
    %dma_start3A_86 = arith.constant 0 : i32
    %dma_start3A_87 = arith.constant 0 : i32
    %dma_start3A_88 = arith.constant 0 : i32
    %dma_start3A_89 = tpu.memref_slice %arg5[%dma_start3A_86, %dma_start3A_87, %dma_start3A_88] : memref<2x42x128xi32, #tpu.memory_space<vmem>> -> memref<1x1x128xi32, #tpu.memory_space<vmem>>
    %dma_start3A_90 = tpu.memref_squeeze %dma_start3A_89 : memref<1x1x128xi32, #tpu.memory_space<vmem>> -> memref<128xi32, #tpu.memory_space<vmem>>
    %dma_start3A_91 = arith.constant 0 : i32
    %dma_start3A_92 = arith.constant 0 : i32
    %dma_start3A_93 = tpu.memref_slice %arg2[%dma_start3A_91, %dma_start3A_92] : memref<10000x128xf32, #tpu.memory_space<hbm>> -> memref<10000x128xf32, #tpu.memory_space<hbm>>
    tpu.enqueue_indirect_dma source(%dma_start3A_93 : memref<10000x128xf32, #tpu.memory_space<hbm>>) target(%arg6 : memref<128x128xf32, #tpu.memory_space<vmem>>) offsets(%dma_start3A_90 : memref<128xi32, #tpu.memory_space<vmem>>) semaphore(%arg9 : memref<!tpu.dma_semaphore, #tpu.memory_space<semaphore_mem>>)
    %dma_start3A_94 = arith.constant 0 : i32
    %dma_start3A_95 = arith.constant 1 : i32
    %dma_start3A_96 = arith.constant 0 : i32
    %dma_start3A_97 = tpu.memref_slice %arg5[%dma_start3A_94, %dma_start3A_95, %dma_start3A_96] : memref<2x42x128xi32, #tpu.memory_space<vmem>> -> memref<1x1x128xi32, #tpu.memory_space<vmem>>
    %dma_start3A_98 = tpu.memref_squeeze %dma_start3A_97 : memref<1x1x128xi32, #tpu.memory_space<vmem>> -> memref<128xi32, #tpu.memory_space<vmem>>
    %dma_start3A_99 = arith.constant 0 : i32
    %dma_start3A_100 = arith.constant 0 : i32
    %dma_start3A_101 = tpu.memref_slice %arg2[%dma_start3A_99, %dma_start3A_100] : memref<10000x128xf32, #tpu.memory_space<hbm>> -> memref<10000x128xf32, #tpu.memory_space<hbm>>
    tpu.enqueue_indirect_dma source(%dma_start3A_101 : memref<10000x128xf32, #tpu.memory_space<hbm>>) target(%arg7 : memref<128x128xf32, #tpu.memory_space<vmem>>) offsets(%dma_start3A_98 : memref<128xi32, #tpu.memory_space<vmem>>) semaphore(%arg10 : memref<!tpu.dma_semaphore, #tpu.memory_space<semaphore_mem>>)
    %barrier3A = arith.constant 0 : index
    tpu.barrier barrier_id(%barrier3A)
    %scan3A_102 = arith.constant 0 : i32
    %scan3A_103 = arith.constant 0 : i32
    %scan3A_104 = arith.constant 20 : i32
    %scan3A_105 = arith.addi %scan3A_103, %scan3A_104 : i32
    %scan3A_106 = arith.constant 1 : i32
    scf.for %scan3A_165 = %scan3A_103 to %scan3A_105 step %scan3A_106  : i32 {
      %mul3A_166 = arith.constant 2 : i32
      %mul3A_167 = arith.muli %mul3A_166, %scan3A_165 : i32
      %dma_wait3A_168 = arith.constant 0 : i32
      %dma_wait3A_169 = arith.constant 0 : i32
      %dma_wait3A_170 = tpu.memref_slice %arg5[%dma_wait3A_168, %mul3A_167, %dma_wait3A_169] : memref<2x42x128xi32, #tpu.memory_space<vmem>> -> memref<1x1x128xi32, #tpu.memory_space<vmem>>
      %dma_wait3A_171 = tpu.memref_squeeze %dma_wait3A_170 : memref<1x1x128xi32, #tpu.memory_space<vmem>> -> memref<128xi32, #tpu.memory_space<vmem>>
      %dma_wait3A_172 = arith.constant 0 : i32
      %dma_wait3A_173 = arith.constant 0 : i32
      %dma_wait3A_174 = tpu.memref_slice %arg2[%dma_wait3A_172, %dma_wait3A_173] : memref<10000x128xf32, #tpu.memory_space<hbm>> -> memref<10000x128xf32, #tpu.memory_space<hbm>>
      tpu.wait_indirect_dma semaphore(%arg9 : memref<!tpu.dma_semaphore, #tpu.memory_space<semaphore_mem>>) src(%dma_wait3A_174 : memref<10000x128xf32, #tpu.memory_space<hbm>>) dst(%arg6 : memref<128x128xf32, #tpu.memory_space<vmem>>)
      %run_scoped3A_175 = arith.constant 1 : i32
      "tpu.region"() ({
        %run_scoped3A_206 = tpu.sem_alloc : memref<!tpu.dma_semaphore, #tpu.memory_space<semaphore_mem>>
        %dma_start3A_207 = arith.constant 0 : i32
        %dma_start3A_208 = tpu.memref_slice %arg5[%run_scoped3A_175, %mul3A_167, %dma_start3A_207] : memref<2x42x128xi32, #tpu.memory_space<vmem>> -> memref<1x1x128xi32, #tpu.memory_space<vmem>>
        %dma_start3A_209 = tpu.memref_squeeze %dma_start3A_208 : memref<1x1x128xi32, #tpu.memory_space<vmem>> -> memref<128xi32, #tpu.memory_space<vmem>>
        %dma_start3A_210 = arith.constant 0 : i32
        %dma_start3A_211 = arith.constant 0 : i32
        %dma_start3A_212 = tpu.memref_slice %arg8[%dma_start3A_210, %dma_start3A_211] : memref<10240x128xf32, #tpu.memory_space<vmem_shared>> -> memref<10240x128xf32, #tpu.memory_space<vmem_shared>>
        tpu.enqueue_indirect_dma source(%arg6 : memref<128x128xf32, #tpu.memory_space<vmem>>) target(%dma_start3A_212 : memref<10240x128xf32, #tpu.memory_space<vmem_shared>>) offsets(%dma_start3A_209 : memref<128xi32, #tpu.memory_space<vmem>>) semaphore(%run_scoped3A_206 : memref<!tpu.dma_semaphore, #tpu.memory_space<semaphore_mem>>) {add = true}
        %dma_wait3A_213 = arith.constant 0 : i32
        %dma_wait3A_214 = tpu.memref_slice %arg5[%run_scoped3A_175, %mul3A_167, %dma_wait3A_213] : memref<2x42x128xi32, #tpu.memory_space<vmem>> -> memref<1x1x128xi32, #tpu.memory_space<vmem>>
        %dma_wait3A_215 = tpu.memref_squeeze %dma_wait3A_214 : memref<1x1x128xi32, #tpu.memory_space<vmem>> -> memref<128xi32, #tpu.memory_space<vmem>>
        %dma_wait3A_216 = arith.constant 0 : i32
        %dma_wait3A_217 = arith.constant 0 : i32
        %dma_wait3A_218 = tpu.memref_slice %arg8[%dma_wait3A_216, %dma_wait3A_217] : memref<10240x128xf32, #tpu.memory_space<vmem_shared>> -> memref<10240x128xf32, #tpu.memory_space<vmem_shared>>
        tpu.wait_indirect_dma semaphore(%run_scoped3A_206 : memref<!tpu.dma_semaphore, #tpu.memory_space<semaphore_mem>>) src(%arg6 : memref<128x128xf32, #tpu.memory_space<vmem>>) dst(%dma_wait3A_218 : memref<10240x128xf32, #tpu.memory_space<vmem_shared>>)
        tpu.yield
      }) : () -> ()
      %add3A_176 = arith.constant 2 : i32
      %add3A_177 = arith.addi %mul3A_167, %add3A_176 : i32
      %dma_start3A_178 = arith.constant 0 : i32
      %dma_start3A_179 = arith.constant 0 : i32
      %dma_start3A_180 = tpu.memref_slice %arg5[%dma_start3A_178, %add3A_177, %dma_start3A_179] : memref<2x42x128xi32, #tpu.memory_space<vmem>> -> memref<1x1x128xi32, #tpu.memory_space<vmem>>
      %dma_start3A_181 = tpu.memref_squeeze %dma_start3A_180 : memref<1x1x128xi32, #tpu.memory_space<vmem>> -> memref<128xi32, #tpu.memory_space<vmem>>
      %dma_start3A_182 = arith.constant 0 : i32
      %dma_start3A_183 = arith.constant 0 : i32
      %dma_start3A_184 = tpu.memref_slice %arg2[%dma_start3A_182, %dma_start3A_183] : memref<10000x128xf32, #tpu.memory_space<hbm>> -> memref<10000x128xf32, #tpu.memory_space<hbm>>
      tpu.enqueue_indirect_dma source(%dma_start3A_184 : memref<10000x128xf32, #tpu.memory_space<hbm>>) target(%arg6 : memref<128x128xf32, #tpu.memory_space<vmem>>) offsets(%dma_start3A_181 : memref<128xi32, #tpu.memory_space<vmem>>) semaphore(%arg9 : memref<!tpu.dma_semaphore, #tpu.memory_space<semaphore_mem>>)
      %add3A_185 = arith.constant 1 : i32
      %add3A_186 = arith.addi %mul3A_167, %add3A_185 : i32
      %dma_wait3A_187 = arith.constant 0 : i32
      %dma_wait3A_188 = arith.constant 0 : i32
      %dma_wait3A_189 = tpu.memref_slice %arg5[%dma_wait3A_187, %add3A_186, %dma_wait3A_188] : memref<2x42x128xi32, #tpu.memory_space<vmem>> -> memref<1x1x128xi32, #tpu.memory_space<vmem>>
      %dma_wait3A_190 = tpu.memref_squeeze %dma_wait3A_189 : memref<1x1x128xi32, #tpu.memory_space<vmem>> -> memref<128xi32, #tpu.memory_space<vmem>>
      %dma_wait3A_191 = arith.constant 0 : i32
      %dma_wait3A_192 = arith.constant 0 : i32
      %dma_wait3A_193 = tpu.memref_slice %arg2[%dma_wait3A_191, %dma_wait3A_192] : memref<10000x128xf32, #tpu.memory_space<hbm>> -> memref<10000x128xf32, #tpu.memory_space<hbm>>
      tpu.wait_indirect_dma semaphore(%arg10 : memref<!tpu.dma_semaphore, #tpu.memory_space<semaphore_mem>>) src(%dma_wait3A_193 : memref<10000x128xf32, #tpu.memory_space<hbm>>) dst(%arg7 : memref<128x128xf32, #tpu.memory_space<vmem>>)
      %add3A_194 = arith.constant 1 : i32
      %add3A_195 = arith.addi %mul3A_167, %add3A_194 : i32
      %run_scoped3A_196 = arith.constant 1 : i32
      "tpu.region"() ({
        %run_scoped3A_206 = tpu.sem_alloc : memref<!tpu.dma_semaphore, #tpu.memory_space<semaphore_mem>>
        %dma_start3A_207 = arith.constant 0 : i32
        %dma_start3A_208 = tpu.memref_slice %arg5[%run_scoped3A_196, %add3A_195, %dma_start3A_207] : memref<2x42x128xi32, #tpu.memory_space<vmem>> -> memref<1x1x128xi32, #tpu.memory_space<vmem>>
        %dma_start3A_209 = tpu.memref_squeeze %dma_start3A_208 : memref<1x1x128xi32, #tpu.memory_space<vmem>> -> memref<128xi32, #tpu.memory_space<vmem>>
        %dma_start3A_210 = arith.constant 0 : i32
        %dma_start3A_211 = arith.constant 0 : i32
        %dma_start3A_212 = tpu.memref_slice %arg8[%dma_start3A_210, %dma_start3A_211] : memref<10240x128xf32, #tpu.memory_space<vmem_shared>> -> memref<10240x128xf32, #tpu.memory_space<vmem_shared>>
        tpu.enqueue_indirect_dma source(%arg7 : memref<128x128xf32, #tpu.memory_space<vmem>>) target(%dma_start3A_212 : memref<10240x128xf32, #tpu.memory_space<vmem_shared>>) offsets(%dma_start3A_209 : memref<128xi32, #tpu.memory_space<vmem>>) semaphore(%run_scoped3A_206 : memref<!tpu.dma_semaphore, #tpu.memory_space<semaphore_mem>>) {add = true}
        %dma_wait3A_213 = arith.constant 0 : i32
        %dma_wait3A_214 = tpu.memref_slice %arg5[%run_scoped3A_196, %add3A_195, %dma_wait3A_213] : memref<2x42x128xi32, #tpu.memory_space<vmem>> -> memref<1x1x128xi32, #tpu.memory_space<vmem>>
        %dma_wait3A_215 = tpu.memref_squeeze %dma_wait3A_214 : memref<1x1x128xi32, #tpu.memory_space<vmem>> -> memref<128xi32, #tpu.memory_space<vmem>>
        %dma_wait3A_216 = arith.constant 0 : i32
        %dma_wait3A_217 = arith.constant 0 : i32
        %dma_wait3A_218 = tpu.memref_slice %arg8[%dma_wait3A_216, %dma_wait3A_217] : memref<10240x128xf32, #tpu.memory_space<vmem_shared>> -> memref<10240x128xf32, #tpu.memory_space<vmem_shared>>
        tpu.wait_indirect_dma semaphore(%run_scoped3A_206 : memref<!tpu.dma_semaphore, #tpu.memory_space<semaphore_mem>>) src(%arg7 : memref<128x128xf32, #tpu.memory_space<vmem>>) dst(%dma_wait3A_218 : memref<10240x128xf32, #tpu.memory_space<vmem_shared>>)
        tpu.yield
      }) : () -> ()
      %add3A_197 = arith.constant 3 : i32
      %add3A_198 = arith.addi %mul3A_167, %add3A_197 : i32
      %dma_start3A_199 = arith.constant 0 : i32
      %dma_start3A_200 = arith.constant 0 : i32
      %dma_start3A_201 = tpu.memref_slice %arg5[%dma_start3A_199, %add3A_198, %dma_start3A_200] : memref<2x42x128xi32, #tpu.memory_space<vmem>> -> memref<1x1x128xi32, #tpu.memory_space<vmem>>
      %dma_start3A_202 = tpu.memref_squeeze %dma_start3A_201 : memref<1x1x128xi32, #tpu.memory_space<vmem>> -> memref<128xi32, #tpu.memory_space<vmem>>
      %dma_start3A_203 = arith.constant 0 : i32
      %dma_start3A_204 = arith.constant 0 : i32
      %dma_start3A_205 = tpu.memref_slice %arg2[%dma_start3A_203, %dma_start3A_204] : memref<10000x128xf32, #tpu.memory_space<hbm>> -> memref<10000x128xf32, #tpu.memory_space<hbm>>
      tpu.enqueue_indirect_dma source(%dma_start3A_205 : memref<10000x128xf32, #tpu.memory_space<hbm>>) target(%arg7 : memref<128x128xf32, #tpu.memory_space<vmem>>) offsets(%dma_start3A_202 : memref<128xi32, #tpu.memory_space<vmem>>) semaphore(%arg10 : memref<!tpu.dma_semaphore, #tpu.memory_space<semaphore_mem>>)
    }
    %scan3A_107 = arith.constant 20 : i32
    %dma_wait3A_108 = arith.constant 0 : i32
    %dma_wait3A_109 = arith.constant 40 : i32
    %dma_wait3A_110 = arith.constant 0 : i32
    %dma_wait3A_111 = tpu.memref_slice %arg5[%dma_wait3A_108, %dma_wait3A_109, %dma_wait3A_110] : memref<2x42x128xi32, #tpu.memory_space<vmem>> -> memref<1x1x128xi32, #tpu.memory_space<vmem>>
    %dma_wait3A_112 = tpu.memref_squeeze %dma_wait3A_111 : memref<1x1x128xi32, #tpu.memory_space<vmem>> -> memref<128xi32, #tpu.memory_space<vmem>>
    %dma_wait3A_113 = arith.constant 0 : i32
    %dma_wait3A_114 = arith.constant 0 : i32
    %dma_wait3A_115 = tpu.memref_slice %arg2[%dma_wait3A_113, %dma_wait3A_114] : memref<10000x128xf32, #tpu.memory_space<hbm>> -> memref<10000x128xf32, #tpu.memory_space<hbm>>
    tpu.wait_indirect_dma semaphore(%arg9 : memref<!tpu.dma_semaphore, #tpu.memory_space<semaphore_mem>>) src(%dma_wait3A_115 : memref<10000x128xf32, #tpu.memory_space<hbm>>) dst(%arg6 : memref<128x128xf32, #tpu.memory_space<vmem>>)
    %dma_wait3A_116 = arith.constant 0 : i32
    %dma_wait3A_117 = arith.constant 41 : i32
    %dma_wait3A_118 = arith.constant 0 : i32
    %dma_wait3A_119 = tpu.memref_slice %arg5[%dma_wait3A_116, %dma_wait3A_117, %dma_wait3A_118] : memref<2x42x128xi32, #tpu.memory_space<vmem>> -> memref<1x1x128xi32, #tpu.memory_space<vmem>>
    %dma_wait3A_120 = tpu.memref_squeeze %dma_wait3A_119 : memref<1x1x128xi32, #tpu.memory_space<vmem>> -> memref<128xi32, #tpu.memory_space<vmem>>
    %dma_wait3A_121 = arith.constant 0 : i32
    %dma_wait3A_122 = arith.constant 0 : i32
    %dma_wait3A_123 = tpu.memref_slice %arg2[%dma_wait3A_121, %dma_wait3A_122] : memref<10000x128xf32, #tpu.memory_space<hbm>> -> memref<10000x128xf32, #tpu.memory_space<hbm>>
    tpu.wait_indirect_dma semaphore(%arg10 : memref<!tpu.dma_semaphore, #tpu.memory_space<semaphore_mem>>) src(%dma_wait3A_123 : memref<10000x128xf32, #tpu.memory_space<hbm>>) dst(%arg7 : memref<128x128xf32, #tpu.memory_space<vmem>>)
    %run_scoped3A = arith.constant 1 : i32
    "tpu.region"() ({
      %run_scoped3A_165 = tpu.sem_alloc : memref<!tpu.dma_semaphore, #tpu.memory_space<semaphore_mem>>
      %dma_start3A_166 = arith.constant 0 : i32
      %dma_start3A_167 = arith.constant 0 : i32
      %dma_start3A_168 = arith.constant 0 : i32
      %dma_start3A_169 = tpu.memref_slice %arg3[%add3A, %run_scoped3A, %dma_start3A_166, %dma_start3A_167, %dma_start3A_168] : memref<32x2x2x42x128xi32, #tpu.memory_space<hbm>> -> memref<1x1x2x42x128xi32, #tpu.memory_space<hbm>>
      %dma_start3A_170 = tpu.memref_squeeze %dma_start3A_169 : memref<1x1x2x42x128xi32, #tpu.memory_space<hbm>> -> memref<2x42x128xi32, #tpu.memory_space<hbm>>
      %dma_start3A_171 = arith.constant 0 : i32
      %dma_start3A_172 = arith.constant 0 : i32
      %dma_start3A_173 = arith.constant 0 : i32
      %dma_start3A_174 = tpu.memref_slice %arg3[%add3A, %run_scoped3A, %dma_start3A_171, %dma_start3A_172, %dma_start3A_173] : memref<32x2x2x42x128xi32, #tpu.memory_space<hbm>> -> memref<1x1x2x42x128xi32, #tpu.memory_space<hbm>>
      %dma_start3A_175 = tpu.memref_squeeze %dma_start3A_174 : memref<1x1x2x42x128xi32, #tpu.memory_space<hbm>> -> memref<2x42x128xi32, #tpu.memory_space<hbm>>
      tpu.enqueue_dma source(%dma_start3A_175 : memref<2x42x128xi32, #tpu.memory_space<hbm>>) target(%arg5 : memref<2x42x128xi32, #tpu.memory_space<vmem>>) target_semaphore(%run_scoped3A_165 : memref<!tpu.dma_semaphore, #tpu.memory_space<semaphore_mem>>)
      %dma_wait3A_176 = arith.constant 0 : i32
      %dma_wait3A_177 = arith.constant 0 : i32
      %dma_wait3A_178 = arith.constant 0 : i32
      %dma_wait3A_179 = tpu.memref_slice %arg3[%add3A, %run_scoped3A, %dma_wait3A_176, %dma_wait3A_177, %dma_wait3A_178] : memref<32x2x2x42x128xi32, #tpu.memory_space<hbm>> -> memref<1x1x2x42x128xi32, #tpu.memory_space<hbm>>
      %dma_wait3A_180 = tpu.memref_squeeze %dma_wait3A_179 : memref<1x1x2x42x128xi32, #tpu.memory_space<hbm>> -> memref<2x42x128xi32, #tpu.memory_space<hbm>>
      %dma_wait3A_181 = arith.constant 0 : i32
      %dma_wait3A_182 = arith.constant 0 : i32
      %dma_wait3A_183 = arith.constant 0 : i32
      %dma_wait3A_184 = tpu.memref_slice %arg3[%add3A, %run_scoped3A, %dma_wait3A_181, %dma_wait3A_182, %dma_wait3A_183] : memref<32x2x2x42x128xi32, #tpu.memory_space<hbm>> -> memref<1x1x2x42x128xi32, #tpu.memory_space<hbm>>
      %dma_wait3A_185 = tpu.memref_squeeze %dma_wait3A_184 : memref<1x1x2x42x128xi32, #tpu.memory_space<hbm>> -> memref<2x42x128xi32, #tpu.memory_space<hbm>>
      tpu.wait_dma2 semaphore(%run_scoped3A_165 : memref<!tpu.dma_semaphore, #tpu.memory_space<semaphore_mem>>) src(%dma_wait3A_185 : memref<2x42x128xi32, #tpu.memory_space<hbm>>) dst(%arg5 : memref<2x42x128xi32, #tpu.memory_space<vmem>>)
      tpu.yield
    }) : () -> ()
    %dma_start3A_124 = arith.constant 0 : i32
    %dma_start3A_125 = arith.constant 0 : i32
    %dma_start3A_126 = arith.constant 0 : i32
    %dma_start3A_127 = tpu.memref_slice %arg5[%dma_start3A_124, %dma_start3A_125, %dma_start3A_126] : memref<2x42x128xi32, #tpu.memory_space<vmem>> -> memref<1x1x128xi32, #tpu.memory_space<vmem>>
    %dma_start3A_128 = tpu.memref_squeeze %dma_start3A_127 : memref<1x1x128xi32, #tpu.memory_space<vmem>> -> memref<128xi32, #tpu.memory_space<vmem>>
    %dma_start3A_129 = arith.constant 0 : i32
    %dma_start3A_130 = arith.constant 0 : i32
    %dma_start3A_131 = tpu.memref_slice %arg2[%dma_start3A_129, %dma_start3A_130] : memref<10000x128xf32, #tpu.memory_space<hbm>> -> memref<10000x128xf32, #tpu.memory_space<hbm>>
    tpu.enqueue_indirect_dma source(%dma_start3A_131 : memref<10000x128xf32, #tpu.memory_space<hbm>>) target(%arg6 : memref<128x128xf32, #tpu.memory_space<vmem>>) offsets(%dma_start3A_128 : memref<128xi32, #tpu.memory_space<vmem>>) semaphore(%arg9 : memref<!tpu.dma_semaphore, #tpu.memory_space<semaphore_mem>>)
    %dma_start3A_132 = arith.constant 0 : i32
    %dma_start3A_133 = arith.constant 1 : i32
    %dma_start3A_134 = arith.constant 0 : i32
    %dma_start3A_135 = tpu.memref_slice %arg5[%dma_start3A_132, %dma_start3A_133, %dma_start3A_134] : memref<2x42x128xi32, #tpu.memory_space<vmem>> -> memref<1x1x128xi32, #tpu.memory_space<vmem>>
    %dma_start3A_136 = tpu.memref_squeeze %dma_start3A_135 : memref<1x1x128xi32, #tpu.memory_space<vmem>> -> memref<128xi32, #tpu.memory_space<vmem>>
    %dma_start3A_137 = arith.constant 0 : i32
    %dma_start3A_138 = arith.constant 0 : i32
    %dma_start3A_139 = tpu.memref_slice %arg2[%dma_start3A_137, %dma_start3A_138] : memref<10000x128xf32, #tpu.memory_space<hbm>> -> memref<10000x128xf32, #tpu.memory_space<hbm>>
    tpu.enqueue_indirect_dma source(%dma_start3A_139 : memref<10000x128xf32, #tpu.memory_space<hbm>>) target(%arg7 : memref<128x128xf32, #tpu.memory_space<vmem>>) offsets(%dma_start3A_136 : memref<128xi32, #tpu.memory_space<vmem>>) semaphore(%arg10 : memref<!tpu.dma_semaphore, #tpu.memory_space<semaphore_mem>>)
    %scan3A_140 = arith.constant 0 : i32
    %scan3A_141 = arith.constant 0 : i32
    %scan3A_142 = arith.constant 20 : i32
    %scan3A_143 = arith.addi %scan3A_141, %scan3A_142 : i32
    %scan3A_144 = arith.constant 1 : i32
    scf.for %scan3A_165 = %scan3A_141 to %scan3A_143 step %scan3A_144  : i32 {
      %mul3A_166 = arith.constant 2 : i32
      %mul3A_167 = arith.muli %mul3A_166, %scan3A_165 : i32
      %dma_wait3A_168 = arith.constant 0 : i32
      %dma_wait3A_169 = arith.constant 0 : i32
      %dma_wait3A_170 = tpu.memref_slice %arg5[%dma_wait3A_168, %mul3A_167, %dma_wait3A_169] : memref<2x42x128xi32, #tpu.memory_space<vmem>> -> memref<1x1x128xi32, #tpu.memory_space<vmem>>
      %dma_wait3A_171 = tpu.memref_squeeze %dma_wait3A_170 : memref<1x1x128xi32, #tpu.memory_space<vmem>> -> memref<128xi32, #tpu.memory_space<vmem>>
      %dma_wait3A_172 = arith.constant 0 : i32
      %dma_wait3A_173 = arith.constant 0 : i32
      %dma_wait3A_174 = tpu.memref_slice %arg2[%dma_wait3A_172, %dma_wait3A_173] : memref<10000x128xf32, #tpu.memory_space<hbm>> -> memref<10000x128xf32, #tpu.memory_space<hbm>>
      tpu.wait_indirect_dma semaphore(%arg9 : memref<!tpu.dma_semaphore, #tpu.memory_space<semaphore_mem>>) src(%dma_wait3A_174 : memref<10000x128xf32, #tpu.memory_space<hbm>>) dst(%arg6 : memref<128x128xf32, #tpu.memory_space<vmem>>)
      %run_scoped3A_175 = arith.constant 1 : i32
      "tpu.region"() ({
        %run_scoped3A_206 = tpu.sem_alloc : memref<!tpu.dma_semaphore, #tpu.memory_space<semaphore_mem>>
        %dma_start3A_207 = arith.constant 0 : i32
        %dma_start3A_208 = tpu.memref_slice %arg5[%run_scoped3A_175, %mul3A_167, %dma_start3A_207] : memref<2x42x128xi32, #tpu.memory_space<vmem>> -> memref<1x1x128xi32, #tpu.memory_space<vmem>>
        %dma_start3A_209 = tpu.memref_squeeze %dma_start3A_208 : memref<1x1x128xi32, #tpu.memory_space<vmem>> -> memref<128xi32, #tpu.memory_space<vmem>>
        %dma_start3A_210 = arith.constant 0 : i32
        %dma_start3A_211 = arith.constant 0 : i32
        %dma_start3A_212 = tpu.memref_slice %arg8[%dma_start3A_210, %dma_start3A_211] : memref<10240x128xf32, #tpu.memory_space<vmem_shared>> -> memref<10240x128xf32, #tpu.memory_space<vmem_shared>>
        tpu.enqueue_indirect_dma source(%arg6 : memref<128x128xf32, #tpu.memory_space<vmem>>) target(%dma_start3A_212 : memref<10240x128xf32, #tpu.memory_space<vmem_shared>>) offsets(%dma_start3A_209 : memref<128xi32, #tpu.memory_space<vmem>>) semaphore(%run_scoped3A_206 : memref<!tpu.dma_semaphore, #tpu.memory_space<semaphore_mem>>) {add = true}
        %dma_wait3A_213 = arith.constant 0 : i32
        %dma_wait3A_214 = tpu.memref_slice %arg5[%run_scoped3A_175, %mul3A_167, %dma_wait3A_213] : memref<2x42x128xi32, #tpu.memory_space<vmem>> -> memref<1x1x128xi32, #tpu.memory_space<vmem>>
        %dma_wait3A_215 = tpu.memref_squeeze %dma_wait3A_214 : memref<1x1x128xi32, #tpu.memory_space<vmem>> -> memref<128xi32, #tpu.memory_space<vmem>>
        %dma_wait3A_216 = arith.constant 0 : i32
        %dma_wait3A_217 = arith.constant 0 : i32
        %dma_wait3A_218 = tpu.memref_slice %arg8[%dma_wait3A_216, %dma_wait3A_217] : memref<10240x128xf32, #tpu.memory_space<vmem_shared>> -> memref<10240x128xf32, #tpu.memory_space<vmem_shared>>
        tpu.wait_indirect_dma semaphore(%run_scoped3A_206 : memref<!tpu.dma_semaphore, #tpu.memory_space<semaphore_mem>>) src(%arg6 : memref<128x128xf32, #tpu.memory_space<vmem>>) dst(%dma_wait3A_218 : memref<10240x128xf32, #tpu.memory_space<vmem_shared>>)
        tpu.yield
      }) : () -> ()
      %add3A_176 = arith.constant 2 : i32
      %add3A_177 = arith.addi %mul3A_167, %add3A_176 : i32
      %dma_start3A_178 = arith.constant 0 : i32
      %dma_start3A_179 = arith.constant 0 : i32
      %dma_start3A_180 = tpu.memref_slice %arg5[%dma_start3A_178, %add3A_177, %dma_start3A_179] : memref<2x42x128xi32, #tpu.memory_space<vmem>> -> memref<1x1x128xi32, #tpu.memory_space<vmem>>
      %dma_start3A_181 = tpu.memref_squeeze %dma_start3A_180 : memref<1x1x128xi32, #tpu.memory_space<vmem>> -> memref<128xi32, #tpu.memory_space<vmem>>
      %dma_start3A_182 = arith.constant 0 : i32
      %dma_start3A_183 = arith.constant 0 : i32
      %dma_start3A_184 = tpu.memref_slice %arg2[%dma_start3A_182, %dma_start3A_183] : memref<10000x128xf32, #tpu.memory_space<hbm>> -> memref<10000x128xf32, #tpu.memory_space<hbm>>
      tpu.enqueue_indirect_dma source(%dma_start3A_184 : memref<10000x128xf32, #tpu.memory_space<hbm>>) target(%arg6 : memref<128x128xf32, #tpu.memory_space<vmem>>) offsets(%dma_start3A_181 : memref<128xi32, #tpu.memory_space<vmem>>) semaphore(%arg9 : memref<!tpu.dma_semaphore, #tpu.memory_space<semaphore_mem>>)
      %add3A_185 = arith.constant 1 : i32
      %add3A_186 = arith.addi %mul3A_167, %add3A_185 : i32
      %dma_wait3A_187 = arith.constant 0 : i32
      %dma_wait3A_188 = arith.constant 0 : i32
      %dma_wait3A_189 = tpu.memref_slice %arg5[%dma_wait3A_187, %add3A_186, %dma_wait3A_188] : memref<2x42x128xi32, #tpu.memory_space<vmem>> -> memref<1x1x128xi32, #tpu.memory_space<vmem>>
      %dma_wait3A_190 = tpu.memref_squeeze %dma_wait3A_189 : memref<1x1x128xi32, #tpu.memory_space<vmem>> -> memref<128xi32, #tpu.memory_space<vmem>>
      %dma_wait3A_191 = arith.constant 0 : i32
      %dma_wait3A_192 = arith.constant 0 : i32
      %dma_wait3A_193 = tpu.memref_slice %arg2[%dma_wait3A_191, %dma_wait3A_192] : memref<10000x128xf32, #tpu.memory_space<hbm>> -> memref<10000x128xf32, #tpu.memory_space<hbm>>
      tpu.wait_indirect_dma semaphore(%arg10 : memref<!tpu.dma_semaphore, #tpu.memory_space<semaphore_mem>>) src(%dma_wait3A_193 : memref<10000x128xf32, #tpu.memory_space<hbm>>) dst(%arg7 : memref<128x128xf32, #tpu.memory_space<vmem>>)
      %add3A_194 = arith.constant 1 : i32
      %add3A_195 = arith.addi %mul3A_167, %add3A_194 : i32
      %run_scoped3A_196 = arith.constant 1 : i32
      "tpu.region"() ({
        %run_scoped3A_206 = tpu.sem_alloc : memref<!tpu.dma_semaphore, #tpu.memory_space<semaphore_mem>>
        %dma_start3A_207 = arith.constant 0 : i32
        %dma_start3A_208 = tpu.memref_slice %arg5[%run_scoped3A_196, %add3A_195, %dma_start3A_207] : memref<2x42x128xi32, #tpu.memory_space<vmem>> -> memref<1x1x128xi32, #tpu.memory_space<vmem>>
        %dma_start3A_209 = tpu.memref_squeeze %dma_start3A_208 : memref<1x1x128xi32, #tpu.memory_space<vmem>> -> memref<128xi32, #tpu.memory_space<vmem>>
        %dma_start3A_210 = arith.constant 0 : i32
        %dma_start3A_211 = arith.constant 0 : i32
        %dma_start3A_212 = tpu.memref_slice %arg8[%dma_start3A_210, %dma_start3A_211] : memref<10240x128xf32, #tpu.memory_space<vmem_shared>> -> memref<10240x128xf32, #tpu.memory_space<vmem_shared>>
        tpu.enqueue_indirect_dma source(%arg7 : memref<128x128xf32, #tpu.memory_space<vmem>>) target(%dma_start3A_212 : memref<10240x128xf32, #tpu.memory_space<vmem_shared>>) offsets(%dma_start3A_209 : memref<128xi32, #tpu.memory_space<vmem>>) semaphore(%run_scoped3A_206 : memref<!tpu.dma_semaphore, #tpu.memory_space<semaphore_mem>>) {add = true}
        %dma_wait3A_213 = arith.constant 0 : i32
        %dma_wait3A_214 = tpu.memref_slice %arg5[%run_scoped3A_196, %add3A_195, %dma_wait3A_213] : memref<2x42x128xi32, #tpu.memory_space<vmem>> -> memref<1x1x128xi32, #tpu.memory_space<vmem>>
        %dma_wait3A_215 = tpu.memref_squeeze %dma_wait3A_214 : memref<1x1x128xi32, #tpu.memory_space<vmem>> -> memref<128xi32, #tpu.memory_space<vmem>>
        %dma_wait3A_216 = arith.constant 0 : i32
        %dma_wait3A_217 = arith.constant 0 : i32
        %dma_wait3A_218 = tpu.memref_slice %arg8[%dma_wait3A_216, %dma_wait3A_217] : memref<10240x128xf32, #tpu.memory_space<vmem_shared>> -> memref<10240x128xf32, #tpu.memory_space<vmem_shared>>
        tpu.wait_indirect_dma semaphore(%run_scoped3A_206 : memref<!tpu.dma_semaphore, #tpu.memory_space<semaphore_mem>>) src(%arg7 : memref<128x128xf32, #tpu.memory_space<vmem>>) dst(%dma_wait3A_218 : memref<10240x128xf32, #tpu.memory_space<vmem_shared>>)
        tpu.yield
      }) : () -> ()
      %add3A_197 = arith.constant 3 : i32
      %add3A_198 = arith.addi %mul3A_167, %add3A_197 : i32
      %dma_start3A_199 = arith.constant 0 : i32
      %dma_start3A_200 = arith.constant 0 : i32
      %dma_start3A_201 = tpu.memref_slice %arg5[%dma_start3A_199, %add3A_198, %dma_start3A_200] : memref<2x42x128xi32, #tpu.memory_space<vmem>> -> memref<1x1x128xi32, #tpu.memory_space<vmem>>
      %dma_start3A_202 = tpu.memref_squeeze %dma_start3A_201 : memref<1x1x128xi32, #tpu.memory_space<vmem>> -> memref<128xi32, #tpu.memory_space<vmem>>
      %dma_start3A_203 = arith.constant 0 : i32
      %dma_start3A_204 = arith.constant 0 : i32
      %dma_start3A_205 = tpu.memref_slice %arg2[%dma_start3A_203, %dma_start3A_204] : memref<10000x128xf32, #tpu.memory_space<hbm>> -> memref<10000x128xf32, #tpu.memory_space<hbm>>
      tpu.enqueue_indirect_dma source(%dma_start3A_205 : memref<10000x128xf32, #tpu.memory_space<hbm>>) target(%arg7 : memref<128x128xf32, #tpu.memory_space<vmem>>) offsets(%dma_start3A_202 : memref<128xi32, #tpu.memory_space<vmem>>) semaphore(%arg10 : memref<!tpu.dma_semaphore, #tpu.memory_space<semaphore_mem>>)
    }
    %scan3A_145 = arith.constant 20 : i32
    %dma_wait3A_146 = arith.constant 0 : i32
    %dma_wait3A_147 = arith.constant 40 : i32
    %dma_wait3A_148 = arith.constant 0 : i32
    %dma_wait3A_149 = tpu.memref_slice %arg5[%dma_wait3A_146, %dma_wait3A_147, %dma_wait3A_148] : memref<2x42x128xi32, #tpu.memory_space<vmem>> -> memref<1x1x128xi32, #tpu.memory_space<vmem>>
    %dma_wait3A_150 = tpu.memref_squeeze %dma_wait3A_149 : memref<1x1x128xi32, #tpu.memory_space<vmem>> -> memref<128xi32, #tpu.memory_space<vmem>>
    %dma_wait3A_151 = arith.constant 0 : i32
    %dma_wait3A_152 = arith.constant 0 : i32
    %dma_wait3A_153 = tpu.memref_slice %arg2[%dma_wait3A_151, %dma_wait3A_152] : memref<10000x128xf32, #tpu.memory_space<hbm>> -> memref<10000x128xf32, #tpu.memory_space<hbm>>
    tpu.wait_indirect_dma semaphore(%arg9 : memref<!tpu.dma_semaphore, #tpu.memory_space<semaphore_mem>>) src(%dma_wait3A_153 : memref<10000x128xf32, #tpu.memory_space<hbm>>) dst(%arg6 : memref<128x128xf32, #tpu.memory_space<vmem>>)
    %dma_wait3A_154 = arith.constant 0 : i32
    %dma_wait3A_155 = arith.constant 41 : i32
    %dma_wait3A_156 = arith.constant 0 : i32
    %dma_wait3A_157 = tpu.memref_slice %arg5[%dma_wait3A_154, %dma_wait3A_155, %dma_wait3A_156] : memref<2x42x128xi32, #tpu.memory_space<vmem>> -> memref<1x1x128xi32, #tpu.memory_space<vmem>>
    %dma_wait3A_158 = tpu.memref_squeeze %dma_wait3A_157 : memref<1x1x128xi32, #tpu.memory_space<vmem>> -> memref<128xi32, #tpu.memory_space<vmem>>
    %dma_wait3A_159 = arith.constant 0 : i32
    %dma_wait3A_160 = arith.constant 0 : i32
    %dma_wait3A_161 = tpu.memref_slice %arg2[%dma_wait3A_159, %dma_wait3A_160] : memref<10000x128xf32, #tpu.memory_space<hbm>> -> memref<10000x128xf32, #tpu.memory_space<hbm>>
    tpu.wait_indirect_dma semaphore(%arg10 : memref<!tpu.dma_semaphore, #tpu.memory_space<semaphore_mem>>) src(%dma_wait3A_161 : memref<10000x128xf32, #tpu.memory_space<hbm>>) dst(%arg7 : memref<128x128xf32, #tpu.memory_space<vmem>>)
    %barrier3A_162 = arith.constant 0 : index
    tpu.barrier barrier_id(%barrier3A_162)
    %mul3A_163 = arith.constant 640 : i32
    %mul3A_164 = arith.muli %arg1, %mul3A_163 : i32
    "tpu.region"() ({
      %run_scoped3A_165 = tpu.sem_alloc : memref<!tpu.dma_semaphore, #tpu.memory_space<semaphore_mem>>
      %dma_start3A_166 = arith.constant 0 : i32
      %dma_start3A_167 = arith.constant 0 : i32
      %dma_start3A_168 = tpu.memref_slice %arg4[%arg0, %arg1, %dma_start3A_166, %dma_start3A_167] : memref<2x16x640x128xf32, #tpu.memory_space<hbm>> -> memref<1x1x640x128xf32, #tpu.memory_space<hbm>>
      %dma_start3A_169 = tpu.memref_squeeze %dma_start3A_168 : memref<1x1x640x128xf32, #tpu.memory_space<hbm>> -> memref<640x128xf32, #tpu.memory_space<hbm>>
      %dma_start3A_170 = arith.constant 0 : i32
      %dma_start3A_171 = tpu.memref_slice %arg8[%mul3A_164, %dma_start3A_170] : memref<10240x128xf32, #tpu.memory_space<vmem_shared>> -> memref<640x128xf32, #tpu.memory_space<vmem_shared>>
      tpu.enqueue_dma source(%dma_start3A_171 : memref<640x128xf32, #tpu.memory_space<vmem_shared>>) target(%dma_start3A_169 : memref<640x128xf32, #tpu.memory_space<hbm>>) target_semaphore(%run_scoped3A_165 : memref<!tpu.dma_semaphore, #tpu.memory_space<semaphore_mem>>)
      %dma_wait3A_172 = arith.constant 0 : i32
      %dma_wait3A_173 = arith.constant 0 : i32
      %dma_wait3A_174 = tpu.memref_slice %arg4[%arg0, %arg1, %dma_wait3A_172, %dma_wait3A_173] : memref<2x16x640x128xf32, #tpu.memory_space<hbm>> -> memref<1x1x640x128xf32, #tpu.memory_space<hbm>>
      %dma_wait3A_175 = tpu.memref_squeeze %dma_wait3A_174 : memref<1x1x640x128xf32, #tpu.memory_space<hbm>> -> memref<640x128xf32, #tpu.memory_space<hbm>>
      %dma_wait3A_176 = arith.constant 0 : i32
      %dma_wait3A_177 = tpu.memref_slice %arg8[%mul3A_164, %dma_wait3A_176] : memref<10240x128xf32, #tpu.memory_space<vmem_shared>> -> memref<640x128xf32, #tpu.memory_space<vmem_shared>>
      tpu.wait_dma2 semaphore(%run_scoped3A_165 : memref<!tpu.dma_semaphore, #tpu.memory_space<semaphore_mem>>) src(%dma_wait3A_177 : memref<640x128xf32, #tpu.memory_space<vmem_shared>>) dst(%dma_wait3A_175 : memref<640x128xf32, #tpu.memory_space<hbm>>)
      tpu.yield
    }) : () -> ()
    return
  }
}

#map = affine_map<(d0, d1) -> (0, 0)>
#map1 = affine_map<(d0, d1) -> (0, 0, 0, 0, 0)>
#map2 = affine_map<(d0, d1) -> (0, 0, 0, 0)>
module attributes {stable_mosaic.version = 14 : i64} {
  func.func @sc_segment_sum(%arg0: i32, %arg1: i32, %arg2: memref<10000x128xf32, #tpu.memory_space<hbm>>, %arg3: memref<32x2x2x42x128xi32, #tpu.memory_space<hbm>>, %arg4: memref<2x16x640x128xf32, #tpu.memory_space<hbm>>, %arg5: memref<2x42x128xi32, #tpu.memory_space<vmem>>, %arg6: memref<128x128xf32, #tpu.memory_space<vmem>>, %arg7: memref<128x128xf32, #tpu.memory_space<vmem>>, %arg8: memref<10240x128xf32, #tpu.memory_space<vmem_shared>>, %arg9: memref<!tpu.dma_semaphore, #tpu.memory_space<semaphore_mem>>, %arg10: memref<!tpu.dma_semaphore, #tpu.memory_space<semaphore_mem>>, %arg11: memref<!tpu.dma_semaphore, #tpu.memory_space<semaphore_mem>>) attributes {dimension_semantics = [#tpu.dimension_semantics<core_parallel>, #tpu.dimension_semantics<subcore_parallel>], iteration_bounds = array<i64: 2, 16>, scalar_prefetch = 0 : i64, scratch_operands = 7 : i64, tpu.core_type = #tpu.core_type<sc_vector_subcore>, window_params = [{transform_indices = #map}, {transform_indices = #map1}, {transform_indices = #map2}]} {
    %mul3A = arith.constant 2 : i32
    %mul3A_0 = arith.muli %arg1, %mul3A : i32
    %add3A = arith.addi %mul3A_0, %arg0 : i32
    %dma_start3A = arith.constant 0 : i32
    %dma_start3A_1 = arith.constant 0 : i32
    %dma_start3A_2 = arith.constant 0 : i32
    %dma_start3A_3 = arith.constant 0 : i32
    %dma_start3A_4 = tpu.memref_slice %arg3[%add3A, %dma_start3A, %dma_start3A_1, %dma_start3A_2, %dma_start3A_3] : memref<32x2x2x42x128xi32, #tpu.memory_space<hbm>> -> memref<1x1x2x42x128xi32, #tpu.memory_space<hbm>>
    %dma_start3A_5 = tpu.memref_squeeze %dma_start3A_4 : memref<1x1x2x42x128xi32, #tpu.memory_space<hbm>> -> memref<2x42x128xi32, #tpu.memory_space<hbm>>
    %dma_start3A_6 = arith.constant 0 : i32
    %dma_start3A_7 = arith.constant 0 : i32
    %dma_start3A_8 = arith.constant 0 : i32
    %dma_start3A_9 = tpu.memref_slice %arg3[%add3A, %dma_start3A, %dma_start3A_6, %dma_start3A_7, %dma_start3A_8] : memref<32x2x2x42x128xi32, #tpu.memory_space<hbm>> -> memref<1x1x2x42x128xi32, #tpu.memory_space<hbm>>
    %dma_start3A_10 = tpu.memref_squeeze %dma_start3A_9 : memref<1x1x2x42x128xi32, #tpu.memory_space<hbm>> -> memref<2x42x128xi32, #tpu.memory_space<hbm>>
    tpu.enqueue_dma source(%dma_start3A_10 : memref<2x42x128xi32, #tpu.memory_space<hbm>>) target(%arg5 : memref<2x42x128xi32, #tpu.memory_space<vmem>>) target_semaphore(%arg11 : memref<!tpu.dma_semaphore, #tpu.memory_space<semaphore_mem>>)
    %scan3A = arith.constant 0 : i32
    %scan3A_11 = arith.constant 0 : i32
    %scan3A_12 = arith.constant 128 : i32
    %scan3A_13 = arith.addi %scan3A_11, %scan3A_12 : i32
    %scan3A_14 = arith.constant 1 : i32
    scf.for %scan3A_165 = %scan3A_11 to %scan3A_13 step %scan3A_14  : i32 {
      %broadcast_in_dim3A = arith.constant 0.000000e+00 : f32
      %broadcast_in_dim3A_166 = vector.broadcast %broadcast_in_dim3A : f32 to vector<16xf32>
      %swap3A = arith.index_cast %scan3A_165 : i32 to index
      %swap3A_167 = arith.constant 0 : index
      %swap3A_168 = tpu.vector_load %arg6[%swap3A, %swap3A_167] {strides = array<i32>} : memref<128x128xf32, #tpu.memory_space<vmem>>, vector<1x16xf32>,
      %swap3A_169 = vector.shape_cast %swap3A_168 : vector<1x16xf32> to vector<16xf32>
      %swap3A_170 = vector.shape_cast %broadcast_in_dim3A_166 : vector<16xf32> to vector<1x16xf32>
      tpu.vector_store %arg6[%swap3A, %swap3A_167], %swap3A_170 {strides = array<i32>} : memref<128x128xf32, #tpu.memory_space<vmem>>, vector<1x16xf32>,
      %broadcast_in_dim3A_171 = arith.constant 0.000000e+00 : f32
      %broadcast_in_dim3A_172 = vector.broadcast %broadcast_in_dim3A_171 : f32 to vector<16xf32>
      %swap3A_173 = arith.index_cast %scan3A_165 : i32 to index
      %swap3A_174 = arith.constant 16 : index
      %swap3A_175 = tpu.vector_load %arg6[%swap3A_173, %swap3A_174] {strides = array<i32>} : memref<128x128xf32, #tpu.memory_space<vmem>>, vector<1x16xf32>,
      %swap3A_176 = vector.shape_cast %swap3A_175 : vector<1x16xf32> to vector<16xf32>
      %swap3A_177 = vector.shape_cast %broadcast_in_dim3A_172 : vector<16xf32> to vector<1x16xf32>
      tpu.vector_store %arg6[%swap3A_173, %swap3A_174], %swap3A_177 {strides = array<i32>} : memref<128x128xf32, #tpu.memory_space<vmem>>, vector<1x16xf32>,
      %broadcast_in_dim3A_178 = arith.constant 0.000000e+00 : f32
      %broadcast_in_dim3A_179 = vector.broadcast %broadcast_in_dim3A_178 : f32 to vector<16xf32>
      %swap3A_180 = arith.index_cast %scan3A_165 : i32 to index
      %swap3A_181 = arith.constant 32 : index
      %swap3A_182 = tpu.vector_load %arg6[%swap3A_180, %swap3A_181] {strides = array<i32>} : memref<128x128xf32, #tpu.memory_space<vmem>>, vector<1x16xf32>,
      %swap3A_183 = vector.shape_cast %swap3A_182 : vector<1x16xf32> to vector<16xf32>
      %swap3A_184 = vector.shape_cast %broadcast_in_dim3A_179 : vector<16xf32> to vector<1x16xf32>
      tpu.vector_store %arg6[%swap3A_180, %swap3A_181], %swap3A_184 {strides = array<i32>} : memref<128x128xf32, #tpu.memory_space<vmem>>, vector<1x16xf32>,
      %broadcast_in_dim3A_185 = arith.constant 0.000000e+00 : f32
      %broadcast_in_dim3A_186 = vector.broadcast %broadcast_in_dim3A_185 : f32 to vector<16xf32>
      %swap3A_187 = arith.index_cast %scan3A_165 : i32 to index
      %swap3A_188 = arith.constant 48 : index
      %swap3A_189 = tpu.vector_load %arg6[%swap3A_187, %swap3A_188] {strides = array<i32>} : memref<128x128xf32, #tpu.memory_space<vmem>>, vector<1x16xf32>,
      %swap3A_190 = vector.shape_cast %swap3A_189 : vector<1x16xf32> to vector<16xf32>
      %swap3A_191 = vector.shape_cast %broadcast_in_dim3A_186 : vector<16xf32> to vector<1x16xf32>
      tpu.vector_store %arg6[%swap3A_187, %swap3A_188], %swap3A_191 {strides = array<i32>} : memref<128x128xf32, #tpu.memory_space<vmem>>, vector<1x16xf32>,
      %broadcast_in_dim3A_192 = arith.constant 0.000000e+00 : f32
      %broadcast_in_dim3A_193 = vector.broadcast %broadcast_in_dim3A_192 : f32 to vector<16xf32>
      %swap3A_194 = arith.index_cast %scan3A_165 : i32 to index
      %swap3A_195 = arith.constant 64 : index
      %swap3A_196 = tpu.vector_load %arg6[%swap3A_194, %swap3A_195] {strides = array<i32>} : memref<128x128xf32, #tpu.memory_space<vmem>>, vector<1x16xf32>,
      %swap3A_197 = vector.shape_cast %swap3A_196 : vector<1x16xf32> to vector<16xf32>
      %swap3A_198 = vector.shape_cast %broadcast_in_dim3A_193 : vector<16xf32> to vector<1x16xf32>
      tpu.vector_store %arg6[%swap3A_194, %swap3A_195], %swap3A_198 {strides = array<i32>} : memref<128x128xf32, #tpu.memory_space<vmem>>, vector<1x16xf32>,
      %broadcast_in_dim3A_199 = arith.constant 0.000000e+00 : f32
      %broadcast_in_dim3A_200 = vector.broadcast %broadcast_in_dim3A_199 : f32 to vector<16xf32>
      %swap3A_201 = arith.index_cast %scan3A_165 : i32 to index
      %swap3A_202 = arith.constant 80 : index
      %swap3A_203 = tpu.vector_load %arg6[%swap3A_201, %swap3A_202] {strides = array<i32>} : memref<128x128xf32, #tpu.memory_space<vmem>>, vector<1x16xf32>,
      %swap3A_204 = vector.shape_cast %swap3A_203 : vector<1x16xf32> to vector<16xf32>
      %swap3A_205 = vector.shape_cast %broadcast_in_dim3A_200 : vector<16xf32> to vector<1x16xf32>
      tpu.vector_store %arg6[%swap3A_201, %swap3A_202], %swap3A_205 {strides = array<i32>} : memref<128x128xf32, #tpu.memory_space<vmem>>, vector<1x16xf32>,
      %broadcast_in_dim3A_206 = arith.constant 0.000000e+00 : f32
      %broadcast_in_dim3A_207 = vector.broadcast %broadcast_in_dim3A_206 : f32 to vector<16xf32>
      %swap3A_208 = arith.index_cast %scan3A_165 : i32 to index
      %swap3A_209 = arith.constant 96 : index
      %swap3A_210 = tpu.vector_load %arg6[%swap3A_208, %swap3A_209] {strides = array<i32>} : memref<128x128xf32, #tpu.memory_space<vmem>>, vector<1x16xf32>,
      %swap3A_211 = vector.shape_cast %swap3A_210 : vector<1x16xf32> to vector<16xf32>
      %swap3A_212 = vector.shape_cast %broadcast_in_dim3A_207 : vector<16xf32> to vector<1x16xf32>
      tpu.vector_store %arg6[%swap3A_208, %swap3A_209], %swap3A_212 {strides = array<i32>} : memref<128x128xf32, #tpu.memory_space<vmem>>, vector<1x16xf32>,
      %broadcast_in_dim3A_213 = arith.constant 0.000000e+00 : f32
      %broadcast_in_dim3A_214 = vector.broadcast %broadcast_in_dim3A_213 : f32 to vector<16xf32>
      %swap3A_215 = arith.index_cast %scan3A_165 : i32 to index
      %swap3A_216 = arith.constant 112 : index
      %swap3A_217 = tpu.vector_load %arg6[%swap3A_215, %swap3A_216] {strides = array<i32>} : memref<128x128xf32, #tpu.memory_space<vmem>>, vector<1x16xf32>,
      %swap3A_218 = vector.shape_cast %swap3A_217 : vector<1x16xf32> to vector<16xf32>
      %swap3A_219 = vector.shape_cast %broadcast_in_dim3A_214 : vector<16xf32> to vector<1x16xf32>
      tpu.vector_store %arg6[%swap3A_215, %swap3A_216], %swap3A_219 {strides = array<i32>} : memref<128x128xf32, #tpu.memory_space<vmem>>, vector<1x16xf32>,
    }
    %scan3A_15 = arith.constant 128 : i32
    %mul3A_16 = arith.constant 640 : i32
    %mul3A_17 = arith.muli %arg1, %mul3A_16 : i32
    %add3A_18 = arith.constant 0 : i32
    %add3A_19 = arith.addi %mul3A_17, %add3A_18 : i32
    %dma_start3A_20 = arith.constant 0 : i32
    %dma_start3A_21 = tpu.memref_slice %arg8[%add3A_19, %dma_start3A_20] : memref<10240x128xf32, #tpu.memory_space<vmem_shared>> -> memref<128x128xf32, #tpu.memory_space<vmem_shared>>
    %dma_start3A_22 = arith.constant 0 : i32
    %dma_start3A_23 = tpu.memref_slice %arg8[%add3A_19, %dma_start3A_22] : memref<10240x128xf32, #tpu.memory_space<vmem_shared>> -> memref<128x128xf32, #tpu.memory_space<vmem_shared>>
    tpu.enqueue_dma source(%arg6 : memref<128x128xf32, #tpu.memory_space<vmem>>) target(%dma_start3A_23 : memref<128x128xf32, #tpu.memory_space<vmem_shared>>) target_semaphore(%arg10 : memref<!tpu.dma_semaphore, #tpu.memory_space<semaphore_mem>>)
    %mul3A_24 = arith.constant 640 : i32
    %mul3A_25 = arith.muli %arg1, %mul3A_24 : i32
    %add3A_26 = arith.constant 128 : i32
    %add3A_27 = arith.addi %mul3A_25, %add3A_26 : i32
    %dma_start3A_28 = arith.constant 0 : i32
    %dma_start3A_29 = tpu.memref_slice %arg8[%add3A_27, %dma_start3A_28] : memref<10240x128xf32, #tpu.memory_space<vmem_shared>> -> memref<128x128xf32, #tpu.memory_space<vmem_shared>>
    %dma_start3A_30 = arith.constant 0 : i32
    %dma_start3A_31 = tpu.memref_slice %arg8[%add3A_27, %dma_start3A_30] : memref<10240x128xf32, #tpu.memory_space<vmem_shared>> -> memref<128x128xf32, #tpu.memory_space<vmem_shared>>
    tpu.enqueue_dma source(%arg6 : memref<128x128xf32, #tpu.memory_space<vmem>>) target(%dma_start3A_31 : memref<128x128xf32, #tpu.memory_space<vmem_shared>>) target_semaphore(%arg10 : memref<!tpu.dma_semaphore, #tpu.memory_space<semaphore_mem>>)
    %mul3A_32 = arith.constant 640 : i32
    %mul3A_33 = arith.muli %arg1, %mul3A_32 : i32
    %add3A_34 = arith.constant 256 : i32
    %add3A_35 = arith.addi %mul3A_33, %add3A_34 : i32
    %dma_start3A_36 = arith.constant 0 : i32
    %dma_start3A_37 = tpu.memref_slice %arg8[%add3A_35, %dma_start3A_36] : memref<10240x128xf32, #tpu.memory_space<vmem_shared>> -> memref<128x128xf32, #tpu.memory_space<vmem_shared>>
    %dma_start3A_38 = arith.constant 0 : i32
    %dma_start3A_39 = tpu.memref_slice %arg8[%add3A_35, %dma_start3A_38] : memref<10240x128xf32, #tpu.memory_space<vmem_shared>> -> memref<128x128xf32, #tpu.memory_space<vmem_shared>>
    tpu.enqueue_dma source(%arg6 : memref<128x128xf32, #tpu.memory_space<vmem>>) target(%dma_start3A_39 : memref<128x128xf32, #tpu.memory_space<vmem_shared>>) target_semaphore(%arg10 : memref<!tpu.dma_semaphore, #tpu.memory_space<semaphore_mem>>)
    %mul3A_40 = arith.constant 640 : i32
    %mul3A_41 = arith.muli %arg1, %mul3A_40 : i32
    %add3A_42 = arith.constant 384 : i32
    %add3A_43 = arith.addi %mul3A_41, %add3A_42 : i32
    %dma_start3A_44 = arith.constant 0 : i32
    %dma_start3A_45 = tpu.memref_slice %arg8[%add3A_43, %dma_start3A_44] : memref<10240x128xf32, #tpu.memory_space<vmem_shared>> -> memref<128x128xf32, #tpu.memory_space<vmem_shared>>
    %dma_start3A_46 = arith.constant 0 : i32
    %dma_start3A_47 = tpu.memref_slice %arg8[%add3A_43, %dma_start3A_46] : memref<10240x128xf32, #tpu.memory_space<vmem_shared>> -> memref<128x128xf32, #tpu.memory_space<vmem_shared>>
    tpu.enqueue_dma source(%arg6 : memref<128x128xf32, #tpu.memory_space<vmem>>) target(%dma_start3A_47 : memref<128x128xf32, #tpu.memory_space<vmem_shared>>) target_semaphore(%arg10 : memref<!tpu.dma_semaphore, #tpu.memory_space<semaphore_mem>>)
    %mul3A_48 = arith.constant 640 : i32
    %mul3A_49 = arith.muli %arg1, %mul3A_48 : i32
    %add3A_50 = arith.constant 512 : i32
    %add3A_51 = arith.addi %mul3A_49, %add3A_50 : i32
    %dma_start3A_52 = arith.constant 0 : i32
    %dma_start3A_53 = tpu.memref_slice %arg8[%add3A_51, %dma_start3A_52] : memref<10240x128xf32, #tpu.memory_space<vmem_shared>> -> memref<128x128xf32, #tpu.memory_space<vmem_shared>>
    %dma_start3A_54 = arith.constant 0 : i32
    %dma_start3A_55 = tpu.memref_slice %arg8[%add3A_51, %dma_start3A_54] : memref<10240x128xf32, #tpu.memory_space<vmem_shared>> -> memref<128x128xf32, #tpu.memory_space<vmem_shared>>
    tpu.enqueue_dma source(%arg6 : memref<128x128xf32, #tpu.memory_space<vmem>>) target(%dma_start3A_55 : memref<128x128xf32, #tpu.memory_space<vmem_shared>>) target_semaphore(%arg10 : memref<!tpu.dma_semaphore, #tpu.memory_space<semaphore_mem>>)
    %dma_wait3A = arith.constant 0 : i32
    %dma_wait3A_56 = tpu.memref_slice %arg8[%add3A_19, %dma_wait3A] : memref<10240x128xf32, #tpu.memory_space<vmem_shared>> -> memref<128x128xf32, #tpu.memory_space<vmem_shared>>
    %dma_wait3A_57 = arith.constant 0 : i32
    %dma_wait3A_58 = tpu.memref_slice %arg8[%add3A_19, %dma_wait3A_57] : memref<10240x128xf32, #tpu.memory_space<vmem_shared>> -> memref<128x128xf32, #tpu.memory_space<vmem_shared>>
    tpu.wait_dma2 semaphore(%arg10 : memref<!tpu.dma_semaphore, #tpu.memory_space<semaphore_mem>>) src(%arg6 : memref<128x128xf32, #tpu.memory_space<vmem>>) dst(%dma_wait3A_58 : memref<128x128xf32, #tpu.memory_space<vmem_shared>>)
    %dma_wait3A_59 = arith.constant 0 : i32
    %dma_wait3A_60 = tpu.memref_slice %arg8[%add3A_27, %dma_wait3A_59] : memref<10240x128xf32, #tpu.memory_space<vmem_shared>> -> memref<128x128xf32, #tpu.memory_space<vmem_shared>>
    %dma_wait3A_61 = arith.constant 0 : i32
    %dma_wait3A_62 = tpu.memref_slice %arg8[%add3A_27, %dma_wait3A_61] : memref<10240x128xf32, #tpu.memory_space<vmem_shared>> -> memref<128x128xf32, #tpu.memory_space<vmem_shared>>
    tpu.wait_dma2 semaphore(%arg10 : memref<!tpu.dma_semaphore, #tpu.memory_space<semaphore_mem>>) src(%arg6 : memref<128x128xf32, #tpu.memory_space<vmem>>) dst(%dma_wait3A_62 : memref<128x128xf32, #tpu.memory_space<vmem_shared>>)
    %dma_wait3A_63 = arith.constant 0 : i32
    %dma_wait3A_64 = tpu.memref_slice %arg8[%add3A_35, %dma_wait3A_63] : memref<10240x128xf32, #tpu.memory_space<vmem_shared>> -> memref<128x128xf32, #tpu.memory_space<vmem_shared>>
    %dma_wait3A_65 = arith.constant 0 : i32
    %dma_wait3A_66 = tpu.memref_slice %arg8[%add3A_35, %dma_wait3A_65] : memref<10240x128xf32, #tpu.memory_space<vmem_shared>> -> memref<128x128xf32, #tpu.memory_space<vmem_shared>>
    tpu.wait_dma2 semaphore(%arg10 : memref<!tpu.dma_semaphore, #tpu.memory_space<semaphore_mem>>) src(%arg6 : memref<128x128xf32, #tpu.memory_space<vmem>>) dst(%dma_wait3A_66 : memref<128x128xf32, #tpu.memory_space<vmem_shared>>)
    %dma_wait3A_67 = arith.constant 0 : i32
    %dma_wait3A_68 = tpu.memref_slice %arg8[%add3A_43, %dma_wait3A_67] : memref<10240x128xf32, #tpu.memory_space<vmem_shared>> -> memref<128x128xf32, #tpu.memory_space<vmem_shared>>
    %dma_wait3A_69 = arith.constant 0 : i32
    %dma_wait3A_70 = tpu.memref_slice %arg8[%add3A_43, %dma_wait3A_69] : memref<10240x128xf32, #tpu.memory_space<vmem_shared>> -> memref<128x128xf32, #tpu.memory_space<vmem_shared>>
    tpu.wait_dma2 semaphore(%arg10 : memref<!tpu.dma_semaphore, #tpu.memory_space<semaphore_mem>>) src(%arg6 : memref<128x128xf32, #tpu.memory_space<vmem>>) dst(%dma_wait3A_70 : memref<128x128xf32, #tpu.memory_space<vmem_shared>>)
    %dma_wait3A_71 = arith.constant 0 : i32
    %dma_wait3A_72 = tpu.memref_slice %arg8[%add3A_51, %dma_wait3A_71] : memref<10240x128xf32, #tpu.memory_space<vmem_shared>> -> memref<128x128xf32, #tpu.memory_space<vmem_shared>>
    %dma_wait3A_73 = arith.constant 0 : i32
    %dma_wait3A_74 = tpu.memref_slice %arg8[%add3A_51, %dma_wait3A_73] : memref<10240x128xf32, #tpu.memory_space<vmem_shared>> -> memref<128x128xf32, #tpu.memory_space<vmem_shared>>
    tpu.wait_dma2 semaphore(%arg10 : memref<!tpu.dma_semaphore, #tpu.memory_space<semaphore_mem>>) src(%arg6 : memref<128x128xf32, #tpu.memory_space<vmem>>) dst(%dma_wait3A_74 : memref<128x128xf32, #tpu.memory_space<vmem_shared>>)
    %dma_wait3A_75 = arith.constant 0 : i32
    %dma_wait3A_76 = arith.constant 0 : i32
    %dma_wait3A_77 = arith.constant 0 : i32
    %dma_wait3A_78 = arith.constant 0 : i32
    %dma_wait3A_79 = tpu.memref_slice %arg3[%add3A, %dma_wait3A_75, %dma_wait3A_76, %dma_wait3A_77, %dma_wait3A_78] : memref<32x2x2x42x128xi32, #tpu.memory_space<hbm>> -> memref<1x1x2x42x128xi32, #tpu.memory_space<hbm>>
    %dma_wait3A_80 = tpu.memref_squeeze %dma_wait3A_79 : memref<1x1x2x42x128xi32, #tpu.memory_space<hbm>> -> memref<2x42x128xi32, #tpu.memory_space<hbm>>
    %dma_wait3A_81 = arith.constant 0 : i32
    %dma_wait3A_82 = arith.constant 0 : i32
    %dma_wait3A_83 = arith.constant 0 : i32
    %dma_wait3A_84 = tpu.memref_slice %arg3[%add3A, %dma_wait3A_75, %dma_wait3A_81, %dma_wait3A_82, %dma_wait3A_83] : memref<32x2x2x42x128xi32, #tpu.memory_space<hbm>> -> memref<1x1x2x42x128xi32, #tpu.memory_space<hbm>>
    %dma_wait3A_85 = tpu.memref_squeeze %dma_wait3A_84 : memref<1x1x2x42x128xi32, #tpu.memory_space<hbm>> -> memref<2x42x128xi32, #tpu.memory_space<hbm>>
    tpu.wait_dma2 semaphore(%arg11 : memref<!tpu.dma_semaphore, #tpu.memory_space<semaphore_mem>>) src(%dma_wait3A_85 : memref<2x42x128xi32, #tpu.memory_space<hbm>>) dst(%arg5 : memref<2x42x128xi32, #tpu.memory_space<vmem>>)
    %dma_start3A_86 = arith.constant 0 : i32
    %dma_start3A_87 = arith.constant 0 : i32
    %dma_start3A_88 = arith.constant 0 : i32
    %dma_start3A_89 = tpu.memref_slice %arg5[%dma_start3A_86, %dma_start3A_87, %dma_start3A_88] : memref<2x42x128xi32, #tpu.memory_space<vmem>> -> memref<1x1x128xi32, #tpu.memory_space<vmem>>
    %dma_start3A_90 = tpu.memref_squeeze %dma_start3A_89 : memref<1x1x128xi32, #tpu.memory_space<vmem>> -> memref<128xi32, #tpu.memory_space<vmem>>
    %dma_start3A_91 = arith.constant 0 : i32
    %dma_start3A_92 = arith.constant 0 : i32
    %dma_start3A_93 = tpu.memref_slice %arg2[%dma_start3A_91, %dma_start3A_92] : memref<10000x128xf32, #tpu.memory_space<hbm>> -> memref<10000x128xf32, #tpu.memory_space<hbm>>
    tpu.enqueue_indirect_dma source(%dma_start3A_93 : memref<10000x128xf32, #tpu.memory_space<hbm>>) target(%arg6 : memref<128x128xf32, #tpu.memory_space<vmem>>) offsets(%dma_start3A_90 : memref<128xi32, #tpu.memory_space<vmem>>) semaphore(%arg9 : memref<!tpu.dma_semaphore, #tpu.memory_space<semaphore_mem>>)
    %dma_start3A_94 = arith.constant 0 : i32
    %dma_start3A_95 = arith.constant 1 : i32
    %dma_start3A_96 = arith.constant 0 : i32
    %dma_start3A_97 = tpu.memref_slice %arg5[%dma_start3A_94, %dma_start3A_95, %dma_start3A_96] : memref<2x42x128xi32, #tpu.memory_space<vmem>> -> memref<1x1x128xi32, #tpu.memory_space<vmem>>
    %dma_start3A_98 = tpu.memref_squeeze %dma_start3A_97 : memref<1x1x128xi32, #tpu.memory_space<vmem>> -> memref<128xi32, #tpu.memory_space<vmem>>
    %dma_start3A_99 = arith.constant 0 : i32
    %dma_start3A_100 = arith.constant 0 : i32
    %dma_start3A_101 = tpu.memref_slice %arg2[%dma_start3A_99, %dma_start3A_100] : memref<10000x128xf32, #tpu.memory_space<hbm>> -> memref<10000x128xf32, #tpu.memory_space<hbm>>
    tpu.enqueue_indirect_dma source(%dma_start3A_101 : memref<10000x128xf32, #tpu.memory_space<hbm>>) target(%arg7 : memref<128x128xf32, #tpu.memory_space<vmem>>) offsets(%dma_start3A_98 : memref<128xi32, #tpu.memory_space<vmem>>) semaphore(%arg10 : memref<!tpu.dma_semaphore, #tpu.memory_space<semaphore_mem>>)
    %barrier3A = arith.constant 0 : index
    tpu.barrier barrier_id(%barrier3A)
    %scan3A_102 = arith.constant 0 : i32
    %scan3A_103 = arith.constant 0 : i32
    %scan3A_104 = arith.constant 20 : i32
    %scan3A_105 = arith.addi %scan3A_103, %scan3A_104 : i32
    %scan3A_106 = arith.constant 1 : i32
    scf.for %scan3A_165 = %scan3A_103 to %scan3A_105 step %scan3A_106  : i32 {
      %mul3A_166 = arith.constant 2 : i32
      %mul3A_167 = arith.muli %mul3A_166, %scan3A_165 : i32
      %dma_wait3A_168 = arith.constant 0 : i32
      %dma_wait3A_169 = arith.constant 0 : i32
      %dma_wait3A_170 = tpu.memref_slice %arg5[%dma_wait3A_168, %mul3A_167, %dma_wait3A_169] : memref<2x42x128xi32, #tpu.memory_space<vmem>> -> memref<1x1x128xi32, #tpu.memory_space<vmem>>
      %dma_wait3A_171 = tpu.memref_squeeze %dma_wait3A_170 : memref<1x1x128xi32, #tpu.memory_space<vmem>> -> memref<128xi32, #tpu.memory_space<vmem>>
      %dma_wait3A_172 = arith.constant 0 : i32
      %dma_wait3A_173 = arith.constant 0 : i32
      %dma_wait3A_174 = tpu.memref_slice %arg2[%dma_wait3A_172, %dma_wait3A_173] : memref<10000x128xf32, #tpu.memory_space<hbm>> -> memref<10000x128xf32, #tpu.memory_space<hbm>>
      tpu.wait_indirect_dma semaphore(%arg9 : memref<!tpu.dma_semaphore, #tpu.memory_space<semaphore_mem>>) src(%dma_wait3A_174 : memref<10000x128xf32, #tpu.memory_space<hbm>>) dst(%arg6 : memref<128x128xf32, #tpu.memory_space<vmem>>)
      %run_scoped3A_175 = arith.constant 1 : i32
      "tpu.region"() ({
        %run_scoped3A_206 = tpu.sem_alloc : memref<!tpu.dma_semaphore, #tpu.memory_space<semaphore_mem>>
        %dma_start3A_207 = arith.constant 0 : i32
        %dma_start3A_208 = tpu.memref_slice %arg5[%run_scoped3A_175, %mul3A_167, %dma_start3A_207] : memref<2x42x128xi32, #tpu.memory_space<vmem>> -> memref<1x1x128xi32, #tpu.memory_space<vmem>>
        %dma_start3A_209 = tpu.memref_squeeze %dma_start3A_208 : memref<1x1x128xi32, #tpu.memory_space<vmem>> -> memref<128xi32, #tpu.memory_space<vmem>>
        %dma_start3A_210 = arith.constant 0 : i32
        %dma_start3A_211 = arith.constant 0 : i32
        %dma_start3A_212 = tpu.memref_slice %arg8[%dma_start3A_210, %dma_start3A_211] : memref<10240x128xf32, #tpu.memory_space<vmem_shared>> -> memref<10240x128xf32, #tpu.memory_space<vmem_shared>>
        tpu.enqueue_indirect_dma source(%arg6 : memref<128x128xf32, #tpu.memory_space<vmem>>) target(%dma_start3A_212 : memref<10240x128xf32, #tpu.memory_space<vmem_shared>>) offsets(%dma_start3A_209 : memref<128xi32, #tpu.memory_space<vmem>>) semaphore(%run_scoped3A_206 : memref<!tpu.dma_semaphore, #tpu.memory_space<semaphore_mem>>) {add = true}
        %dma_wait3A_213 = arith.constant 0 : i32
        %dma_wait3A_214 = tpu.memref_slice %arg5[%run_scoped3A_175, %mul3A_167, %dma_wait3A_213] : memref<2x42x128xi32, #tpu.memory_space<vmem>> -> memref<1x1x128xi32, #tpu.memory_space<vmem>>
        %dma_wait3A_215 = tpu.memref_squeeze %dma_wait3A_214 : memref<1x1x128xi32, #tpu.memory_space<vmem>> -> memref<128xi32, #tpu.memory_space<vmem>>
        %dma_wait3A_216 = arith.constant 0 : i32
        %dma_wait3A_217 = arith.constant 0 : i32
        %dma_wait3A_218 = tpu.memref_slice %arg8[%dma_wait3A_216, %dma_wait3A_217] : memref<10240x128xf32, #tpu.memory_space<vmem_shared>> -> memref<10240x128xf32, #tpu.memory_space<vmem_shared>>
        tpu.wait_indirect_dma semaphore(%run_scoped3A_206 : memref<!tpu.dma_semaphore, #tpu.memory_space<semaphore_mem>>) src(%arg6 : memref<128x128xf32, #tpu.memory_space<vmem>>) dst(%dma_wait3A_218 : memref<10240x128xf32, #tpu.memory_space<vmem_shared>>)
        tpu.yield
      }) : () -> ()
      %add3A_176 = arith.constant 2 : i32
      %add3A_177 = arith.addi %mul3A_167, %add3A_176 : i32
      %dma_start3A_178 = arith.constant 0 : i32
      %dma_start3A_179 = arith.constant 0 : i32
      %dma_start3A_180 = tpu.memref_slice %arg5[%dma_start3A_178, %add3A_177, %dma_start3A_179] : memref<2x42x128xi32, #tpu.memory_space<vmem>> -> memref<1x1x128xi32, #tpu.memory_space<vmem>>
      %dma_start3A_181 = tpu.memref_squeeze %dma_start3A_180 : memref<1x1x128xi32, #tpu.memory_space<vmem>> -> memref<128xi32, #tpu.memory_space<vmem>>
      %dma_start3A_182 = arith.constant 0 : i32
      %dma_start3A_183 = arith.constant 0 : i32
      %dma_start3A_184 = tpu.memref_slice %arg2[%dma_start3A_182, %dma_start3A_183] : memref<10000x128xf32, #tpu.memory_space<hbm>> -> memref<10000x128xf32, #tpu.memory_space<hbm>>
      tpu.enqueue_indirect_dma source(%dma_start3A_184 : memref<10000x128xf32, #tpu.memory_space<hbm>>) target(%arg6 : memref<128x128xf32, #tpu.memory_space<vmem>>) offsets(%dma_start3A_181 : memref<128xi32, #tpu.memory_space<vmem>>) semaphore(%arg9 : memref<!tpu.dma_semaphore, #tpu.memory_space<semaphore_mem>>)
      %add3A_185 = arith.constant 1 : i32
      %add3A_186 = arith.addi %mul3A_167, %add3A_185 : i32
      %dma_wait3A_187 = arith.constant 0 : i32
      %dma_wait3A_188 = arith.constant 0 : i32
      %dma_wait3A_189 = tpu.memref_slice %arg5[%dma_wait3A_187, %add3A_186, %dma_wait3A_188] : memref<2x42x128xi32, #tpu.memory_space<vmem>> -> memref<1x1x128xi32, #tpu.memory_space<vmem>>
      %dma_wait3A_190 = tpu.memref_squeeze %dma_wait3A_189 : memref<1x1x128xi32, #tpu.memory_space<vmem>> -> memref<128xi32, #tpu.memory_space<vmem>>
      %dma_wait3A_191 = arith.constant 0 : i32
      %dma_wait3A_192 = arith.constant 0 : i32
      %dma_wait3A_193 = tpu.memref_slice %arg2[%dma_wait3A_191, %dma_wait3A_192] : memref<10000x128xf32, #tpu.memory_space<hbm>> -> memref<10000x128xf32, #tpu.memory_space<hbm>>
      tpu.wait_indirect_dma semaphore(%arg10 : memref<!tpu.dma_semaphore, #tpu.memory_space<semaphore_mem>>) src(%dma_wait3A_193 : memref<10000x128xf32, #tpu.memory_space<hbm>>) dst(%arg7 : memref<128x128xf32, #tpu.memory_space<vmem>>)
      %add3A_194 = arith.constant 1 : i32
      %add3A_195 = arith.addi %mul3A_167, %add3A_194 : i32
      %run_scoped3A_196 = arith.constant 1 : i32
      "tpu.region"() ({
        %run_scoped3A_206 = tpu.sem_alloc : memref<!tpu.dma_semaphore, #tpu.memory_space<semaphore_mem>>
        %dma_start3A_207 = arith.constant 0 : i32
        %dma_start3A_208 = tpu.memref_slice %arg5[%run_scoped3A_196, %add3A_195, %dma_start3A_207] : memref<2x42x128xi32, #tpu.memory_space<vmem>> -> memref<1x1x128xi32, #tpu.memory_space<vmem>>
        %dma_start3A_209 = tpu.memref_squeeze %dma_start3A_208 : memref<1x1x128xi32, #tpu.memory_space<vmem>> -> memref<128xi32, #tpu.memory_space<vmem>>
        %dma_start3A_210 = arith.constant 0 : i32
        %dma_start3A_211 = arith.constant 0 : i32
        %dma_start3A_212 = tpu.memref_slice %arg8[%dma_start3A_210, %dma_start3A_211] : memref<10240x128xf32, #tpu.memory_space<vmem_shared>> -> memref<10240x128xf32, #tpu.memory_space<vmem_shared>>
        tpu.enqueue_indirect_dma source(%arg7 : memref<128x128xf32, #tpu.memory_space<vmem>>) target(%dma_start3A_212 : memref<10240x128xf32, #tpu.memory_space<vmem_shared>>) offsets(%dma_start3A_209 : memref<128xi32, #tpu.memory_space<vmem>>) semaphore(%run_scoped3A_206 : memref<!tpu.dma_semaphore, #tpu.memory_space<semaphore_mem>>) {add = true}
        %dma_wait3A_213 = arith.constant 0 : i32
        %dma_wait3A_214 = tpu.memref_slice %arg5[%run_scoped3A_196, %add3A_195, %dma_wait3A_213] : memref<2x42x128xi32, #tpu.memory_space<vmem>> -> memref<1x1x128xi32, #tpu.memory_space<vmem>>
        %dma_wait3A_215 = tpu.memref_squeeze %dma_wait3A_214 : memref<1x1x128xi32, #tpu.memory_space<vmem>> -> memref<128xi32, #tpu.memory_space<vmem>>
        %dma_wait3A_216 = arith.constant 0 : i32
        %dma_wait3A_217 = arith.constant 0 : i32
        %dma_wait3A_218 = tpu.memref_slice %arg8[%dma_wait3A_216, %dma_wait3A_217] : memref<10240x128xf32, #tpu.memory_space<vmem_shared>> -> memref<10240x128xf32, #tpu.memory_space<vmem_shared>>
        tpu.wait_indirect_dma semaphore(%run_scoped3A_206 : memref<!tpu.dma_semaphore, #tpu.memory_space<semaphore_mem>>) src(%arg7 : memref<128x128xf32, #tpu.memory_space<vmem>>) dst(%dma_wait3A_218 : memref<10240x128xf32, #tpu.memory_space<vmem_shared>>)
        tpu.yield
      }) : () -> ()
      %add3A_197 = arith.constant 3 : i32
      %add3A_198 = arith.addi %mul3A_167, %add3A_197 : i32
      %dma_start3A_199 = arith.constant 0 : i32
      %dma_start3A_200 = arith.constant 0 : i32
      %dma_start3A_201 = tpu.memref_slice %arg5[%dma_start3A_199, %add3A_198, %dma_start3A_200] : memref<2x42x128xi32, #tpu.memory_space<vmem>> -> memref<1x1x128xi32, #tpu.memory_space<vmem>>
      %dma_start3A_202 = tpu.memref_squeeze %dma_start3A_201 : memref<1x1x128xi32, #tpu.memory_space<vmem>> -> memref<128xi32, #tpu.memory_space<vmem>>
      %dma_start3A_203 = arith.constant 0 : i32
      %dma_start3A_204 = arith.constant 0 : i32
      %dma_start3A_205 = tpu.memref_slice %arg2[%dma_start3A_203, %dma_start3A_204] : memref<10000x128xf32, #tpu.memory_space<hbm>> -> memref<10000x128xf32, #tpu.memory_space<hbm>>
      tpu.enqueue_indirect_dma source(%dma_start3A_205 : memref<10000x128xf32, #tpu.memory_space<hbm>>) target(%arg7 : memref<128x128xf32, #tpu.memory_space<vmem>>) offsets(%dma_start3A_202 : memref<128xi32, #tpu.memory_space<vmem>>) semaphore(%arg10 : memref<!tpu.dma_semaphore, #tpu.memory_space<semaphore_mem>>)
    }
    %scan3A_107 = arith.constant 20 : i32
    %dma_wait3A_108 = arith.constant 0 : i32
    %dma_wait3A_109 = arith.constant 40 : i32
    %dma_wait3A_110 = arith.constant 0 : i32
    %dma_wait3A_111 = tpu.memref_slice %arg5[%dma_wait3A_108, %dma_wait3A_109, %dma_wait3A_110] : memref<2x42x128xi32, #tpu.memory_space<vmem>> -> memref<1x1x128xi32, #tpu.memory_space<vmem>>
    %dma_wait3A_112 = tpu.memref_squeeze %dma_wait3A_111 : memref<1x1x128xi32, #tpu.memory_space<vmem>> -> memref<128xi32, #tpu.memory_space<vmem>>
    %dma_wait3A_113 = arith.constant 0 : i32
    %dma_wait3A_114 = arith.constant 0 : i32
    %dma_wait3A_115 = tpu.memref_slice %arg2[%dma_wait3A_113, %dma_wait3A_114] : memref<10000x128xf32, #tpu.memory_space<hbm>> -> memref<10000x128xf32, #tpu.memory_space<hbm>>
    tpu.wait_indirect_dma semaphore(%arg9 : memref<!tpu.dma_semaphore, #tpu.memory_space<semaphore_mem>>) src(%dma_wait3A_115 : memref<10000x128xf32, #tpu.memory_space<hbm>>) dst(%arg6 : memref<128x128xf32, #tpu.memory_space<vmem>>)
    %dma_wait3A_116 = arith.constant 0 : i32
    %dma_wait3A_117 = arith.constant 41 : i32
    %dma_wait3A_118 = arith.constant 0 : i32
    %dma_wait3A_119 = tpu.memref_slice %arg5[%dma_wait3A_116, %dma_wait3A_117, %dma_wait3A_118] : memref<2x42x128xi32, #tpu.memory_space<vmem>> -> memref<1x1x128xi32, #tpu.memory_space<vmem>>
    %dma_wait3A_120 = tpu.memref_squeeze %dma_wait3A_119 : memref<1x1x128xi32, #tpu.memory_space<vmem>> -> memref<128xi32, #tpu.memory_space<vmem>>
    %dma_wait3A_121 = arith.constant 0 : i32
    %dma_wait3A_122 = arith.constant 0 : i32
    %dma_wait3A_123 = tpu.memref_slice %arg2[%dma_wait3A_121, %dma_wait3A_122] : memref<10000x128xf32, #tpu.memory_space<hbm>> -> memref<10000x128xf32, #tpu.memory_space<hbm>>
    tpu.wait_indirect_dma semaphore(%arg10 : memref<!tpu.dma_semaphore, #tpu.memory_space<semaphore_mem>>) src(%dma_wait3A_123 : memref<10000x128xf32, #tpu.memory_space<hbm>>) dst(%arg7 : memref<128x128xf32, #tpu.memory_space<vmem>>)
    %run_scoped3A = arith.constant 1 : i32
    "tpu.region"() ({
      %run_scoped3A_165 = tpu.sem_alloc : memref<!tpu.dma_semaphore, #tpu.memory_space<semaphore_mem>>
      %dma_start3A_166 = arith.constant 0 : i32
      %dma_start3A_167 = arith.constant 0 : i32
      %dma_start3A_168 = arith.constant 0 : i32
      %dma_start3A_169 = tpu.memref_slice %arg3[%add3A, %run_scoped3A, %dma_start3A_166, %dma_start3A_167, %dma_start3A_168] : memref<32x2x2x42x128xi32, #tpu.memory_space<hbm>> -> memref<1x1x2x42x128xi32, #tpu.memory_space<hbm>>
      %dma_start3A_170 = tpu.memref_squeeze %dma_start3A_169 : memref<1x1x2x42x128xi32, #tpu.memory_space<hbm>> -> memref<2x42x128xi32, #tpu.memory_space<hbm>>
      %dma_start3A_171 = arith.constant 0 : i32
      %dma_start3A_172 = arith.constant 0 : i32
      %dma_start3A_173 = arith.constant 0 : i32
      %dma_start3A_174 = tpu.memref_slice %arg3[%add3A, %run_scoped3A, %dma_start3A_171, %dma_start3A_172, %dma_start3A_173] : memref<32x2x2x42x128xi32, #tpu.memory_space<hbm>> -> memref<1x1x2x42x128xi32, #tpu.memory_space<hbm>>
      %dma_start3A_175 = tpu.memref_squeeze %dma_start3A_174 : memref<1x1x2x42x128xi32, #tpu.memory_space<hbm>> -> memref<2x42x128xi32, #tpu.memory_space<hbm>>
      tpu.enqueue_dma source(%dma_start3A_175 : memref<2x42x128xi32, #tpu.memory_space<hbm>>) target(%arg5 : memref<2x42x128xi32, #tpu.memory_space<vmem>>) target_semaphore(%run_scoped3A_165 : memref<!tpu.dma_semaphore, #tpu.memory_space<semaphore_mem>>)
      %dma_wait3A_176 = arith.constant 0 : i32
      %dma_wait3A_177 = arith.constant 0 : i32
      %dma_wait3A_178 = arith.constant 0 : i32
      %dma_wait3A_179 = tpu.memref_slice %arg3[%add3A, %run_scoped3A, %dma_wait3A_176, %dma_wait3A_177, %dma_wait3A_178] : memref<32x2x2x42x128xi32, #tpu.memory_space<hbm>> -> memref<1x1x2x42x128xi32, #tpu.memory_space<hbm>>
      %dma_wait3A_180 = tpu.memref_squeeze %dma_wait3A_179 : memref<1x1x2x42x128xi32, #tpu.memory_space<hbm>> -> memref<2x42x128xi32, #tpu.memory_space<hbm>>
      %dma_wait3A_181 = arith.constant 0 : i32
      %dma_wait3A_182 = arith.constant 0 : i32
      %dma_wait3A_183 = arith.constant 0 : i32
      %dma_wait3A_184 = tpu.memref_slice %arg3[%add3A, %run_scoped3A, %dma_wait3A_181, %dma_wait3A_182, %dma_wait3A_183] : memref<32x2x2x42x128xi32, #tpu.memory_space<hbm>> -> memref<1x1x2x42x128xi32, #tpu.memory_space<hbm>>
      %dma_wait3A_185 = tpu.memref_squeeze %dma_wait3A_184 : memref<1x1x2x42x128xi32, #tpu.memory_space<hbm>> -> memref<2x42x128xi32, #tpu.memory_space<hbm>>
      tpu.wait_dma2 semaphore(%run_scoped3A_165 : memref<!tpu.dma_semaphore, #tpu.memory_space<semaphore_mem>>) src(%dma_wait3A_185 : memref<2x42x128xi32, #tpu.memory_space<hbm>>) dst(%arg5 : memref<2x42x128xi32, #tpu.memory_space<vmem>>)
      tpu.yield
    }) : () -> ()
    %dma_start3A_124 = arith.constant 0 : i32
    %dma_start3A_125 = arith.constant 0 : i32
    %dma_start3A_126 = arith.constant 0 : i32
    %dma_start3A_127 = tpu.memref_slice %arg5[%dma_start3A_124, %dma_start3A_125, %dma_start3A_126] : memref<2x42x128xi32, #tpu.memory_space<vmem>> -> memref<1x1x128xi32, #tpu.memory_space<vmem>>
    %dma_start3A_128 = tpu.memref_squeeze %dma_start3A_127 : memref<1x1x128xi32, #tpu.memory_space<vmem>> -> memref<128xi32, #tpu.memory_space<vmem>>
    %dma_start3A_129 = arith.constant 0 : i32
    %dma_start3A_130 = arith.constant 0 : i32
    %dma_start3A_131 = tpu.memref_slice %arg2[%dma_start3A_129, %dma_start3A_130] : memref<10000x128xf32, #tpu.memory_space<hbm>> -> memref<10000x128xf32, #tpu.memory_space<hbm>>
    tpu.enqueue_indirect_dma source(%dma_start3A_131 : memref<10000x128xf32, #tpu.memory_space<hbm>>) target(%arg6 : memref<128x128xf32, #tpu.memory_space<vmem>>) offsets(%dma_start3A_128 : memref<128xi32, #tpu.memory_space<vmem>>) semaphore(%arg9 : memref<!tpu.dma_semaphore, #tpu.memory_space<semaphore_mem>>)
    %dma_start3A_132 = arith.constant 0 : i32
    %dma_start3A_133 = arith.constant 1 : i32
    %dma_start3A_134 = arith.constant 0 : i32
    %dma_start3A_135 = tpu.memref_slice %arg5[%dma_start3A_132, %dma_start3A_133, %dma_start3A_134] : memref<2x42x128xi32, #tpu.memory_space<vmem>> -> memref<1x1x128xi32, #tpu.memory_space<vmem>>
    %dma_start3A_136 = tpu.memref_squeeze %dma_start3A_135 : memref<1x1x128xi32, #tpu.memory_space<vmem>> -> memref<128xi32, #tpu.memory_space<vmem>>
    %dma_start3A_137 = arith.constant 0 : i32
    %dma_start3A_138 = arith.constant 0 : i32
    %dma_start3A_139 = tpu.memref_slice %arg2[%dma_start3A_137, %dma_start3A_138] : memref<10000x128xf32, #tpu.memory_space<hbm>> -> memref<10000x128xf32, #tpu.memory_space<hbm>>
    tpu.enqueue_indirect_dma source(%dma_start3A_139 : memref<10000x128xf32, #tpu.memory_space<hbm>>) target(%arg7 : memref<128x128xf32, #tpu.memory_space<vmem>>) offsets(%dma_start3A_136 : memref<128xi32, #tpu.memory_space<vmem>>) semaphore(%arg10 : memref<!tpu.dma_semaphore, #tpu.memory_space<semaphore_mem>>)
    %scan3A_140 = arith.constant 0 : i32
    %scan3A_141 = arith.constant 0 : i32
    %scan3A_142 = arith.constant 20 : i32
    %scan3A_143 = arith.addi %scan3A_141, %scan3A_142 : i32
    %scan3A_144 = arith.constant 1 : i32
    scf.for %scan3A_165 = %scan3A_141 to %scan3A_143 step %scan3A_144  : i32 {
      %mul3A_166 = arith.constant 2 : i32
      %mul3A_167 = arith.muli %mul3A_166, %scan3A_165 : i32
      %dma_wait3A_168 = arith.constant 0 : i32
      %dma_wait3A_169 = arith.constant 0 : i32
      %dma_wait3A_170 = tpu.memref_slice %arg5[%dma_wait3A_168, %mul3A_167, %dma_wait3A_169] : memref<2x42x128xi32, #tpu.memory_space<vmem>> -> memref<1x1x128xi32, #tpu.memory_space<vmem>>
      %dma_wait3A_171 = tpu.memref_squeeze %dma_wait3A_170 : memref<1x1x128xi32, #tpu.memory_space<vmem>> -> memref<128xi32, #tpu.memory_space<vmem>>
      %dma_wait3A_172 = arith.constant 0 : i32
      %dma_wait3A_173 = arith.constant 0 : i32
      %dma_wait3A_174 = tpu.memref_slice %arg2[%dma_wait3A_172, %dma_wait3A_173] : memref<10000x128xf32, #tpu.memory_space<hbm>> -> memref<10000x128xf32, #tpu.memory_space<hbm>>
      tpu.wait_indirect_dma semaphore(%arg9 : memref<!tpu.dma_semaphore, #tpu.memory_space<semaphore_mem>>) src(%dma_wait3A_174 : memref<10000x128xf32, #tpu.memory_space<hbm>>) dst(%arg6 : memref<128x128xf32, #tpu.memory_space<vmem>>)
      %run_scoped3A_175 = arith.constant 1 : i32
      "tpu.region"() ({
        %run_scoped3A_206 = tpu.sem_alloc : memref<!tpu.dma_semaphore, #tpu.memory_space<semaphore_mem>>
        %dma_start3A_207 = arith.constant 0 : i32
        %dma_start3A_208 = tpu.memref_slice %arg5[%run_scoped3A_175, %mul3A_167, %dma_start3A_207] : memref<2x42x128xi32, #tpu.memory_space<vmem>> -> memref<1x1x128xi32, #tpu.memory_space<vmem>>
        %dma_start3A_209 = tpu.memref_squeeze %dma_start3A_208 : memref<1x1x128xi32, #tpu.memory_space<vmem>> -> memref<128xi32, #tpu.memory_space<vmem>>
        %dma_start3A_210 = arith.constant 0 : i32
        %dma_start3A_211 = arith.constant 0 : i32
        %dma_start3A_212 = tpu.memref_slice %arg8[%dma_start3A_210, %dma_start3A_211] : memref<10240x128xf32, #tpu.memory_space<vmem_shared>> -> memref<10240x128xf32, #tpu.memory_space<vmem_shared>>
        tpu.enqueue_indirect_dma source(%arg6 : memref<128x128xf32, #tpu.memory_space<vmem>>) target(%dma_start3A_212 : memref<10240x128xf32, #tpu.memory_space<vmem_shared>>) offsets(%dma_start3A_209 : memref<128xi32, #tpu.memory_space<vmem>>) semaphore(%run_scoped3A_206 : memref<!tpu.dma_semaphore, #tpu.memory_space<semaphore_mem>>) {add = true}
        %dma_wait3A_213 = arith.constant 0 : i32
        %dma_wait3A_214 = tpu.memref_slice %arg5[%run_scoped3A_175, %mul3A_167, %dma_wait3A_213] : memref<2x42x128xi32, #tpu.memory_space<vmem>> -> memref<1x1x128xi32, #tpu.memory_space<vmem>>
        %dma_wait3A_215 = tpu.memref_squeeze %dma_wait3A_214 : memref<1x1x128xi32, #tpu.memory_space<vmem>> -> memref<128xi32, #tpu.memory_space<vmem>>
        %dma_wait3A_216 = arith.constant 0 : i32
        %dma_wait3A_217 = arith.constant 0 : i32
        %dma_wait3A_218 = tpu.memref_slice %arg8[%dma_wait3A_216, %dma_wait3A_217] : memref<10240x128xf32, #tpu.memory_space<vmem_shared>> -> memref<10240x128xf32, #tpu.memory_space<vmem_shared>>
        tpu.wait_indirect_dma semaphore(%run_scoped3A_206 : memref<!tpu.dma_semaphore, #tpu.memory_space<semaphore_mem>>) src(%arg6 : memref<128x128xf32, #tpu.memory_space<vmem>>) dst(%dma_wait3A_218 : memref<10240x128xf32, #tpu.memory_space<vmem_shared>>)
        tpu.yield
      }) : () -> ()
      %add3A_176 = arith.constant 2 : i32
      %add3A_177 = arith.addi %mul3A_167, %add3A_176 : i32
      %dma_start3A_178 = arith.constant 0 : i32
      %dma_start3A_179 = arith.constant 0 : i32
      %dma_start3A_180 = tpu.memref_slice %arg5[%dma_start3A_178, %add3A_177, %dma_start3A_179] : memref<2x42x128xi32, #tpu.memory_space<vmem>> -> memref<1x1x128xi32, #tpu.memory_space<vmem>>
      %dma_start3A_181 = tpu.memref_squeeze %dma_start3A_180 : memref<1x1x128xi32, #tpu.memory_space<vmem>> -> memref<128xi32, #tpu.memory_space<vmem>>
      %dma_start3A_182 = arith.constant 0 : i32
      %dma_start3A_183 = arith.constant 0 : i32
      %dma_start3A_184 = tpu.memref_slice %arg2[%dma_start3A_182, %dma_start3A_183] : memref<10000x128xf32, #tpu.memory_space<hbm>> -> memref<10000x128xf32, #tpu.memory_space<hbm>>
      tpu.enqueue_indirect_dma source(%dma_start3A_184 : memref<10000x128xf32, #tpu.memory_space<hbm>>) target(%arg6 : memref<128x128xf32, #tpu.memory_space<vmem>>) offsets(%dma_start3A_181 : memref<128xi32, #tpu.memory_space<vmem>>) semaphore(%arg9 : memref<!tpu.dma_semaphore, #tpu.memory_space<semaphore_mem>>)
      %add3A_185 = arith.constant 1 : i32
      %add3A_186 = arith.addi %mul3A_167, %add3A_185 : i32
      %dma_wait3A_187 = arith.constant 0 : i32
      %dma_wait3A_188 = arith.constant 0 : i32
      %dma_wait3A_189 = tpu.memref_slice %arg5[%dma_wait3A_187, %add3A_186, %dma_wait3A_188] : memref<2x42x128xi32, #tpu.memory_space<vmem>> -> memref<1x1x128xi32, #tpu.memory_space<vmem>>
      %dma_wait3A_190 = tpu.memref_squeeze %dma_wait3A_189 : memref<1x1x128xi32, #tpu.memory_space<vmem>> -> memref<128xi32, #tpu.memory_space<vmem>>
      %dma_wait3A_191 = arith.constant 0 : i32
      %dma_wait3A_192 = arith.constant 0 : i32
      %dma_wait3A_193 = tpu.memref_slice %arg2[%dma_wait3A_191, %dma_wait3A_192] : memref<10000x128xf32, #tpu.memory_space<hbm>> -> memref<10000x128xf32, #tpu.memory_space<hbm>>
      tpu.wait_indirect_dma semaphore(%arg10 : memref<!tpu.dma_semaphore, #tpu.memory_space<semaphore_mem>>) src(%dma_wait3A_193 : memref<10000x128xf32, #tpu.memory_space<hbm>>) dst(%arg7 : memref<128x128xf32, #tpu.memory_space<vmem>>)
      %add3A_194 = arith.constant 1 : i32
      %add3A_195 = arith.addi %mul3A_167, %add3A_194 : i32
      %run_scoped3A_196 = arith.constant 1 : i32
      "tpu.region"() ({
        %run_scoped3A_206 = tpu.sem_alloc : memref<!tpu.dma_semaphore, #tpu.memory_space<semaphore_mem>>
        %dma_start3A_207 = arith.constant 0 : i32
        %dma_start3A_208 = tpu.memref_slice %arg5[%run_scoped3A_196, %add3A_195, %dma_start3A_207] : memref<2x42x128xi32, #tpu.memory_space<vmem>> -> memref<1x1x128xi32, #tpu.memory_space<vmem>>
        %dma_start3A_209 = tpu.memref_squeeze %dma_start3A_208 : memref<1x1x128xi32, #tpu.memory_space<vmem>> -> memref<128xi32, #tpu.memory_space<vmem>>
        %dma_start3A_210 = arith.constant 0 : i32
        %dma_start3A_211 = arith.constant 0 : i32
        %dma_start3A_212 = tpu.memref_slice %arg8[%dma_start3A_210, %dma_start3A_211] : memref<10240x128xf32, #tpu.memory_space<vmem_shared>> -> memref<10240x128xf32, #tpu.memory_space<vmem_shared>>
        tpu.enqueue_indirect_dma source(%arg7 : memref<128x128xf32, #tpu.memory_space<vmem>>) target(%dma_start3A_212 : memref<10240x128xf32, #tpu.memory_space<vmem_shared>>) offsets(%dma_start3A_209 : memref<128xi32, #tpu.memory_space<vmem>>) semaphore(%run_scoped3A_206 : memref<!tpu.dma_semaphore, #tpu.memory_space<semaphore_mem>>) {add = true}
        %dma_wait3A_213 = arith.constant 0 : i32
        %dma_wait3A_214 = tpu.memref_slice %arg5[%run_scoped3A_196, %add3A_195, %dma_wait3A_213] : memref<2x42x128xi32, #tpu.memory_space<vmem>> -> memref<1x1x128xi32, #tpu.memory_space<vmem>>
        %dma_wait3A_215 = tpu.memref_squeeze %dma_wait3A_214 : memref<1x1x128xi32, #tpu.memory_space<vmem>> -> memref<128xi32, #tpu.memory_space<vmem>>
        %dma_wait3A_216 = arith.constant 0 : i32
        %dma_wait3A_217 = arith.constant 0 : i32
        %dma_wait3A_218 = tpu.memref_slice %arg8[%dma_wait3A_216, %dma_wait3A_217] : memref<10240x128xf32, #tpu.memory_space<vmem_shared>> -> memref<10240x128xf32, #tpu.memory_space<vmem_shared>>
        tpu.wait_indirect_dma semaphore(%run_scoped3A_206 : memref<!tpu.dma_semaphore, #tpu.memory_space<semaphore_mem>>) src(%arg7 : memref<128x128xf32, #tpu.memory_space<vmem>>) dst(%dma_wait3A_218 : memref<10240x128xf32, #tpu.memory_space<vmem_shared>>)
        tpu.yield
      }) : () -> ()
      %add3A_197 = arith.constant 3 : i32
      %add3A_198 = arith.addi %mul3A_167, %add3A_197 : i32
      %dma_start3A_199 = arith.constant 0 : i32
      %dma_start3A_200 = arith.constant 0 : i32
      %dma_start3A_201 = tpu.memref_slice %arg5[%dma_start3A_199, %add3A_198, %dma_start3A_200] : memref<2x42x128xi32, #tpu.memory_space<vmem>> -> memref<1x1x128xi32, #tpu.memory_space<vmem>>
      %dma_start3A_202 = tpu.memref_squeeze %dma_start3A_201 : memref<1x1x128xi32, #tpu.memory_space<vmem>> -> memref<128xi32, #tpu.memory_space<vmem>>
      %dma_start3A_203 = arith.constant 0 : i32
      %dma_start3A_204 = arith.constant 0 : i32
      %dma_start3A_205 = tpu.memref_slice %arg2[%dma_start3A_203, %dma_start3A_204] : memref<10000x128xf32, #tpu.memory_space<hbm>> -> memref<10000x128xf32, #tpu.memory_space<hbm>>
      tpu.enqueue_indirect_dma source(%dma_start3A_205 : memref<10000x128xf32, #tpu.memory_space<hbm>>) target(%arg7 : memref<128x128xf32, #tpu.memory_space<vmem>>) offsets(%dma_start3A_202 : memref<128xi32, #tpu.memory_space<vmem>>) semaphore(%arg10 : memref<!tpu.dma_semaphore, #tpu.memory_space<semaphore_mem>>)
    }
    %scan3A_145 = arith.constant 20 : i32
    %dma_wait3A_146 = arith.constant 0 : i32
    %dma_wait3A_147 = arith.constant 40 : i32
    %dma_wait3A_148 = arith.constant 0 : i32
    %dma_wait3A_149 = tpu.memref_slice %arg5[%dma_wait3A_146, %dma_wait3A_147, %dma_wait3A_148] : memref<2x42x128xi32, #tpu.memory_space<vmem>> -> memref<1x1x128xi32, #tpu.memory_space<vmem>>
    %dma_wait3A_150 = tpu.memref_squeeze %dma_wait3A_149 : memref<1x1x128xi32, #tpu.memory_space<vmem>> -> memref<128xi32, #tpu.memory_space<vmem>>
    %dma_wait3A_151 = arith.constant 0 : i32
    %dma_wait3A_152 = arith.constant 0 : i32
    %dma_wait3A_153 = tpu.memref_slice %arg2[%dma_wait3A_151, %dma_wait3A_152] : memref<10000x128xf32, #tpu.memory_space<hbm>> -> memref<10000x128xf32, #tpu.memory_space<hbm>>
    tpu.wait_indirect_dma semaphore(%arg9 : memref<!tpu.dma_semaphore, #tpu.memory_space<semaphore_mem>>) src(%dma_wait3A_153 : memref<10000x128xf32, #tpu.memory_space<hbm>>) dst(%arg6 : memref<128x128xf32, #tpu.memory_space<vmem>>)
    %dma_wait3A_154 = arith.constant 0 : i32
    %dma_wait3A_155 = arith.constant 41 : i32
    %dma_wait3A_156 = arith.constant 0 : i32
    %dma_wait3A_157 = tpu.memref_slice %arg5[%dma_wait3A_154, %dma_wait3A_155, %dma_wait3A_156] : memref<2x42x128xi32, #tpu.memory_space<vmem>> -> memref<1x1x128xi32, #tpu.memory_space<vmem>>
    %dma_wait3A_158 = tpu.memref_squeeze %dma_wait3A_157 : memref<1x1x128xi32, #tpu.memory_space<vmem>> -> memref<128xi32, #tpu.memory_space<vmem>>
    %dma_wait3A_159 = arith.constant 0 : i32
    %dma_wait3A_160 = arith.constant 0 : i32
    %dma_wait3A_161 = tpu.memref_slice %arg2[%dma_wait3A_159, %dma_wait3A_160] : memref<10000x128xf32, #tpu.memory_space<hbm>> -> memref<10000x128xf32, #tpu.memory_space<hbm>>
    tpu.wait_indirect_dma semaphore(%arg10 : memref<!tpu.dma_semaphore, #tpu.memory_space<semaphore_mem>>) src(%dma_wait3A_161 : memref<10000x128xf32, #tpu.memory_space<hbm>>) dst(%arg7 : memref<128x128xf32, #tpu.memory_space<vmem>>)
    %barrier3A_162 = arith.constant 0 : index
    tpu.barrier barrier_id(%barrier3A_162)
    %mul3A_163 = arith.constant 640 : i32
    %mul3A_164 = arith.muli %arg1, %mul3A_163 : i32
    "tpu.region"() ({
      %run_scoped3A_165 = tpu.sem_alloc : memref<!tpu.dma_semaphore, #tpu.memory_space<semaphore_mem>>
      %dma_start3A_166 = arith.constant 0 : i32
      %dma_start3A_167 = arith.constant 0 : i32
      %dma_start3A_168 = tpu.memref_slice %arg4[%arg0, %arg1, %dma_start3A_166, %dma_start3A_167] : memref<2x16x640x128xf32, #tpu.memory_space<hbm>> -> memref<1x1x640x128xf32, #tpu.memory_space<hbm>>
      %dma_start3A_169 = tpu.memref_squeeze %dma_start3A_168 : memref<1x1x640x128xf32, #tpu.memory_space<hbm>> -> memref<640x128xf32, #tpu.memory_space<hbm>>
      %dma_start3A_170 = arith.constant 0 : i32
      %dma_start3A_171 = tpu.memref_slice %arg8[%mul3A_164, %dma_start3A_170] : memref<10240x128xf32, #tpu.memory_space<vmem_shared>> -> memref<640x128xf32, #tpu.memory_space<vmem_shared>>
      tpu.enqueue_dma source(%dma_start3A_171 : memref<640x128xf32, #tpu.memory_space<vmem_shared>>) target(%dma_start3A_169 : memref<640x128xf32, #tpu.memory_space<hbm>>) target_semaphore(%run_scoped3A_165 : memref<!tpu.dma_semaphore, #tpu.memory_space<semaphore_mem>>)
      %dma_wait3A_172 = arith.constant 0 : i32
      %dma_wait3A_173 = arith.constant 0 : i32
      %dma_wait3A_174 = tpu.memref_slice %arg4[%arg0, %arg1, %dma_wait3A_172, %dma_wait3A_173] : memref<2x16x640x128xf32, #tpu.memory_space<hbm>> -> memref<1x1x640x128xf32, #tpu.memory_space<hbm>>
      %dma_wait3A_175 = tpu.memref_squeeze %dma_wait3A_174 : memref<1x1x640x128xf32, #tpu.memory_space<hbm>> -> memref<640x128xf32, #tpu.memory_space<hbm>>
      %dma_wait3A_176 = arith.constant 0 : i32
      %dma_wait3A_177 = tpu.memref_slice %arg8[%mul3A_164, %dma_wait3A_176] : memref<10240x128xf32, #tpu.memory_space<vmem_shared>> -> memref<640x128xf32, #tpu.memory_space<vmem_shared>>
      tpu.wait_dma2 semaphore(%run_scoped3A_165 : memref<!tpu.dma_semaphore, #tpu.memory_space<semaphore_mem>>) src(%dma_wait3A_177 : memref<640x128xf32, #tpu.memory_space<vmem_shared>>) dst(%dma_wait3A_175 : memref<640x128xf32, #tpu.memory_space<hbm>>)
      tpu.yield
    }) : () -> ()
    return
  }
}

#map = affine_map<(d0, d1) -> (0, 0)>
#map1 = affine_map<(d0, d1) -> (0, 0, 0, 0, 0)>
#map2 = affine_map<(d0, d1) -> (0, 0, 0, 0)>
module attributes {stable_mosaic.version = 14 : i64} {
  func.func @sc_segment_sum(%arg0: i32, %arg1: i32, %arg2: memref<10000x128xf32, #tpu.memory_space<hbm>>, %arg3: memref<32x2x2x42x128xi32, #tpu.memory_space<hbm>>, %arg4: memref<2x16x640x128xf32, #tpu.memory_space<hbm>>, %arg5: memref<2x42x128xi32, #tpu.memory_space<vmem>>, %arg6: memref<128x128xf32, #tpu.memory_space<vmem>>, %arg7: memref<128x128xf32, #tpu.memory_space<vmem>>, %arg8: memref<10240x128xf32, #tpu.memory_space<vmem_shared>>, %arg9: memref<!tpu.dma_semaphore, #tpu.memory_space<semaphore_mem>>, %arg10: memref<!tpu.dma_semaphore, #tpu.memory_space<semaphore_mem>>, %arg11: memref<!tpu.dma_semaphore, #tpu.memory_space<semaphore_mem>>) attributes {dimension_semantics = [#tpu.dimension_semantics<core_parallel>, #tpu.dimension_semantics<subcore_parallel>], iteration_bounds = array<i64: 2, 16>, scalar_prefetch = 0 : i64, scratch_operands = 7 : i64, tpu.core_type = #tpu.core_type<sc_vector_subcore>, window_params = [{transform_indices = #map}, {transform_indices = #map1}, {transform_indices = #map2}]} {
    %mul3A = arith.constant 2 : i32
    %mul3A_0 = arith.muli %arg1, %mul3A : i32
    %add3A = arith.addi %mul3A_0, %arg0 : i32
    %dma_start3A = arith.constant 0 : i32
    %dma_start3A_1 = arith.constant 0 : i32
    %dma_start3A_2 = arith.constant 0 : i32
    %dma_start3A_3 = arith.constant 0 : i32
    %dma_start3A_4 = tpu.memref_slice %arg3[%add3A, %dma_start3A, %dma_start3A_1, %dma_start3A_2, %dma_start3A_3] : memref<32x2x2x42x128xi32, #tpu.memory_space<hbm>> -> memref<1x1x2x42x128xi32, #tpu.memory_space<hbm>>
    %dma_start3A_5 = tpu.memref_squeeze %dma_start3A_4 : memref<1x1x2x42x128xi32, #tpu.memory_space<hbm>> -> memref<2x42x128xi32, #tpu.memory_space<hbm>>
    %dma_start3A_6 = arith.constant 0 : i32
    %dma_start3A_7 = arith.constant 0 : i32
    %dma_start3A_8 = arith.constant 0 : i32
    %dma_start3A_9 = tpu.memref_slice %arg3[%add3A, %dma_start3A, %dma_start3A_6, %dma_start3A_7, %dma_start3A_8] : memref<32x2x2x42x128xi32, #tpu.memory_space<hbm>> -> memref<1x1x2x42x128xi32, #tpu.memory_space<hbm>>
    %dma_start3A_10 = tpu.memref_squeeze %dma_start3A_9 : memref<1x1x2x42x128xi32, #tpu.memory_space<hbm>> -> memref<2x42x128xi32, #tpu.memory_space<hbm>>
    tpu.enqueue_dma source(%dma_start3A_10 : memref<2x42x128xi32, #tpu.memory_space<hbm>>) target(%arg5 : memref<2x42x128xi32, #tpu.memory_space<vmem>>) target_semaphore(%arg11 : memref<!tpu.dma_semaphore, #tpu.memory_space<semaphore_mem>>)
    %scan3A = arith.constant 0 : i32
    %scan3A_11 = arith.constant 0 : i32
    %scan3A_12 = arith.constant 128 : i32
    %scan3A_13 = arith.addi %scan3A_11, %scan3A_12 : i32
    %scan3A_14 = arith.constant 1 : i32
    scf.for %scan3A_165 = %scan3A_11 to %scan3A_13 step %scan3A_14  : i32 {
      %broadcast_in_dim3A = arith.constant 0.000000e+00 : f32
      %broadcast_in_dim3A_166 = vector.broadcast %broadcast_in_dim3A : f32 to vector<16xf32>
      %swap3A = arith.index_cast %scan3A_165 : i32 to index
      %swap3A_167 = arith.constant 0 : index
      %swap3A_168 = tpu.vector_load %arg6[%swap3A, %swap3A_167] {strides = array<i32>} : memref<128x128xf32, #tpu.memory_space<vmem>>, vector<1x16xf32>,
      %swap3A_169 = vector.shape_cast %swap3A_168 : vector<1x16xf32> to vector<16xf32>
      %swap3A_170 = vector.shape_cast %broadcast_in_dim3A_166 : vector<16xf32> to vector<1x16xf32>
      tpu.vector_store %arg6[%swap3A, %swap3A_167], %swap3A_170 {strides = array<i32>} : memref<128x128xf32, #tpu.memory_space<vmem>>, vector<1x16xf32>,
      %broadcast_in_dim3A_171 = arith.constant 0.000000e+00 : f32
      %broadcast_in_dim3A_172 = vector.broadcast %broadcast_in_dim3A_171 : f32 to vector<16xf32>
      %swap3A_173 = arith.index_cast %scan3A_165 : i32 to index
      %swap3A_174 = arith.constant 16 : index
      %swap3A_175 = tpu.vector_load %arg6[%swap3A_173, %swap3A_174] {strides = array<i32>} : memref<128x128xf32, #tpu.memory_space<vmem>>, vector<1x16xf32>,
      %swap3A_176 = vector.shape_cast %swap3A_175 : vector<1x16xf32> to vector<16xf32>
      %swap3A_177 = vector.shape_cast %broadcast_in_dim3A_172 : vector<16xf32> to vector<1x16xf32>
      tpu.vector_store %arg6[%swap3A_173, %swap3A_174], %swap3A_177 {strides = array<i32>} : memref<128x128xf32, #tpu.memory_space<vmem>>, vector<1x16xf32>,
      %broadcast_in_dim3A_178 = arith.constant 0.000000e+00 : f32
      %broadcast_in_dim3A_179 = vector.broadcast %broadcast_in_dim3A_178 : f32 to vector<16xf32>
      %swap3A_180 = arith.index_cast %scan3A_165 : i32 to index
      %swap3A_181 = arith.constant 32 : index
      %swap3A_182 = tpu.vector_load %arg6[%swap3A_180, %swap3A_181] {strides = array<i32>} : memref<128x128xf32, #tpu.memory_space<vmem>>, vector<1x16xf32>,
      %swap3A_183 = vector.shape_cast %swap3A_182 : vector<1x16xf32> to vector<16xf32>
      %swap3A_184 = vector.shape_cast %broadcast_in_dim3A_179 : vector<16xf32> to vector<1x16xf32>
      tpu.vector_store %arg6[%swap3A_180, %swap3A_181], %swap3A_184 {strides = array<i32>} : memref<128x128xf32, #tpu.memory_space<vmem>>, vector<1x16xf32>,
      %broadcast_in_dim3A_185 = arith.constant 0.000000e+00 : f32
      %broadcast_in_dim3A_186 = vector.broadcast %broadcast_in_dim3A_185 : f32 to vector<16xf32>
      %swap3A_187 = arith.index_cast %scan3A_165 : i32 to index
      %swap3A_188 = arith.constant 48 : index
      %swap3A_189 = tpu.vector_load %arg6[%swap3A_187, %swap3A_188] {strides = array<i32>} : memref<128x128xf32, #tpu.memory_space<vmem>>, vector<1x16xf32>,
      %swap3A_190 = vector.shape_cast %swap3A_189 : vector<1x16xf32> to vector<16xf32>
      %swap3A_191 = vector.shape_cast %broadcast_in_dim3A_186 : vector<16xf32> to vector<1x16xf32>
      tpu.vector_store %arg6[%swap3A_187, %swap3A_188], %swap3A_191 {strides = array<i32>} : memref<128x128xf32, #tpu.memory_space<vmem>>, vector<1x16xf32>,
      %broadcast_in_dim3A_192 = arith.constant 0.000000e+00 : f32
      %broadcast_in_dim3A_193 = vector.broadcast %broadcast_in_dim3A_192 : f32 to vector<16xf32>
      %swap3A_194 = arith.index_cast %scan3A_165 : i32 to index
      %swap3A_195 = arith.constant 64 : index
      %swap3A_196 = tpu.vector_load %arg6[%swap3A_194, %swap3A_195] {strides = array<i32>} : memref<128x128xf32, #tpu.memory_space<vmem>>, vector<1x16xf32>,
      %swap3A_197 = vector.shape_cast %swap3A_196 : vector<1x16xf32> to vector<16xf32>
      %swap3A_198 = vector.shape_cast %broadcast_in_dim3A_193 : vector<16xf32> to vector<1x16xf32>
      tpu.vector_store %arg6[%swap3A_194, %swap3A_195], %swap3A_198 {strides = array<i32>} : memref<128x128xf32, #tpu.memory_space<vmem>>, vector<1x16xf32>,
      %broadcast_in_dim3A_199 = arith.constant 0.000000e+00 : f32
      %broadcast_in_dim3A_200 = vector.broadcast %broadcast_in_dim3A_199 : f32 to vector<16xf32>
      %swap3A_201 = arith.index_cast %scan3A_165 : i32 to index
      %swap3A_202 = arith.constant 80 : index
      %swap3A_203 = tpu.vector_load %arg6[%swap3A_201, %swap3A_202] {strides = array<i32>} : memref<128x128xf32, #tpu.memory_space<vmem>>, vector<1x16xf32>,
      %swap3A_204 = vector.shape_cast %swap3A_203 : vector<1x16xf32> to vector<16xf32>
      %swap3A_205 = vector.shape_cast %broadcast_in_dim3A_200 : vector<16xf32> to vector<1x16xf32>
      tpu.vector_store %arg6[%swap3A_201, %swap3A_202], %swap3A_205 {strides = array<i32>} : memref<128x128xf32, #tpu.memory_space<vmem>>, vector<1x16xf32>,
      %broadcast_in_dim3A_206 = arith.constant 0.000000e+00 : f32
      %broadcast_in_dim3A_207 = vector.broadcast %broadcast_in_dim3A_206 : f32 to vector<16xf32>
      %swap3A_208 = arith.index_cast %scan3A_165 : i32 to index
      %swap3A_209 = arith.constant 96 : index
      %swap3A_210 = tpu.vector_load %arg6[%swap3A_208, %swap3A_209] {strides = array<i32>} : memref<128x128xf32, #tpu.memory_space<vmem>>, vector<1x16xf32>,
      %swap3A_211 = vector.shape_cast %swap3A_210 : vector<1x16xf32> to vector<16xf32>
      %swap3A_212 = vector.shape_cast %broadcast_in_dim3A_207 : vector<16xf32> to vector<1x16xf32>
      tpu.vector_store %arg6[%swap3A_208, %swap3A_209], %swap3A_212 {strides = array<i32>} : memref<128x128xf32, #tpu.memory_space<vmem>>, vector<1x16xf32>,
      %broadcast_in_dim3A_213 = arith.constant 0.000000e+00 : f32
      %broadcast_in_dim3A_214 = vector.broadcast %broadcast_in_dim3A_213 : f32 to vector<16xf32>
      %swap3A_215 = arith.index_cast %scan3A_165 : i32 to index
      %swap3A_216 = arith.constant 112 : index
      %swap3A_217 = tpu.vector_load %arg6[%swap3A_215, %swap3A_216] {strides = array<i32>} : memref<128x128xf32, #tpu.memory_space<vmem>>, vector<1x16xf32>,
      %swap3A_218 = vector.shape_cast %swap3A_217 : vector<1x16xf32> to vector<16xf32>
      %swap3A_219 = vector.shape_cast %broadcast_in_dim3A_214 : vector<16xf32> to vector<1x16xf32>
      tpu.vector_store %arg6[%swap3A_215, %swap3A_216], %swap3A_219 {strides = array<i32>} : memref<128x128xf32, #tpu.memory_space<vmem>>, vector<1x16xf32>,
    }
    %scan3A_15 = arith.constant 128 : i32
    %mul3A_16 = arith.constant 640 : i32
    %mul3A_17 = arith.muli %arg1, %mul3A_16 : i32
    %add3A_18 = arith.constant 0 : i32
    %add3A_19 = arith.addi %mul3A_17, %add3A_18 : i32
    %dma_start3A_20 = arith.constant 0 : i32
    %dma_start3A_21 = tpu.memref_slice %arg8[%add3A_19, %dma_start3A_20] : memref<10240x128xf32, #tpu.memory_space<vmem_shared>> -> memref<128x128xf32, #tpu.memory_space<vmem_shared>>
    %dma_start3A_22 = arith.constant 0 : i32
    %dma_start3A_23 = tpu.memref_slice %arg8[%add3A_19, %dma_start3A_22] : memref<10240x128xf32, #tpu.memory_space<vmem_shared>> -> memref<128x128xf32, #tpu.memory_space<vmem_shared>>
    tpu.enqueue_dma source(%arg6 : memref<128x128xf32, #tpu.memory_space<vmem>>) target(%dma_start3A_23 : memref<128x128xf32, #tpu.memory_space<vmem_shared>>) target_semaphore(%arg10 : memref<!tpu.dma_semaphore, #tpu.memory_space<semaphore_mem>>)
    %mul3A_24 = arith.constant 640 : i32
    %mul3A_25 = arith.muli %arg1, %mul3A_24 : i32
    %add3A_26 = arith.constant 128 : i32
    %add3A_27 = arith.addi %mul3A_25, %add3A_26 : i32
    %dma_start3A_28 = arith.constant 0 : i32
    %dma_start3A_29 = tpu.memref_slice %arg8[%add3A_27, %dma_start3A_28] : memref<10240x128xf32, #tpu.memory_space<vmem_shared>> -> memref<128x128xf32, #tpu.memory_space<vmem_shared>>
    %dma_start3A_30 = arith.constant 0 : i32
    %dma_start3A_31 = tpu.memref_slice %arg8[%add3A_27, %dma_start3A_30] : memref<10240x128xf32, #tpu.memory_space<vmem_shared>> -> memref<128x128xf32, #tpu.memory_space<vmem_shared>>
    tpu.enqueue_dma source(%arg6 : memref<128x128xf32, #tpu.memory_space<vmem>>) target(%dma_start3A_31 : memref<128x128xf32, #tpu.memory_space<vmem_shared>>) target_semaphore(%arg10 : memref<!tpu.dma_semaphore, #tpu.memory_space<semaphore_mem>>)
    %mul3A_32 = arith.constant 640 : i32
    %mul3A_33 = arith.muli %arg1, %mul3A_32 : i32
    %add3A_34 = arith.constant 256 : i32
    %add3A_35 = arith.addi %mul3A_33, %add3A_34 : i32
    %dma_start3A_36 = arith.constant 0 : i32
    %dma_start3A_37 = tpu.memref_slice %arg8[%add3A_35, %dma_start3A_36] : memref<10240x128xf32, #tpu.memory_space<vmem_shared>> -> memref<128x128xf32, #tpu.memory_space<vmem_shared>>
    %dma_start3A_38 = arith.constant 0 : i32
    %dma_start3A_39 = tpu.memref_slice %arg8[%add3A_35, %dma_start3A_38] : memref<10240x128xf32, #tpu.memory_space<vmem_shared>> -> memref<128x128xf32, #tpu.memory_space<vmem_shared>>
    tpu.enqueue_dma source(%arg6 : memref<128x128xf32, #tpu.memory_space<vmem>>) target(%dma_start3A_39 : memref<128x128xf32, #tpu.memory_space<vmem_shared>>) target_semaphore(%arg10 : memref<!tpu.dma_semaphore, #tpu.memory_space<semaphore_mem>>)
    %mul3A_40 = arith.constant 640 : i32
    %mul3A_41 = arith.muli %arg1, %mul3A_40 : i32
    %add3A_42 = arith.constant 384 : i32
    %add3A_43 = arith.addi %mul3A_41, %add3A_42 : i32
    %dma_start3A_44 = arith.constant 0 : i32
    %dma_start3A_45 = tpu.memref_slice %arg8[%add3A_43, %dma_start3A_44] : memref<10240x128xf32, #tpu.memory_space<vmem_shared>> -> memref<128x128xf32, #tpu.memory_space<vmem_shared>>
    %dma_start3A_46 = arith.constant 0 : i32
    %dma_start3A_47 = tpu.memref_slice %arg8[%add3A_43, %dma_start3A_46] : memref<10240x128xf32, #tpu.memory_space<vmem_shared>> -> memref<128x128xf32, #tpu.memory_space<vmem_shared>>
    tpu.enqueue_dma source(%arg6 : memref<128x128xf32, #tpu.memory_space<vmem>>) target(%dma_start3A_47 : memref<128x128xf32, #tpu.memory_space<vmem_shared>>) target_semaphore(%arg10 : memref<!tpu.dma_semaphore, #tpu.memory_space<semaphore_mem>>)
    %mul3A_48 = arith.constant 640 : i32
    %mul3A_49 = arith.muli %arg1, %mul3A_48 : i32
    %add3A_50 = arith.constant 512 : i32
    %add3A_51 = arith.addi %mul3A_49, %add3A_50 : i32
    %dma_start3A_52 = arith.constant 0 : i32
    %dma_start3A_53 = tpu.memref_slice %arg8[%add3A_51, %dma_start3A_52] : memref<10240x128xf32, #tpu.memory_space<vmem_shared>> -> memref<128x128xf32, #tpu.memory_space<vmem_shared>>
    %dma_start3A_54 = arith.constant 0 : i32
    %dma_start3A_55 = tpu.memref_slice %arg8[%add3A_51, %dma_start3A_54] : memref<10240x128xf32, #tpu.memory_space<vmem_shared>> -> memref<128x128xf32, #tpu.memory_space<vmem_shared>>
    tpu.enqueue_dma source(%arg6 : memref<128x128xf32, #tpu.memory_space<vmem>>) target(%dma_start3A_55 : memref<128x128xf32, #tpu.memory_space<vmem_shared>>) target_semaphore(%arg10 : memref<!tpu.dma_semaphore, #tpu.memory_space<semaphore_mem>>)
    %dma_wait3A = arith.constant 0 : i32
    %dma_wait3A_56 = tpu.memref_slice %arg8[%add3A_19, %dma_wait3A] : memref<10240x128xf32, #tpu.memory_space<vmem_shared>> -> memref<128x128xf32, #tpu.memory_space<vmem_shared>>
    %dma_wait3A_57 = arith.constant 0 : i32
    %dma_wait3A_58 = tpu.memref_slice %arg8[%add3A_19, %dma_wait3A_57] : memref<10240x128xf32, #tpu.memory_space<vmem_shared>> -> memref<128x128xf32, #tpu.memory_space<vmem_shared>>
    tpu.wait_dma2 semaphore(%arg10 : memref<!tpu.dma_semaphore, #tpu.memory_space<semaphore_mem>>) src(%arg6 : memref<128x128xf32, #tpu.memory_space<vmem>>) dst(%dma_wait3A_58 : memref<128x128xf32, #tpu.memory_space<vmem_shared>>)
    %dma_wait3A_59 = arith.constant 0 : i32
    %dma_wait3A_60 = tpu.memref_slice %arg8[%add3A_27, %dma_wait3A_59] : memref<10240x128xf32, #tpu.memory_space<vmem_shared>> -> memref<128x128xf32, #tpu.memory_space<vmem_shared>>
    %dma_wait3A_61 = arith.constant 0 : i32
    %dma_wait3A_62 = tpu.memref_slice %arg8[%add3A_27, %dma_wait3A_61] : memref<10240x128xf32, #tpu.memory_space<vmem_shared>> -> memref<128x128xf32, #tpu.memory_space<vmem_shared>>
    tpu.wait_dma2 semaphore(%arg10 : memref<!tpu.dma_semaphore, #tpu.memory_space<semaphore_mem>>) src(%arg6 : memref<128x128xf32, #tpu.memory_space<vmem>>) dst(%dma_wait3A_62 : memref<128x128xf32, #tpu.memory_space<vmem_shared>>)
    %dma_wait3A_63 = arith.constant 0 : i32
    %dma_wait3A_64 = tpu.memref_slice %arg8[%add3A_35, %dma_wait3A_63] : memref<10240x128xf32, #tpu.memory_space<vmem_shared>> -> memref<128x128xf32, #tpu.memory_space<vmem_shared>>
    %dma_wait3A_65 = arith.constant 0 : i32
    %dma_wait3A_66 = tpu.memref_slice %arg8[%add3A_35, %dma_wait3A_65] : memref<10240x128xf32, #tpu.memory_space<vmem_shared>> -> memref<128x128xf32, #tpu.memory_space<vmem_shared>>
    tpu.wait_dma2 semaphore(%arg10 : memref<!tpu.dma_semaphore, #tpu.memory_space<semaphore_mem>>) src(%arg6 : memref<128x128xf32, #tpu.memory_space<vmem>>) dst(%dma_wait3A_66 : memref<128x128xf32, #tpu.memory_space<vmem_shared>>)
    %dma_wait3A_67 = arith.constant 0 : i32
    %dma_wait3A_68 = tpu.memref_slice %arg8[%add3A_43, %dma_wait3A_67] : memref<10240x128xf32, #tpu.memory_space<vmem_shared>> -> memref<128x128xf32, #tpu.memory_space<vmem_shared>>
    %dma_wait3A_69 = arith.constant 0 : i32
    %dma_wait3A_70 = tpu.memref_slice %arg8[%add3A_43, %dma_wait3A_69] : memref<10240x128xf32, #tpu.memory_space<vmem_shared>> -> memref<128x128xf32, #tpu.memory_space<vmem_shared>>
    tpu.wait_dma2 semaphore(%arg10 : memref<!tpu.dma_semaphore, #tpu.memory_space<semaphore_mem>>) src(%arg6 : memref<128x128xf32, #tpu.memory_space<vmem>>) dst(%dma_wait3A_70 : memref<128x128xf32, #tpu.memory_space<vmem_shared>>)
    %dma_wait3A_71 = arith.constant 0 : i32
    %dma_wait3A_72 = tpu.memref_slice %arg8[%add3A_51, %dma_wait3A_71] : memref<10240x128xf32, #tpu.memory_space<vmem_shared>> -> memref<128x128xf32, #tpu.memory_space<vmem_shared>>
    %dma_wait3A_73 = arith.constant 0 : i32
    %dma_wait3A_74 = tpu.memref_slice %arg8[%add3A_51, %dma_wait3A_73] : memref<10240x128xf32, #tpu.memory_space<vmem_shared>> -> memref<128x128xf32, #tpu.memory_space<vmem_shared>>
    tpu.wait_dma2 semaphore(%arg10 : memref<!tpu.dma_semaphore, #tpu.memory_space<semaphore_mem>>) src(%arg6 : memref<128x128xf32, #tpu.memory_space<vmem>>) dst(%dma_wait3A_74 : memref<128x128xf32, #tpu.memory_space<vmem_shared>>)
    %dma_wait3A_75 = arith.constant 0 : i32
    %dma_wait3A_76 = arith.constant 0 : i32
    %dma_wait3A_77 = arith.constant 0 : i32
    %dma_wait3A_78 = arith.constant 0 : i32
    %dma_wait3A_79 = tpu.memref_slice %arg3[%add3A, %dma_wait3A_75, %dma_wait3A_76, %dma_wait3A_77, %dma_wait3A_78] : memref<32x2x2x42x128xi32, #tpu.memory_space<hbm>> -> memref<1x1x2x42x128xi32, #tpu.memory_space<hbm>>
    %dma_wait3A_80 = tpu.memref_squeeze %dma_wait3A_79 : memref<1x1x2x42x128xi32, #tpu.memory_space<hbm>> -> memref<2x42x128xi32, #tpu.memory_space<hbm>>
    %dma_wait3A_81 = arith.constant 0 : i32
    %dma_wait3A_82 = arith.constant 0 : i32
    %dma_wait3A_83 = arith.constant 0 : i32
    %dma_wait3A_84 = tpu.memref_slice %arg3[%add3A, %dma_wait3A_75, %dma_wait3A_81, %dma_wait3A_82, %dma_wait3A_83] : memref<32x2x2x42x128xi32, #tpu.memory_space<hbm>> -> memref<1x1x2x42x128xi32, #tpu.memory_space<hbm>>
    %dma_wait3A_85 = tpu.memref_squeeze %dma_wait3A_84 : memref<1x1x2x42x128xi32, #tpu.memory_space<hbm>> -> memref<2x42x128xi32, #tpu.memory_space<hbm>>
    tpu.wait_dma2 semaphore(%arg11 : memref<!tpu.dma_semaphore, #tpu.memory_space<semaphore_mem>>) src(%dma_wait3A_85 : memref<2x42x128xi32, #tpu.memory_space<hbm>>) dst(%arg5 : memref<2x42x128xi32, #tpu.memory_space<vmem>>)
    %dma_start3A_86 = arith.constant 0 : i32
    %dma_start3A_87 = arith.constant 0 : i32
    %dma_start3A_88 = arith.constant 0 : i32
    %dma_start3A_89 = tpu.memref_slice %arg5[%dma_start3A_86, %dma_start3A_87, %dma_start3A_88] : memref<2x42x128xi32, #tpu.memory_space<vmem>> -> memref<1x1x128xi32, #tpu.memory_space<vmem>>
    %dma_start3A_90 = tpu.memref_squeeze %dma_start3A_89 : memref<1x1x128xi32, #tpu.memory_space<vmem>> -> memref<128xi32, #tpu.memory_space<vmem>>
    %dma_start3A_91 = arith.constant 0 : i32
    %dma_start3A_92 = arith.constant 0 : i32
    %dma_start3A_93 = tpu.memref_slice %arg2[%dma_start3A_91, %dma_start3A_92] : memref<10000x128xf32, #tpu.memory_space<hbm>> -> memref<10000x128xf32, #tpu.memory_space<hbm>>
    tpu.enqueue_indirect_dma source(%dma_start3A_93 : memref<10000x128xf32, #tpu.memory_space<hbm>>) target(%arg6 : memref<128x128xf32, #tpu.memory_space<vmem>>) offsets(%dma_start3A_90 : memref<128xi32, #tpu.memory_space<vmem>>) semaphore(%arg9 : memref<!tpu.dma_semaphore, #tpu.memory_space<semaphore_mem>>)
    %dma_start3A_94 = arith.constant 0 : i32
    %dma_start3A_95 = arith.constant 1 : i32
    %dma_start3A_96 = arith.constant 0 : i32
    %dma_start3A_97 = tpu.memref_slice %arg5[%dma_start3A_94, %dma_start3A_95, %dma_start3A_96] : memref<2x42x128xi32, #tpu.memory_space<vmem>> -> memref<1x1x128xi32, #tpu.memory_space<vmem>>
    %dma_start3A_98 = tpu.memref_squeeze %dma_start3A_97 : memref<1x1x128xi32, #tpu.memory_space<vmem>> -> memref<128xi32, #tpu.memory_space<vmem>>
    %dma_start3A_99 = arith.constant 0 : i32
    %dma_start3A_100 = arith.constant 0 : i32
    %dma_start3A_101 = tpu.memref_slice %arg2[%dma_start3A_99, %dma_start3A_100] : memref<10000x128xf32, #tpu.memory_space<hbm>> -> memref<10000x128xf32, #tpu.memory_space<hbm>>
    tpu.enqueue_indirect_dma source(%dma_start3A_101 : memref<10000x128xf32, #tpu.memory_space<hbm>>) target(%arg7 : memref<128x128xf32, #tpu.memory_space<vmem>>) offsets(%dma_start3A_98 : memref<128xi32, #tpu.memory_space<vmem>>) semaphore(%arg10 : memref<!tpu.dma_semaphore, #tpu.memory_space<semaphore_mem>>)
    %barrier3A = arith.constant 0 : index
    tpu.barrier barrier_id(%barrier3A)
    %scan3A_102 = arith.constant 0 : i32
    %scan3A_103 = arith.constant 0 : i32
    %scan3A_104 = arith.constant 20 : i32
    %scan3A_105 = arith.addi %scan3A_103, %scan3A_104 : i32
    %scan3A_106 = arith.constant 1 : i32
    scf.for %scan3A_165 = %scan3A_103 to %scan3A_105 step %scan3A_106  : i32 {
      %mul3A_166 = arith.constant 2 : i32
      %mul3A_167 = arith.muli %mul3A_166, %scan3A_165 : i32
      %dma_wait3A_168 = arith.constant 0 : i32
      %dma_wait3A_169 = arith.constant 0 : i32
      %dma_wait3A_170 = tpu.memref_slice %arg5[%dma_wait3A_168, %mul3A_167, %dma_wait3A_169] : memref<2x42x128xi32, #tpu.memory_space<vmem>> -> memref<1x1x128xi32, #tpu.memory_space<vmem>>
      %dma_wait3A_171 = tpu.memref_squeeze %dma_wait3A_170 : memref<1x1x128xi32, #tpu.memory_space<vmem>> -> memref<128xi32, #tpu.memory_space<vmem>>
      %dma_wait3A_172 = arith.constant 0 : i32
      %dma_wait3A_173 = arith.constant 0 : i32
      %dma_wait3A_174 = tpu.memref_slice %arg2[%dma_wait3A_172, %dma_wait3A_173] : memref<10000x128xf32, #tpu.memory_space<hbm>> -> memref<10000x128xf32, #tpu.memory_space<hbm>>
      tpu.wait_indirect_dma semaphore(%arg9 : memref<!tpu.dma_semaphore, #tpu.memory_space<semaphore_mem>>) src(%dma_wait3A_174 : memref<10000x128xf32, #tpu.memory_space<hbm>>) dst(%arg6 : memref<128x128xf32, #tpu.memory_space<vmem>>)
      %run_scoped3A_175 = arith.constant 1 : i32
      "tpu.region"() ({
        %run_scoped3A_206 = tpu.sem_alloc : memref<!tpu.dma_semaphore, #tpu.memory_space<semaphore_mem>>
        %dma_start3A_207 = arith.constant 0 : i32
        %dma_start3A_208 = tpu.memref_slice %arg5[%run_scoped3A_175, %mul3A_167, %dma_start3A_207] : memref<2x42x128xi32, #tpu.memory_space<vmem>> -> memref<1x1x128xi32, #tpu.memory_space<vmem>>
        %dma_start3A_209 = tpu.memref_squeeze %dma_start3A_208 : memref<1x1x128xi32, #tpu.memory_space<vmem>> -> memref<128xi32, #tpu.memory_space<vmem>>
        %dma_start3A_210 = arith.constant 0 : i32
        %dma_start3A_211 = arith.constant 0 : i32
        %dma_start3A_212 = tpu.memref_slice %arg8[%dma_start3A_210, %dma_start3A_211] : memref<10240x128xf32, #tpu.memory_space<vmem_shared>> -> memref<10240x128xf32, #tpu.memory_space<vmem_shared>>
        tpu.enqueue_indirect_dma source(%arg6 : memref<128x128xf32, #tpu.memory_space<vmem>>) target(%dma_start3A_212 : memref<10240x128xf32, #tpu.memory_space<vmem_shared>>) offsets(%dma_start3A_209 : memref<128xi32, #tpu.memory_space<vmem>>) semaphore(%run_scoped3A_206 : memref<!tpu.dma_semaphore, #tpu.memory_space<semaphore_mem>>) {add = true}
        %dma_wait3A_213 = arith.constant 0 : i32
        %dma_wait3A_214 = tpu.memref_slice %arg5[%run_scoped3A_175, %mul3A_167, %dma_wait3A_213] : memref<2x42x128xi32, #tpu.memory_space<vmem>> -> memref<1x1x128xi32, #tpu.memory_space<vmem>>
        %dma_wait3A_215 = tpu.memref_squeeze %dma_wait3A_214 : memref<1x1x128xi32, #tpu.memory_space<vmem>> -> memref<128xi32, #tpu.memory_space<vmem>>
        %dma_wait3A_216 = arith.constant 0 : i32
        %dma_wait3A_217 = arith.constant 0 : i32
        %dma_wait3A_218 = tpu.memref_slice %arg8[%dma_wait3A_216, %dma_wait3A_217] : memref<10240x128xf32, #tpu.memory_space<vmem_shared>> -> memref<10240x128xf32, #tpu.memory_space<vmem_shared>>
        tpu.wait_indirect_dma semaphore(%run_scoped3A_206 : memref<!tpu.dma_semaphore, #tpu.memory_space<semaphore_mem>>) src(%arg6 : memref<128x128xf32, #tpu.memory_space<vmem>>) dst(%dma_wait3A_218 : memref<10240x128xf32, #tpu.memory_space<vmem_shared>>)
        tpu.yield
      }) : () -> ()
      %add3A_176 = arith.constant 2 : i32
      %add3A_177 = arith.addi %mul3A_167, %add3A_176 : i32
      %dma_start3A_178 = arith.constant 0 : i32
      %dma_start3A_179 = arith.constant 0 : i32
      %dma_start3A_180 = tpu.memref_slice %arg5[%dma_start3A_178, %add3A_177, %dma_start3A_179] : memref<2x42x128xi32, #tpu.memory_space<vmem>> -> memref<1x1x128xi32, #tpu.memory_space<vmem>>
      %dma_start3A_181 = tpu.memref_squeeze %dma_start3A_180 : memref<1x1x128xi32, #tpu.memory_space<vmem>> -> memref<128xi32, #tpu.memory_space<vmem>>
      %dma_start3A_182 = arith.constant 0 : i32
      %dma_start3A_183 = arith.constant 0 : i32
      %dma_start3A_184 = tpu.memref_slice %arg2[%dma_start3A_182, %dma_start3A_183] : memref<10000x128xf32, #tpu.memory_space<hbm>> -> memref<10000x128xf32, #tpu.memory_space<hbm>>
      tpu.enqueue_indirect_dma source(%dma_start3A_184 : memref<10000x128xf32, #tpu.memory_space<hbm>>) target(%arg6 : memref<128x128xf32, #tpu.memory_space<vmem>>) offsets(%dma_start3A_181 : memref<128xi32, #tpu.memory_space<vmem>>) semaphore(%arg9 : memref<!tpu.dma_semaphore, #tpu.memory_space<semaphore_mem>>)
      %add3A_185 = arith.constant 1 : i32
      %add3A_186 = arith.addi %mul3A_167, %add3A_185 : i32
      %dma_wait3A_187 = arith.constant 0 : i32
      %dma_wait3A_188 = arith.constant 0 : i32
      %dma_wait3A_189 = tpu.memref_slice %arg5[%dma_wait3A_187, %add3A_186, %dma_wait3A_188] : memref<2x42x128xi32, #tpu.memory_space<vmem>> -> memref<1x1x128xi32, #tpu.memory_space<vmem>>
      %dma_wait3A_190 = tpu.memref_squeeze %dma_wait3A_189 : memref<1x1x128xi32, #tpu.memory_space<vmem>> -> memref<128xi32, #tpu.memory_space<vmem>>
      %dma_wait3A_191 = arith.constant 0 : i32
      %dma_wait3A_192 = arith.constant 0 : i32
      %dma_wait3A_193 = tpu.memref_slice %arg2[%dma_wait3A_191, %dma_wait3A_192] : memref<10000x128xf32, #tpu.memory_space<hbm>> -> memref<10000x128xf32, #tpu.memory_space<hbm>>
      tpu.wait_indirect_dma semaphore(%arg10 : memref<!tpu.dma_semaphore, #tpu.memory_space<semaphore_mem>>) src(%dma_wait3A_193 : memref<10000x128xf32, #tpu.memory_space<hbm>>) dst(%arg7 : memref<128x128xf32, #tpu.memory_space<vmem>>)
      %add3A_194 = arith.constant 1 : i32
      %add3A_195 = arith.addi %mul3A_167, %add3A_194 : i32
      %run_scoped3A_196 = arith.constant 1 : i32
      "tpu.region"() ({
        %run_scoped3A_206 = tpu.sem_alloc : memref<!tpu.dma_semaphore, #tpu.memory_space<semaphore_mem>>
        %dma_start3A_207 = arith.constant 0 : i32
        %dma_start3A_208 = tpu.memref_slice %arg5[%run_scoped3A_196, %add3A_195, %dma_start3A_207] : memref<2x42x128xi32, #tpu.memory_space<vmem>> -> memref<1x1x128xi32, #tpu.memory_space<vmem>>
        %dma_start3A_209 = tpu.memref_squeeze %dma_start3A_208 : memref<1x1x128xi32, #tpu.memory_space<vmem>> -> memref<128xi32, #tpu.memory_space<vmem>>
        %dma_start3A_210 = arith.constant 0 : i32
        %dma_start3A_211 = arith.constant 0 : i32
        %dma_start3A_212 = tpu.memref_slice %arg8[%dma_start3A_210, %dma_start3A_211] : memref<10240x128xf32, #tpu.memory_space<vmem_shared>> -> memref<10240x128xf32, #tpu.memory_space<vmem_shared>>
        tpu.enqueue_indirect_dma source(%arg7 : memref<128x128xf32, #tpu.memory_space<vmem>>) target(%dma_start3A_212 : memref<10240x128xf32, #tpu.memory_space<vmem_shared>>) offsets(%dma_start3A_209 : memref<128xi32, #tpu.memory_space<vmem>>) semaphore(%run_scoped3A_206 : memref<!tpu.dma_semaphore, #tpu.memory_space<semaphore_mem>>) {add = true}
        %dma_wait3A_213 = arith.constant 0 : i32
        %dma_wait3A_214 = tpu.memref_slice %arg5[%run_scoped3A_196, %add3A_195, %dma_wait3A_213] : memref<2x42x128xi32, #tpu.memory_space<vmem>> -> memref<1x1x128xi32, #tpu.memory_space<vmem>>
        %dma_wait3A_215 = tpu.memref_squeeze %dma_wait3A_214 : memref<1x1x128xi32, #tpu.memory_space<vmem>> -> memref<128xi32, #tpu.memory_space<vmem>>
        %dma_wait3A_216 = arith.constant 0 : i32
        %dma_wait3A_217 = arith.constant 0 : i32
        %dma_wait3A_218 = tpu.memref_slice %arg8[%dma_wait3A_216, %dma_wait3A_217] : memref<10240x128xf32, #tpu.memory_space<vmem_shared>> -> memref<10240x128xf32, #tpu.memory_space<vmem_shared>>
        tpu.wait_indirect_dma semaphore(%run_scoped3A_206 : memref<!tpu.dma_semaphore, #tpu.memory_space<semaphore_mem>>) src(%arg7 : memref<128x128xf32, #tpu.memory_space<vmem>>) dst(%dma_wait3A_218 : memref<10240x128xf32, #tpu.memory_space<vmem_shared>>)
        tpu.yield
      }) : () -> ()
      %add3A_197 = arith.constant 3 : i32
      %add3A_198 = arith.addi %mul3A_167, %add3A_197 : i32
      %dma_start3A_199 = arith.constant 0 : i32
      %dma_start3A_200 = arith.constant 0 : i32
      %dma_start3A_201 = tpu.memref_slice %arg5[%dma_start3A_199, %add3A_198, %dma_start3A_200] : memref<2x42x128xi32, #tpu.memory_space<vmem>> -> memref<1x1x128xi32, #tpu.memory_space<vmem>>
      %dma_start3A_202 = tpu.memref_squeeze %dma_start3A_201 : memref<1x1x128xi32, #tpu.memory_space<vmem>> -> memref<128xi32, #tpu.memory_space<vmem>>
      %dma_start3A_203 = arith.constant 0 : i32
      %dma_start3A_204 = arith.constant 0 : i32
      %dma_start3A_205 = tpu.memref_slice %arg2[%dma_start3A_203, %dma_start3A_204] : memref<10000x128xf32, #tpu.memory_space<hbm>> -> memref<10000x128xf32, #tpu.memory_space<hbm>>
      tpu.enqueue_indirect_dma source(%dma_start3A_205 : memref<10000x128xf32, #tpu.memory_space<hbm>>) target(%arg7 : memref<128x128xf32, #tpu.memory_space<vmem>>) offsets(%dma_start3A_202 : memref<128xi32, #tpu.memory_space<vmem>>) semaphore(%arg10 : memref<!tpu.dma_semaphore, #tpu.memory_space<semaphore_mem>>)
    }
    %scan3A_107 = arith.constant 20 : i32
    %dma_wait3A_108 = arith.constant 0 : i32
    %dma_wait3A_109 = arith.constant 40 : i32
    %dma_wait3A_110 = arith.constant 0 : i32
    %dma_wait3A_111 = tpu.memref_slice %arg5[%dma_wait3A_108, %dma_wait3A_109, %dma_wait3A_110] : memref<2x42x128xi32, #tpu.memory_space<vmem>> -> memref<1x1x128xi32, #tpu.memory_space<vmem>>
    %dma_wait3A_112 = tpu.memref_squeeze %dma_wait3A_111 : memref<1x1x128xi32, #tpu.memory_space<vmem>> -> memref<128xi32, #tpu.memory_space<vmem>>
    %dma_wait3A_113 = arith.constant 0 : i32
    %dma_wait3A_114 = arith.constant 0 : i32
    %dma_wait3A_115 = tpu.memref_slice %arg2[%dma_wait3A_113, %dma_wait3A_114] : memref<10000x128xf32, #tpu.memory_space<hbm>> -> memref<10000x128xf32, #tpu.memory_space<hbm>>
    tpu.wait_indirect_dma semaphore(%arg9 : memref<!tpu.dma_semaphore, #tpu.memory_space<semaphore_mem>>) src(%dma_wait3A_115 : memref<10000x128xf32, #tpu.memory_space<hbm>>) dst(%arg6 : memref<128x128xf32, #tpu.memory_space<vmem>>)
    %dma_wait3A_116 = arith.constant 0 : i32
    %dma_wait3A_117 = arith.constant 41 : i32
    %dma_wait3A_118 = arith.constant 0 : i32
    %dma_wait3A_119 = tpu.memref_slice %arg5[%dma_wait3A_116, %dma_wait3A_117, %dma_wait3A_118] : memref<2x42x128xi32, #tpu.memory_space<vmem>> -> memref<1x1x128xi32, #tpu.memory_space<vmem>>
    %dma_wait3A_120 = tpu.memref_squeeze %dma_wait3A_119 : memref<1x1x128xi32, #tpu.memory_space<vmem>> -> memref<128xi32, #tpu.memory_space<vmem>>
    %dma_wait3A_121 = arith.constant 0 : i32
    %dma_wait3A_122 = arith.constant 0 : i32
    %dma_wait3A_123 = tpu.memref_slice %arg2[%dma_wait3A_121, %dma_wait3A_122] : memref<10000x128xf32, #tpu.memory_space<hbm>> -> memref<10000x128xf32, #tpu.memory_space<hbm>>
    tpu.wait_indirect_dma semaphore(%arg10 : memref<!tpu.dma_semaphore, #tpu.memory_space<semaphore_mem>>) src(%dma_wait3A_123 : memref<10000x128xf32, #tpu.memory_space<hbm>>) dst(%arg7 : memref<128x128xf32, #tpu.memory_space<vmem>>)
    %run_scoped3A = arith.constant 1 : i32
    "tpu.region"() ({
      %run_scoped3A_165 = tpu.sem_alloc : memref<!tpu.dma_semaphore, #tpu.memory_space<semaphore_mem>>
      %dma_start3A_166 = arith.constant 0 : i32
      %dma_start3A_167 = arith.constant 0 : i32
      %dma_start3A_168 = arith.constant 0 : i32
      %dma_start3A_169 = tpu.memref_slice %arg3[%add3A, %run_scoped3A, %dma_start3A_166, %dma_start3A_167, %dma_start3A_168] : memref<32x2x2x42x128xi32, #tpu.memory_space<hbm>> -> memref<1x1x2x42x128xi32, #tpu.memory_space<hbm>>
      %dma_start3A_170 = tpu.memref_squeeze %dma_start3A_169 : memref<1x1x2x42x128xi32, #tpu.memory_space<hbm>> -> memref<2x42x128xi32, #tpu.memory_space<hbm>>
      %dma_start3A_171 = arith.constant 0 : i32
      %dma_start3A_172 = arith.constant 0 : i32
      %dma_start3A_173 = arith.constant 0 : i32
      %dma_start3A_174 = tpu.memref_slice %arg3[%add3A, %run_scoped3A, %dma_start3A_171, %dma_start3A_172, %dma_start3A_173] : memref<32x2x2x42x128xi32, #tpu.memory_space<hbm>> -> memref<1x1x2x42x128xi32, #tpu.memory_space<hbm>>
      %dma_start3A_175 = tpu.memref_squeeze %dma_start3A_174 : memref<1x1x2x42x128xi32, #tpu.memory_space<hbm>> -> memref<2x42x128xi32, #tpu.memory_space<hbm>>
      tpu.enqueue_dma source(%dma_start3A_175 : memref<2x42x128xi32, #tpu.memory_space<hbm>>) target(%arg5 : memref<2x42x128xi32, #tpu.memory_space<vmem>>) target_semaphore(%run_scoped3A_165 : memref<!tpu.dma_semaphore, #tpu.memory_space<semaphore_mem>>)
      %dma_wait3A_176 = arith.constant 0 : i32
      %dma_wait3A_177 = arith.constant 0 : i32
      %dma_wait3A_178 = arith.constant 0 : i32
      %dma_wait3A_179 = tpu.memref_slice %arg3[%add3A, %run_scoped3A, %dma_wait3A_176, %dma_wait3A_177, %dma_wait3A_178] : memref<32x2x2x42x128xi32, #tpu.memory_space<hbm>> -> memref<1x1x2x42x128xi32, #tpu.memory_space<hbm>>
      %dma_wait3A_180 = tpu.memref_squeeze %dma_wait3A_179 : memref<1x1x2x42x128xi32, #tpu.memory_space<hbm>> -> memref<2x42x128xi32, #tpu.memory_space<hbm>>
      %dma_wait3A_181 = arith.constant 0 : i32
      %dma_wait3A_182 = arith.constant 0 : i32
      %dma_wait3A_183 = arith.constant 0 : i32
      %dma_wait3A_184 = tpu.memref_slice %arg3[%add3A, %run_scoped3A, %dma_wait3A_181, %dma_wait3A_182, %dma_wait3A_183] : memref<32x2x2x42x128xi32, #tpu.memory_space<hbm>> -> memref<1x1x2x42x128xi32, #tpu.memory_space<hbm>>
      %dma_wait3A_185 = tpu.memref_squeeze %dma_wait3A_184 : memref<1x1x2x42x128xi32, #tpu.memory_space<hbm>> -> memref<2x42x128xi32, #tpu.memory_space<hbm>>
      tpu.wait_dma2 semaphore(%run_scoped3A_165 : memref<!tpu.dma_semaphore, #tpu.memory_space<semaphore_mem>>) src(%dma_wait3A_185 : memref<2x42x128xi32, #tpu.memory_space<hbm>>) dst(%arg5 : memref<2x42x128xi32, #tpu.memory_space<vmem>>)
      tpu.yield
    }) : () -> ()
    %dma_start3A_124 = arith.constant 0 : i32
    %dma_start3A_125 = arith.constant 0 : i32
    %dma_start3A_126 = arith.constant 0 : i32
    %dma_start3A_127 = tpu.memref_slice %arg5[%dma_start3A_124, %dma_start3A_125, %dma_start3A_126] : memref<2x42x128xi32, #tpu.memory_space<vmem>> -> memref<1x1x128xi32, #tpu.memory_space<vmem>>
    %dma_start3A_128 = tpu.memref_squeeze %dma_start3A_127 : memref<1x1x128xi32, #tpu.memory_space<vmem>> -> memref<128xi32, #tpu.memory_space<vmem>>
    %dma_start3A_129 = arith.constant 0 : i32
    %dma_start3A_130 = arith.constant 0 : i32
    %dma_start3A_131 = tpu.memref_slice %arg2[%dma_start3A_129, %dma_start3A_130] : memref<10000x128xf32, #tpu.memory_space<hbm>> -> memref<10000x128xf32, #tpu.memory_space<hbm>>
    tpu.enqueue_indirect_dma source(%dma_start3A_131 : memref<10000x128xf32, #tpu.memory_space<hbm>>) target(%arg6 : memref<128x128xf32, #tpu.memory_space<vmem>>) offsets(%dma_start3A_128 : memref<128xi32, #tpu.memory_space<vmem>>) semaphore(%arg9 : memref<!tpu.dma_semaphore, #tpu.memory_space<semaphore_mem>>)
    %dma_start3A_132 = arith.constant 0 : i32
    %dma_start3A_133 = arith.constant 1 : i32
    %dma_start3A_134 = arith.constant 0 : i32
    %dma_start3A_135 = tpu.memref_slice %arg5[%dma_start3A_132, %dma_start3A_133, %dma_start3A_134] : memref<2x42x128xi32, #tpu.memory_space<vmem>> -> memref<1x1x128xi32, #tpu.memory_space<vmem>>
    %dma_start3A_136 = tpu.memref_squeeze %dma_start3A_135 : memref<1x1x128xi32, #tpu.memory_space<vmem>> -> memref<128xi32, #tpu.memory_space<vmem>>
    %dma_start3A_137 = arith.constant 0 : i32
    %dma_start3A_138 = arith.constant 0 : i32
    %dma_start3A_139 = tpu.memref_slice %arg2[%dma_start3A_137, %dma_start3A_138] : memref<10000x128xf32, #tpu.memory_space<hbm>> -> memref<10000x128xf32, #tpu.memory_space<hbm>>
    tpu.enqueue_indirect_dma source(%dma_start3A_139 : memref<10000x128xf32, #tpu.memory_space<hbm>>) target(%arg7 : memref<128x128xf32, #tpu.memory_space<vmem>>) offsets(%dma_start3A_136 : memref<128xi32, #tpu.memory_space<vmem>>) semaphore(%arg10 : memref<!tpu.dma_semaphore, #tpu.memory_space<semaphore_mem>>)
    %scan3A_140 = arith.constant 0 : i32
    %scan3A_141 = arith.constant 0 : i32
    %scan3A_142 = arith.constant 20 : i32
    %scan3A_143 = arith.addi %scan3A_141, %scan3A_142 : i32
    %scan3A_144 = arith.constant 1 : i32
    scf.for %scan3A_165 = %scan3A_141 to %scan3A_143 step %scan3A_144  : i32 {
      %mul3A_166 = arith.constant 2 : i32
      %mul3A_167 = arith.muli %mul3A_166, %scan3A_165 : i32
      %dma_wait3A_168 = arith.constant 0 : i32
      %dma_wait3A_169 = arith.constant 0 : i32
      %dma_wait3A_170 = tpu.memref_slice %arg5[%dma_wait3A_168, %mul3A_167, %dma_wait3A_169] : memref<2x42x128xi32, #tpu.memory_space<vmem>> -> memref<1x1x128xi32, #tpu.memory_space<vmem>>
      %dma_wait3A_171 = tpu.memref_squeeze %dma_wait3A_170 : memref<1x1x128xi32, #tpu.memory_space<vmem>> -> memref<128xi32, #tpu.memory_space<vmem>>
      %dma_wait3A_172 = arith.constant 0 : i32
      %dma_wait3A_173 = arith.constant 0 : i32
      %dma_wait3A_174 = tpu.memref_slice %arg2[%dma_wait3A_172, %dma_wait3A_173] : memref<10000x128xf32, #tpu.memory_space<hbm>> -> memref<10000x128xf32, #tpu.memory_space<hbm>>
      tpu.wait_indirect_dma semaphore(%arg9 : memref<!tpu.dma_semaphore, #tpu.memory_space<semaphore_mem>>) src(%dma_wait3A_174 : memref<10000x128xf32, #tpu.memory_space<hbm>>) dst(%arg6 : memref<128x128xf32, #tpu.memory_space<vmem>>)
      %run_scoped3A_175 = arith.constant 1 : i32
      "tpu.region"() ({
        %run_scoped3A_206 = tpu.sem_alloc : memref<!tpu.dma_semaphore, #tpu.memory_space<semaphore_mem>>
        %dma_start3A_207 = arith.constant 0 : i32
        %dma_start3A_208 = tpu.memref_slice %arg5[%run_scoped3A_175, %mul3A_167, %dma_start3A_207] : memref<2x42x128xi32, #tpu.memory_space<vmem>> -> memref<1x1x128xi32, #tpu.memory_space<vmem>>
        %dma_start3A_209 = tpu.memref_squeeze %dma_start3A_208 : memref<1x1x128xi32, #tpu.memory_space<vmem>> -> memref<128xi32, #tpu.memory_space<vmem>>
        %dma_start3A_210 = arith.constant 0 : i32
        %dma_start3A_211 = arith.constant 0 : i32
        %dma_start3A_212 = tpu.memref_slice %arg8[%dma_start3A_210, %dma_start3A_211] : memref<10240x128xf32, #tpu.memory_space<vmem_shared>> -> memref<10240x128xf32, #tpu.memory_space<vmem_shared>>
        tpu.enqueue_indirect_dma source(%arg6 : memref<128x128xf32, #tpu.memory_space<vmem>>) target(%dma_start3A_212 : memref<10240x128xf32, #tpu.memory_space<vmem_shared>>) offsets(%dma_start3A_209 : memref<128xi32, #tpu.memory_space<vmem>>) semaphore(%run_scoped3A_206 : memref<!tpu.dma_semaphore, #tpu.memory_space<semaphore_mem>>) {add = true}
        %dma_wait3A_213 = arith.constant 0 : i32
        %dma_wait3A_214 = tpu.memref_slice %arg5[%run_scoped3A_175, %mul3A_167, %dma_wait3A_213] : memref<2x42x128xi32, #tpu.memory_space<vmem>> -> memref<1x1x128xi32, #tpu.memory_space<vmem>>
        %dma_wait3A_215 = tpu.memref_squeeze %dma_wait3A_214 : memref<1x1x128xi32, #tpu.memory_space<vmem>> -> memref<128xi32, #tpu.memory_space<vmem>>
        %dma_wait3A_216 = arith.constant 0 : i32
        %dma_wait3A_217 = arith.constant 0 : i32
        %dma_wait3A_218 = tpu.memref_slice %arg8[%dma_wait3A_216, %dma_wait3A_217] : memref<10240x128xf32, #tpu.memory_space<vmem_shared>> -> memref<10240x128xf32, #tpu.memory_space<vmem_shared>>
        tpu.wait_indirect_dma semaphore(%run_scoped3A_206 : memref<!tpu.dma_semaphore, #tpu.memory_space<semaphore_mem>>) src(%arg6 : memref<128x128xf32, #tpu.memory_space<vmem>>) dst(%dma_wait3A_218 : memref<10240x128xf32, #tpu.memory_space<vmem_shared>>)
        tpu.yield
      }) : () -> ()
      %add3A_176 = arith.constant 2 : i32
      %add3A_177 = arith.addi %mul3A_167, %add3A_176 : i32
      %dma_start3A_178 = arith.constant 0 : i32
      %dma_start3A_179 = arith.constant 0 : i32
      %dma_start3A_180 = tpu.memref_slice %arg5[%dma_start3A_178, %add3A_177, %dma_start3A_179] : memref<2x42x128xi32, #tpu.memory_space<vmem>> -> memref<1x1x128xi32, #tpu.memory_space<vmem>>
      %dma_start3A_181 = tpu.memref_squeeze %dma_start3A_180 : memref<1x1x128xi32, #tpu.memory_space<vmem>> -> memref<128xi32, #tpu.memory_space<vmem>>
      %dma_start3A_182 = arith.constant 0 : i32
      %dma_start3A_183 = arith.constant 0 : i32
      %dma_start3A_184 = tpu.memref_slice %arg2[%dma_start3A_182, %dma_start3A_183] : memref<10000x128xf32, #tpu.memory_space<hbm>> -> memref<10000x128xf32, #tpu.memory_space<hbm>>
      tpu.enqueue_indirect_dma source(%dma_start3A_184 : memref<10000x128xf32, #tpu.memory_space<hbm>>) target(%arg6 : memref<128x128xf32, #tpu.memory_space<vmem>>) offsets(%dma_start3A_181 : memref<128xi32, #tpu.memory_space<vmem>>) semaphore(%arg9 : memref<!tpu.dma_semaphore, #tpu.memory_space<semaphore_mem>>)
      %add3A_185 = arith.constant 1 : i32
      %add3A_186 = arith.addi %mul3A_167, %add3A_185 : i32
      %dma_wait3A_187 = arith.constant 0 : i32
      %dma_wait3A_188 = arith.constant 0 : i32
      %dma_wait3A_189 = tpu.memref_slice %arg5[%dma_wait3A_187, %add3A_186, %dma_wait3A_188] : memref<2x42x128xi32, #tpu.memory_space<vmem>> -> memref<1x1x128xi32, #tpu.memory_space<vmem>>
      %dma_wait3A_190 = tpu.memref_squeeze %dma_wait3A_189 : memref<1x1x128xi32, #tpu.memory_space<vmem>> -> memref<128xi32, #tpu.memory_space<vmem>>
      %dma_wait3A_191 = arith.constant 0 : i32
      %dma_wait3A_192 = arith.constant 0 : i32
      %dma_wait3A_193 = tpu.memref_slice %arg2[%dma_wait3A_191, %dma_wait3A_192] : memref<10000x128xf32, #tpu.memory_space<hbm>> -> memref<10000x128xf32, #tpu.memory_space<hbm>>
      tpu.wait_indirect_dma semaphore(%arg10 : memref<!tpu.dma_semaphore, #tpu.memory_space<semaphore_mem>>) src(%dma_wait3A_193 : memref<10000x128xf32, #tpu.memory_space<hbm>>) dst(%arg7 : memref<128x128xf32, #tpu.memory_space<vmem>>)
      %add3A_194 = arith.constant 1 : i32
      %add3A_195 = arith.addi %mul3A_167, %add3A_194 : i32
      %run_scoped3A_196 = arith.constant 1 : i32
      "tpu.region"() ({
        %run_scoped3A_206 = tpu.sem_alloc : memref<!tpu.dma_semaphore, #tpu.memory_space<semaphore_mem>>
        %dma_start3A_207 = arith.constant 0 : i32
        %dma_start3A_208 = tpu.memref_slice %arg5[%run_scoped3A_196, %add3A_195, %dma_start3A_207] : memref<2x42x128xi32, #tpu.memory_space<vmem>> -> memref<1x1x128xi32, #tpu.memory_space<vmem>>
        %dma_start3A_209 = tpu.memref_squeeze %dma_start3A_208 : memref<1x1x128xi32, #tpu.memory_space<vmem>> -> memref<128xi32, #tpu.memory_space<vmem>>
        %dma_start3A_210 = arith.constant 0 : i32
        %dma_start3A_211 = arith.constant 0 : i32
        %dma_start3A_212 = tpu.memref_slice %arg8[%dma_start3A_210, %dma_start3A_211] : memref<10240x128xf32, #tpu.memory_space<vmem_shared>> -> memref<10240x128xf32, #tpu.memory_space<vmem_shared>>
        tpu.enqueue_indirect_dma source(%arg7 : memref<128x128xf32, #tpu.memory_space<vmem>>) target(%dma_start3A_212 : memref<10240x128xf32, #tpu.memory_space<vmem_shared>>) offsets(%dma_start3A_209 : memref<128xi32, #tpu.memory_space<vmem>>) semaphore(%run_scoped3A_206 : memref<!tpu.dma_semaphore, #tpu.memory_space<semaphore_mem>>) {add = true}
        %dma_wait3A_213 = arith.constant 0 : i32
        %dma_wait3A_214 = tpu.memref_slice %arg5[%run_scoped3A_196, %add3A_195, %dma_wait3A_213] : memref<2x42x128xi32, #tpu.memory_space<vmem>> -> memref<1x1x128xi32, #tpu.memory_space<vmem>>
        %dma_wait3A_215 = tpu.memref_squeeze %dma_wait3A_214 : memref<1x1x128xi32, #tpu.memory_space<vmem>> -> memref<128xi32, #tpu.memory_space<vmem>>
        %dma_wait3A_216 = arith.constant 0 : i32
        %dma_wait3A_217 = arith.constant 0 : i32
        %dma_wait3A_218 = tpu.memref_slice %arg8[%dma_wait3A_216, %dma_wait3A_217] : memref<10240x128xf32, #tpu.memory_space<vmem_shared>> -> memref<10240x128xf32, #tpu.memory_space<vmem_shared>>
        tpu.wait_indirect_dma semaphore(%run_scoped3A_206 : memref<!tpu.dma_semaphore, #tpu.memory_space<semaphore_mem>>) src(%arg7 : memref<128x128xf32, #tpu.memory_space<vmem>>) dst(%dma_wait3A_218 : memref<10240x128xf32, #tpu.memory_space<vmem_shared>>)
        tpu.yield
      }) : () -> ()
      %add3A_197 = arith.constant 3 : i32
      %add3A_198 = arith.addi %mul3A_167, %add3A_197 : i32
      %dma_start3A_199 = arith.constant 0 : i32
      %dma_start3A_200 = arith.constant 0 : i32
      %dma_start3A_201 = tpu.memref_slice %arg5[%dma_start3A_199, %add3A_198, %dma_start3A_200] : memref<2x42x128xi32, #tpu.memory_space<vmem>> -> memref<1x1x128xi32, #tpu.memory_space<vmem>>
      %dma_start3A_202 = tpu.memref_squeeze %dma_start3A_201 : memref<1x1x128xi32, #tpu.memory_space<vmem>> -> memref<128xi32, #tpu.memory_space<vmem>>
      %dma_start3A_203 = arith.constant 0 : i32
      %dma_start3A_204 = arith.constant 0 : i32
      %dma_start3A_205 = tpu.memref_slice %arg2[%dma_start3A_203, %dma_start3A_204] : memref<10000x128xf32, #tpu.memory_space<hbm>> -> memref<10000x128xf32, #tpu.memory_space<hbm>>
      tpu.enqueue_indirect_dma source(%dma_start3A_205 : memref<10000x128xf32, #tpu.memory_space<hbm>>) target(%arg7 : memref<128x128xf32, #tpu.memory_space<vmem>>) offsets(%dma_start3A_202 : memref<128xi32, #tpu.memory_space<vmem>>) semaphore(%arg10 : memref<!tpu.dma_semaphore, #tpu.memory_space<semaphore_mem>>)
    }
    %scan3A_145 = arith.constant 20 : i32
    %dma_wait3A_146 = arith.constant 0 : i32
    %dma_wait3A_147 = arith.constant 40 : i32
    %dma_wait3A_148 = arith.constant 0 : i32
    %dma_wait3A_149 = tpu.memref_slice %arg5[%dma_wait3A_146, %dma_wait3A_147, %dma_wait3A_148] : memref<2x42x128xi32, #tpu.memory_space<vmem>> -> memref<1x1x128xi32, #tpu.memory_space<vmem>>
    %dma_wait3A_150 = tpu.memref_squeeze %dma_wait3A_149 : memref<1x1x128xi32, #tpu.memory_space<vmem>> -> memref<128xi32, #tpu.memory_space<vmem>>
    %dma_wait3A_151 = arith.constant 0 : i32
    %dma_wait3A_152 = arith.constant 0 : i32
    %dma_wait3A_153 = tpu.memref_slice %arg2[%dma_wait3A_151, %dma_wait3A_152] : memref<10000x128xf32, #tpu.memory_space<hbm>> -> memref<10000x128xf32, #tpu.memory_space<hbm>>
    tpu.wait_indirect_dma semaphore(%arg9 : memref<!tpu.dma_semaphore, #tpu.memory_space<semaphore_mem>>) src(%dma_wait3A_153 : memref<10000x128xf32, #tpu.memory_space<hbm>>) dst(%arg6 : memref<128x128xf32, #tpu.memory_space<vmem>>)
    %dma_wait3A_154 = arith.constant 0 : i32
    %dma_wait3A_155 = arith.constant 41 : i32
    %dma_wait3A_156 = arith.constant 0 : i32
    %dma_wait3A_157 = tpu.memref_slice %arg5[%dma_wait3A_154, %dma_wait3A_155, %dma_wait3A_156] : memref<2x42x128xi32, #tpu.memory_space<vmem>> -> memref<1x1x128xi32, #tpu.memory_space<vmem>>
    %dma_wait3A_158 = tpu.memref_squeeze %dma_wait3A_157 : memref<1x1x128xi32, #tpu.memory_space<vmem>> -> memref<128xi32, #tpu.memory_space<vmem>>
    %dma_wait3A_159 = arith.constant 0 : i32
    %dma_wait3A_160 = arith.constant 0 : i32
    %dma_wait3A_161 = tpu.memref_slice %arg2[%dma_wait3A_159, %dma_wait3A_160] : memref<10000x128xf32, #tpu.memory_space<hbm>> -> memref<10000x128xf32, #tpu.memory_space<hbm>>
    tpu.wait_indirect_dma semaphore(%arg10 : memref<!tpu.dma_semaphore, #tpu.memory_space<semaphore_mem>>) src(%dma_wait3A_161 : memref<10000x128xf32, #tpu.memory_space<hbm>>) dst(%arg7 : memref<128x128xf32, #tpu.memory_space<vmem>>)
    %barrier3A_162 = arith.constant 0 : index
    tpu.barrier barrier_id(%barrier3A_162)
    %mul3A_163 = arith.constant 640 : i32
    %mul3A_164 = arith.muli %arg1, %mul3A_163 : i32
    "tpu.region"() ({
      %run_scoped3A_165 = tpu.sem_alloc : memref<!tpu.dma_semaphore, #tpu.memory_space<semaphore_mem>>
      %dma_start3A_166 = arith.constant 0 : i32
      %dma_start3A_167 = arith.constant 0 : i32
      %dma_start3A_168 = tpu.memref_slice %arg4[%arg0, %arg1, %dma_start3A_166, %dma_start3A_167] : memref<2x16x640x128xf32, #tpu.memory_space<hbm>> -> memref<1x1x640x128xf32, #tpu.memory_space<hbm>>
      %dma_start3A_169 = tpu.memref_squeeze %dma_start3A_168 : memref<1x1x640x128xf32, #tpu.memory_space<hbm>> -> memref<640x128xf32, #tpu.memory_space<hbm>>
      %dma_start3A_170 = arith.constant 0 : i32
      %dma_start3A_171 = tpu.memref_slice %arg8[%mul3A_164, %dma_start3A_170] : memref<10240x128xf32, #tpu.memory_space<vmem_shared>> -> memref<640x128xf32, #tpu.memory_space<vmem_shared>>
      tpu.enqueue_dma source(%dma_start3A_171 : memref<640x128xf32, #tpu.memory_space<vmem_shared>>) target(%dma_start3A_169 : memref<640x128xf32, #tpu.memory_space<hbm>>) target_semaphore(%run_scoped3A_165 : memref<!tpu.dma_semaphore, #tpu.memory_space<semaphore_mem>>)
      %dma_wait3A_172 = arith.constant 0 : i32
      %dma_wait3A_173 = arith.constant 0 : i32
      %dma_wait3A_174 = tpu.memref_slice %arg4[%arg0, %arg1, %dma_wait3A_172, %dma_wait3A_173] : memref<2x16x640x128xf32, #tpu.memory_space<hbm>> -> memref<1x1x640x128xf32, #tpu.memory_space<hbm>>
      %dma_wait3A_175 = tpu.memref_squeeze %dma_wait3A_174 : memref<1x1x640x128xf32, #tpu.memory_space<hbm>> -> memref<640x128xf32, #tpu.memory_space<hbm>>
      %dma_wait3A_176 = arith.constant 0 : i32
      %dma_wait3A_177 = tpu.memref_slice %arg8[%mul3A_164, %dma_wait3A_176] : memref<10240x128xf32, #tpu.memory_space<vmem_shared>> -> memref<640x128xf32, #tpu.memory_space<vmem_shared>>
      tpu.wait_dma2 semaphore(%run_scoped3A_165 : memref<!tpu.dma_semaphore, #tpu.memory_space<semaphore_mem>>) src(%dma_wait3A_177 : memref<640x128xf32, #tpu.memory_space<vmem_shared>>) dst(%dma_wait3A_175 : memref<640x128xf32, #tpu.memory_space<hbm>>)
      tpu.yield
    }) : () -> ()
    return
  }
}

module attributes {stable_mosaic.version = 14 : i64} {
  func.func @_lin_relu_body(%arg0: memref<10000x128xf32, #tpu.memory_space<vmem>>, %arg1: memref<128x128xf32, #tpu.memory_space<vmem>>, %arg2: memref<1x128xf32, #tpu.memory_space<vmem>>, %arg3: memref<10000x128xf32, #tpu.memory_space<vmem>>) attributes {dimension_semantics = [], scalar_prefetch = 0 : i64, scratch_operands = 0 : i64, tpu.core_type = #tpu.core_type<tc>} {
    %get3A = arith.constant 0 : index
    %get3A_0 = arith.constant 0 : index
    %get3A_1 = vector.load %arg0[%get3A, %get3A_0] : memref<10000x128xf32, #tpu.memory_space<vmem>>, vector<10000x128xf32>
    %get3A_2 = arith.constant 0 : index
    %get3A_3 = arith.constant 0 : index
    %get3A_4 = vector.load %arg1[%get3A_2, %get3A_3] : memref<128x128xf32, #tpu.memory_space<vmem>>, vector<128x128xf32>
    %dot_general3A = arith.constant dense<0.000000e+00> : vector<10000x128xf32>
    %dot_general3A_5 = tpu.matmul %get3A_1, %get3A_4, %dot_general3A {dimension_numbers = #tpu.dot_dimension_numbers<[1], [0], [0], [1], [0, 0, 1, 1], [], []>, transpose_lhs_hint = false} : vector<10000x128xf32>, vector<128x128xf32>, vector<10000x128xf32> -> vector<10000x128xf32>
    %get3A_6 = arith.constant 0 : index
    %get3A_7 = arith.constant 0 : index
    %get3A_8 = vector.load %arg2[%get3A_6, %get3A_7] : memref<1x128xf32, #tpu.memory_space<vmem>>, vector<1x128xf32>
    %add3A = vector.broadcast %get3A_8 : vector<1x128xf32> to vector<10000x128xf32>
    %add3A_9 = arith.addf %dot_general3A_5, %add3A : vector<10000x128xf32>
    %max3A = arith.constant 0.000000e+00 : f32
    %max3A_10 = vector.broadcast %max3A : f32 to vector<10000x128xf32>
    %max3A_11 = arith.maximumf %add3A_9, %max3A_10 : vector<10000x128xf32>
    %swap3A = arith.constant 0 : index
    %swap3A_12 = arith.constant 0 : index
    %swap3A_13 = vector.load %arg3[%swap3A, %swap3A_12] : memref<10000x128xf32, #tpu.memory_space<vmem>>, vector<10000x128xf32>
    tpu.vector_store %arg3[%swap3A, %swap3A_12], %max3A_11 {strides = array<i32>} : memref<10000x128xf32, #tpu.memory_space<vmem>>, vector<10000x128xf32>,
    return
  }
}

module attributes {stable_mosaic.version = 14 : i64} {
  func.func @_mlp_body(%arg0: memref<10000x128xf32, #tpu.memory_space<vmem>>, %arg1: memref<2x10240x128xf32, #tpu.memory_space<vmem>>, %arg2: memref<1x1xf32, #tpu.memory_space<vmem>>, %arg3: memref<128x128xf32, #tpu.memory_space<vmem>>, %arg4: memref<1x128xf32, #tpu.memory_space<vmem>>, %arg5: memref<1x128xf32, #tpu.memory_space<vmem>>, %arg6: memref<1x128xf32, #tpu.memory_space<vmem>>, %arg7: memref<128x128xf32, #tpu.memory_space<vmem>>, %arg8: memref<1x128xf32, #tpu.memory_space<vmem>>, %arg9: memref<1x128xf32, #tpu.memory_space<vmem>>, %arg10: memref<1x128xf32, #tpu.memory_space<vmem>>, %arg11: memref<10000x128xf32, #tpu.memory_space<vmem>>) attributes {dimension_semantics = [], scalar_prefetch = 0 : i64, scratch_operands = 0 : i64, tpu.core_type = #tpu.core_type<tc>} {
    %get3A = arith.constant 0 : index
    %get3A_0 = arith.constant 0 : index
    %get3A_1 = vector.load %arg0[%get3A, %get3A_0] : memref<10000x128xf32, #tpu.memory_space<vmem>>, vector<10000x128xf32>
    %get3A_2 = arith.constant 0 : index
    %get3A_3 = arith.constant 0 : index
    %get3A_4 = vector.load %arg2[%get3A_2, %get3A_3] : memref<1x1xf32, #tpu.memory_space<vmem>>, vector<1x1xf32>
    %add3A = arith.constant 1.000000e+00 : f32
    %add3A_5 = vector.broadcast %add3A : f32 to vector<1x1xf32>
    %add3A_6 = arith.addf %add3A_5, %get3A_4 : vector<1x1xf32>
    %mul3A = vector.broadcast %add3A_6 : vector<1x1xf32> to vector<10000x128xf32>
    %mul3A_7 = arith.mulf %mul3A, %get3A_1 : vector<10000x128xf32>
    %get3A_8 = arith.constant 0 : index
    %get3A_9 = arith.constant 0 : index
    %get3A_10 = arith.constant 0 : index
    %get3A_11 = vector.load %arg1[%get3A_8, %get3A_9, %get3A_10] : memref<2x10240x128xf32, #tpu.memory_space<vmem>>, vector<1x10000x128xf32>
    %get3A_12 = vector.shape_cast %get3A_11 : vector<1x10000x128xf32> to vector<10000x128xf32>
    %add3A_13 = arith.addf %mul3A_7, %get3A_12 : vector<10000x128xf32>
    %get3A_14 = arith.constant 1 : index
    %get3A_15 = arith.constant 0 : index
    %get3A_16 = arith.constant 0 : index
    %get3A_17 = vector.load %arg1[%get3A_14, %get3A_15, %get3A_16] : memref<2x10240x128xf32, #tpu.memory_space<vmem>>, vector<1x10000x128xf32>
    %get3A_18 = vector.shape_cast %get3A_17 : vector<1x10000x128xf32> to vector<10000x128xf32>
    %add3A_19 = arith.addf %add3A_13, %get3A_18 : vector<10000x128xf32>
    %get3A_20 = arith.constant 0 : index
    %get3A_21 = arith.constant 0 : index
    %get3A_22 = vector.load %arg3[%get3A_20, %get3A_21] : memref<128x128xf32, #tpu.memory_space<vmem>>, vector<128x128xf32>
    %dot_general3A = arith.constant dense<0.000000e+00> : vector<10000x128xf32>
    %dot_general3A_23 = tpu.matmul %add3A_19, %get3A_22, %dot_general3A {dimension_numbers = #tpu.dot_dimension_numbers<[1], [0], [0], [1], [0, 0, 1, 1], [], []>, transpose_lhs_hint = false} : vector<10000x128xf32>, vector<128x128xf32>, vector<10000x128xf32> -> vector<10000x128xf32>
    %get3A_24 = arith.constant 0 : index
    %get3A_25 = arith.constant 0 : index
    %get3A_26 = vector.load %arg4[%get3A_24, %get3A_25] : memref<1x128xf32, #tpu.memory_space<vmem>>, vector<1x128xf32>
    %add3A_27 = vector.broadcast %get3A_26 : vector<1x128xf32> to vector<10000x128xf32>
    %add3A_28 = arith.addf %dot_general3A_23, %add3A_27 : vector<10000x128xf32>
    %get3A_29 = arith.constant 0 : index
    %get3A_30 = arith.constant 0 : index
    %get3A_31 = vector.load %arg5[%get3A_29, %get3A_30] : memref<1x128xf32, #tpu.memory_space<vmem>>, vector<1x128xf32>
    %get3A_32 = arith.constant 0 : index
    %get3A_33 = arith.constant 0 : index
    %get3A_34 = vector.load %arg6[%get3A_32, %get3A_33] : memref<1x128xf32, #tpu.memory_space<vmem>>, vector<1x128xf32>
    %reduce_sum3A = arith.constant dense<0.000000e+00> : vector<128xf32>
    %reduce_sum3A_35 = vector.multi_reduction <add>, %add3A_28, %reduce_sum3A [0] : vector<10000x128xf32> to vector<128xf32>
    %broadcast_in_dim3A = vector.shape_cast %reduce_sum3A_35 : vector<128xf32> to vector<1x128xf32>
    %div3A = arith.constant 1.000000e+04 : f32
    %div3A_36 = vector.broadcast %div3A : f32 to vector<1x128xf32>
    %div3A_37 = arith.divf %broadcast_in_dim3A, %div3A_36 : vector<1x128xf32>
    %sub3A = vector.broadcast %div3A_37 : vector<1x128xf32> to vector<10000x128xf32>
    %sub3A_38 = arith.subf %add3A_28, %sub3A : vector<10000x128xf32>
    %integer_pow3A = arith.mulf %sub3A_38, %sub3A_38 : vector<10000x128xf32>
    %reduce_sum3A_39 = arith.constant dense<0.000000e+00> : vector<128xf32>
    %reduce_sum3A_40 = vector.multi_reduction <add>, %integer_pow3A, %reduce_sum3A_39 [0] : vector<10000x128xf32> to vector<128xf32>
    %broadcast_in_dim3A_41 = vector.shape_cast %reduce_sum3A_40 : vector<128xf32> to vector<1x128xf32>
    %div3A_42 = arith.constant 1.000000e+04 : f32
    %div3A_43 = vector.broadcast %div3A_42 : f32 to vector<1x128xf32>
    %div3A_44 = arith.divf %broadcast_in_dim3A_41, %div3A_43 : vector<1x128xf32>
    %sub3A_45 = vector.broadcast %div3A_37 : vector<1x128xf32> to vector<10000x128xf32>
    %sub3A_46 = arith.subf %add3A_28, %sub3A_45 : vector<10000x128xf32>
    %mul3A_47 = vector.broadcast %get3A_31 : vector<1x128xf32> to vector<10000x128xf32>
    %mul3A_48 = arith.mulf %mul3A_47, %sub3A_46 : vector<10000x128xf32>
    %add3A_49 = arith.constant 9.99999974E-6 : f32
    %add3A_50 = vector.broadcast %add3A_49 : f32 to vector<1x128xf32>
    %add3A_51 = arith.addf %div3A_44, %add3A_50 : vector<1x128xf32>
    %rsqrt3A = math.rsqrt %add3A_51 : vector<1x128xf32>
    %mul3A_52 = vector.broadcast %rsqrt3A : vector<1x128xf32> to vector<10000x128xf32>
    %mul3A_53 = arith.mulf %mul3A_48, %mul3A_52 : vector<10000x128xf32>
    %add3A_54 = vector.broadcast %get3A_34 : vector<1x128xf32> to vector<10000x128xf32>
    %add3A_55 = arith.addf %mul3A_53, %add3A_54 : vector<10000x128xf32>
    %max3A = arith.constant 0.000000e+00 : f32
    %max3A_56 = vector.broadcast %max3A : f32 to vector<10000x128xf32>
    %max3A_57 = arith.maximumf %add3A_55, %max3A_56 : vector<10000x128xf32>
    %get3A_58 = arith.constant 0 : index
    %get3A_59 = arith.constant 0 : index
    %get3A_60 = vector.load %arg7[%get3A_58, %get3A_59] : memref<128x128xf32, #tpu.memory_space<vmem>>, vector<128x128xf32>
    %dot_general3A_61 = arith.constant dense<0.000000e+00> : vector<10000x128xf32>
    %dot_general3A_62 = tpu.matmul %max3A_57, %get3A_60, %dot_general3A_61 {dimension_numbers = #tpu.dot_dimension_numbers<[1], [0], [0], [1], [0, 0, 1, 1], [], []>, transpose_lhs_hint = false} : vector<10000x128xf32>, vector<128x128xf32>, vector<10000x128xf32> -> vector<10000x128xf32>
    %get3A_63 = arith.constant 0 : index
    %get3A_64 = arith.constant 0 : index
    %get3A_65 = vector.load %arg8[%get3A_63, %get3A_64] : memref<1x128xf32, #tpu.memory_space<vmem>>, vector<1x128xf32>
    %add3A_66 = vector.broadcast %get3A_65 : vector<1x128xf32> to vector<10000x128xf32>
    %add3A_67 = arith.addf %dot_general3A_62, %add3A_66 : vector<10000x128xf32>
    %get3A_68 = arith.constant 0 : index
    %get3A_69 = arith.constant 0 : index
    %get3A_70 = vector.load %arg9[%get3A_68, %get3A_69] : memref<1x128xf32, #tpu.memory_space<vmem>>, vector<1x128xf32>
    %get3A_71 = arith.constant 0 : index
    %get3A_72 = arith.constant 0 : index
    %get3A_73 = vector.load %arg10[%get3A_71, %get3A_72] : memref<1x128xf32, #tpu.memory_space<vmem>>, vector<1x128xf32>
    %reduce_sum3A_74 = arith.constant dense<0.000000e+00> : vector<128xf32>
    %reduce_sum3A_75 = vector.multi_reduction <add>, %add3A_67, %reduce_sum3A_74 [0] : vector<10000x128xf32> to vector<128xf32>
    %broadcast_in_dim3A_76 = vector.shape_cast %reduce_sum3A_75 : vector<128xf32> to vector<1x128xf32>
    %div3A_77 = arith.constant 1.000000e+04 : f32
    %div3A_78 = vector.broadcast %div3A_77 : f32 to vector<1x128xf32>
    %div3A_79 = arith.divf %broadcast_in_dim3A_76, %div3A_78 : vector<1x128xf32>
    %sub3A_80 = vector.broadcast %div3A_79 : vector<1x128xf32> to vector<10000x128xf32>
    %sub3A_81 = arith.subf %add3A_67, %sub3A_80 : vector<10000x128xf32>
    %integer_pow3A_82 = arith.mulf %sub3A_81, %sub3A_81 : vector<10000x128xf32>
    %reduce_sum3A_83 = arith.constant dense<0.000000e+00> : vector<128xf32>
    %reduce_sum3A_84 = vector.multi_reduction <add>, %integer_pow3A_82, %reduce_sum3A_83 [0] : vector<10000x128xf32> to vector<128xf32>
    %broadcast_in_dim3A_85 = vector.shape_cast %reduce_sum3A_84 : vector<128xf32> to vector<1x128xf32>
    %div3A_86 = arith.constant 1.000000e+04 : f32
    %div3A_87 = vector.broadcast %div3A_86 : f32 to vector<1x128xf32>
    %div3A_88 = arith.divf %broadcast_in_dim3A_85, %div3A_87 : vector<1x128xf32>
    %sub3A_89 = vector.broadcast %div3A_79 : vector<1x128xf32> to vector<10000x128xf32>
    %sub3A_90 = arith.subf %add3A_67, %sub3A_89 : vector<10000x128xf32>
    %mul3A_91 = vector.broadcast %get3A_70 : vector<1x128xf32> to vector<10000x128xf32>
    %mul3A_92 = arith.mulf %mul3A_91, %sub3A_90 : vector<10000x128xf32>
    %add3A_93 = arith.constant 9.99999974E-6 : f32
    %add3A_94 = vector.broadcast %add3A_93 : f32 to vector<1x128xf32>
    %add3A_95 = arith.addf %div3A_88, %add3A_94 : vector<1x128xf32>
    %rsqrt3A_96 = math.rsqrt %add3A_95 : vector<1x128xf32>
    %mul3A_97 = vector.broadcast %rsqrt3A_96 : vector<1x128xf32> to vector<10000x128xf32>
    %mul3A_98 = arith.mulf %mul3A_92, %mul3A_97 : vector<10000x128xf32>
    %add3A_99 = vector.broadcast %get3A_73 : vector<1x128xf32> to vector<10000x128xf32>
    %add3A_100 = arith.addf %mul3A_98, %add3A_99 : vector<10000x128xf32>
    %max3A_101 = arith.constant 0.000000e+00 : f32
    %max3A_102 = vector.broadcast %max3A_101 : f32 to vector<10000x128xf32>
    %max3A_103 = arith.maximumf %add3A_100, %max3A_102 : vector<10000x128xf32>
    %add3A_104 = arith.addf %max3A_103, %get3A_1 : vector<10000x128xf32>
    %swap3A = arith.constant 0 : index
    %swap3A_105 = arith.constant 0 : index
    %swap3A_106 = vector.load %arg11[%swap3A, %swap3A_105] : memref<10000x128xf32, #tpu.memory_space<vmem>>, vector<10000x128xf32>
    tpu.vector_store %arg11[%swap3A, %swap3A_105], %add3A_104 {strides = array<i32>} : memref<10000x128xf32, #tpu.memory_space<vmem>>, vector<10000x128xf32>,
    return
  }
}

module attributes {stable_mosaic.version = 14 : i64} {
  func.func @_mlp_pool_body(%arg0: memref<10000x128xf32, #tpu.memory_space<vmem>>, %arg1: memref<2x10240x128xf32, #tpu.memory_space<vmem>>, %arg2: memref<1x1xf32, #tpu.memory_space<vmem>>, %arg3: memref<128x128xf32, #tpu.memory_space<vmem>>, %arg4: memref<1x128xf32, #tpu.memory_space<vmem>>, %arg5: memref<1x128xf32, #tpu.memory_space<vmem>>, %arg6: memref<1x128xf32, #tpu.memory_space<vmem>>, %arg7: memref<128x128xf32, #tpu.memory_space<vmem>>, %arg8: memref<1x128xf32, #tpu.memory_space<vmem>>, %arg9: memref<1x128xf32, #tpu.memory_space<vmem>>, %arg10: memref<1x128xf32, #tpu.memory_space<vmem>>, %arg11: memref<1x10000xi32, #tpu.memory_space<vmem>>, %arg12: memref<128x128xf32, #tpu.memory_space<vmem>>, %arg13: memref<1x128xf32, #tpu.memory_space<vmem>>, %arg14: memref<128x128xf32, #tpu.memory_space<vmem>>) attributes {dimension_semantics = [], scalar_prefetch = 0 : i64, scratch_operands = 0 : i64, tpu.core_type = #tpu.core_type<tc>} {
    %get3A = arith.constant 0 : index
    %get3A_0 = arith.constant 0 : index
    %get3A_1 = vector.load %arg0[%get3A, %get3A_0] : memref<10000x128xf32, #tpu.memory_space<vmem>>, vector<10000x128xf32>
    %get3A_2 = arith.constant 0 : index
    %get3A_3 = arith.constant 0 : index
    %get3A_4 = vector.load %arg2[%get3A_2, %get3A_3] : memref<1x1xf32, #tpu.memory_space<vmem>>, vector<1x1xf32>
    %add3A = arith.constant 1.000000e+00 : f32
    %add3A_5 = vector.broadcast %add3A : f32 to vector<1x1xf32>
    %add3A_6 = arith.addf %add3A_5, %get3A_4 : vector<1x1xf32>
    %mul3A = vector.broadcast %add3A_6 : vector<1x1xf32> to vector<10000x128xf32>
    %mul3A_7 = arith.mulf %mul3A, %get3A_1 : vector<10000x128xf32>
    %get3A_8 = arith.constant 0 : index
    %get3A_9 = arith.constant 0 : index
    %get3A_10 = arith.constant 0 : index
    %get3A_11 = vector.load %arg1[%get3A_8, %get3A_9, %get3A_10] : memref<2x10240x128xf32, #tpu.memory_space<vmem>>, vector<1x10000x128xf32>
    %get3A_12 = vector.shape_cast %get3A_11 : vector<1x10000x128xf32> to vector<10000x128xf32>
    %add3A_13 = arith.addf %mul3A_7, %get3A_12 : vector<10000x128xf32>
    %get3A_14 = arith.constant 1 : index
    %get3A_15 = arith.constant 0 : index
    %get3A_16 = arith.constant 0 : index
    %get3A_17 = vector.load %arg1[%get3A_14, %get3A_15, %get3A_16] : memref<2x10240x128xf32, #tpu.memory_space<vmem>>, vector<1x10000x128xf32>
    %get3A_18 = vector.shape_cast %get3A_17 : vector<1x10000x128xf32> to vector<10000x128xf32>
    %add3A_19 = arith.addf %add3A_13, %get3A_18 : vector<10000x128xf32>
    %get3A_20 = arith.constant 0 : index
    %get3A_21 = arith.constant 0 : index
    %get3A_22 = vector.load %arg3[%get3A_20, %get3A_21] : memref<128x128xf32, #tpu.memory_space<vmem>>, vector<128x128xf32>
    %dot_general3A = arith.constant dense<0.000000e+00> : vector<10000x128xf32>
    %dot_general3A_23 = tpu.matmul %add3A_19, %get3A_22, %dot_general3A {dimension_numbers = #tpu.dot_dimension_numbers<[1], [0], [0], [1], [0, 0, 1, 1], [], []>, transpose_lhs_hint = false} : vector<10000x128xf32>, vector<128x128xf32>, vector<10000x128xf32> -> vector<10000x128xf32>
    %get3A_24 = arith.constant 0 : index
    %get3A_25 = arith.constant 0 : index
    %get3A_26 = vector.load %arg4[%get3A_24, %get3A_25] : memref<1x128xf32, #tpu.memory_space<vmem>>, vector<1x128xf32>
    %add3A_27 = vector.broadcast %get3A_26 : vector<1x128xf32> to vector<10000x128xf32>
    %add3A_28 = arith.addf %dot_general3A_23, %add3A_27 : vector<10000x128xf32>
    %get3A_29 = arith.constant 0 : index
    %get3A_30 = arith.constant 0 : index
    %get3A_31 = vector.load %arg5[%get3A_29, %get3A_30] : memref<1x128xf32, #tpu.memory_space<vmem>>, vector<1x128xf32>
    %get3A_32 = arith.constant 0 : index
    %get3A_33 = arith.constant 0 : index
    %get3A_34 = vector.load %arg6[%get3A_32, %get3A_33] : memref<1x128xf32, #tpu.memory_space<vmem>>, vector<1x128xf32>
    %reduce_sum3A = arith.constant dense<0.000000e+00> : vector<128xf32>
    %reduce_sum3A_35 = vector.multi_reduction <add>, %add3A_28, %reduce_sum3A [0] : vector<10000x128xf32> to vector<128xf32>
    %broadcast_in_dim3A = vector.shape_cast %reduce_sum3A_35 : vector<128xf32> to vector<1x128xf32>
    %div3A = arith.constant 1.000000e+04 : f32
    %div3A_36 = vector.broadcast %div3A : f32 to vector<1x128xf32>
    %div3A_37 = arith.divf %broadcast_in_dim3A, %div3A_36 : vector<1x128xf32>
    %sub3A = vector.broadcast %div3A_37 : vector<1x128xf32> to vector<10000x128xf32>
    %sub3A_38 = arith.subf %add3A_28, %sub3A : vector<10000x128xf32>
    %integer_pow3A = arith.mulf %sub3A_38, %sub3A_38 : vector<10000x128xf32>
    %reduce_sum3A_39 = arith.constant dense<0.000000e+00> : vector<128xf32>
    %reduce_sum3A_40 = vector.multi_reduction <add>, %integer_pow3A, %reduce_sum3A_39 [0] : vector<10000x128xf32> to vector<128xf32>
    %broadcast_in_dim3A_41 = vector.shape_cast %reduce_sum3A_40 : vector<128xf32> to vector<1x128xf32>
    %div3A_42 = arith.constant 1.000000e+04 : f32
    %div3A_43 = vector.broadcast %div3A_42 : f32 to vector<1x128xf32>
    %div3A_44 = arith.divf %broadcast_in_dim3A_41, %div3A_43 : vector<1x128xf32>
    %sub3A_45 = vector.broadcast %div3A_37 : vector<1x128xf32> to vector<10000x128xf32>
    %sub3A_46 = arith.subf %add3A_28, %sub3A_45 : vector<10000x128xf32>
    %mul3A_47 = vector.broadcast %get3A_31 : vector<1x128xf32> to vector<10000x128xf32>
    %mul3A_48 = arith.mulf %mul3A_47, %sub3A_46 : vector<10000x128xf32>
    %add3A_49 = arith.constant 9.99999974E-6 : f32
    %add3A_50 = vector.broadcast %add3A_49 : f32 to vector<1x128xf32>
    %add3A_51 = arith.addf %div3A_44, %add3A_50 : vector<1x128xf32>
    %rsqrt3A = math.rsqrt %add3A_51 : vector<1x128xf32>
    %mul3A_52 = vector.broadcast %rsqrt3A : vector<1x128xf32> to vector<10000x128xf32>
    %mul3A_53 = arith.mulf %mul3A_48, %mul3A_52 : vector<10000x128xf32>
    %add3A_54 = vector.broadcast %get3A_34 : vector<1x128xf32> to vector<10000x128xf32>
    %add3A_55 = arith.addf %mul3A_53, %add3A_54 : vector<10000x128xf32>
    %max3A = arith.constant 0.000000e+00 : f32
    %max3A_56 = vector.broadcast %max3A : f32 to vector<10000x128xf32>
    %max3A_57 = arith.maximumf %add3A_55, %max3A_56 : vector<10000x128xf32>
    %get3A_58 = arith.constant 0 : index
    %get3A_59 = arith.constant 0 : index
    %get3A_60 = vector.load %arg7[%get3A_58, %get3A_59] : memref<128x128xf32, #tpu.memory_space<vmem>>, vector<128x128xf32>
    %dot_general3A_61 = arith.constant dense<0.000000e+00> : vector<10000x128xf32>
    %dot_general3A_62 = tpu.matmul %max3A_57, %get3A_60, %dot_general3A_61 {dimension_numbers = #tpu.dot_dimension_numbers<[1], [0], [0], [1], [0, 0, 1, 1], [], []>, transpose_lhs_hint = false} : vector<10000x128xf32>, vector<128x128xf32>, vector<10000x128xf32> -> vector<10000x128xf32>
    %get3A_63 = arith.constant 0 : index
    %get3A_64 = arith.constant 0 : index
    %get3A_65 = vector.load %arg8[%get3A_63, %get3A_64] : memref<1x128xf32, #tpu.memory_space<vmem>>, vector<1x128xf32>
    %add3A_66 = vector.broadcast %get3A_65 : vector<1x128xf32> to vector<10000x128xf32>
    %add3A_67 = arith.addf %dot_general3A_62, %add3A_66 : vector<10000x128xf32>
    %get3A_68 = arith.constant 0 : index
    %get3A_69 = arith.constant 0 : index
    %get3A_70 = vector.load %arg9[%get3A_68, %get3A_69] : memref<1x128xf32, #tpu.memory_space<vmem>>, vector<1x128xf32>
    %get3A_71 = arith.constant 0 : index
    %get3A_72 = arith.constant 0 : index
    %get3A_73 = vector.load %arg10[%get3A_71, %get3A_72] : memref<1x128xf32, #tpu.memory_space<vmem>>, vector<1x128xf32>
    %reduce_sum3A_74 = arith.constant dense<0.000000e+00> : vector<128xf32>
    %reduce_sum3A_75 = vector.multi_reduction <add>, %add3A_67, %reduce_sum3A_74 [0] : vector<10000x128xf32> to vector<128xf32>
    %broadcast_in_dim3A_76 = vector.shape_cast %reduce_sum3A_75 : vector<128xf32> to vector<1x128xf32>
    %div3A_77 = arith.constant 1.000000e+04 : f32
    %div3A_78 = vector.broadcast %div3A_77 : f32 to vector<1x128xf32>
    %div3A_79 = arith.divf %broadcast_in_dim3A_76, %div3A_78 : vector<1x128xf32>
    %sub3A_80 = vector.broadcast %div3A_79 : vector<1x128xf32> to vector<10000x128xf32>
    %sub3A_81 = arith.subf %add3A_67, %sub3A_80 : vector<10000x128xf32>
    %integer_pow3A_82 = arith.mulf %sub3A_81, %sub3A_81 : vector<10000x128xf32>
    %reduce_sum3A_83 = arith.constant dense<0.000000e+00> : vector<128xf32>
    %reduce_sum3A_84 = vector.multi_reduction <add>, %integer_pow3A_82, %reduce_sum3A_83 [0] : vector<10000x128xf32> to vector<128xf32>
    %broadcast_in_dim3A_85 = vector.shape_cast %reduce_sum3A_84 : vector<128xf32> to vector<1x128xf32>
    %div3A_86 = arith.constant 1.000000e+04 : f32
    %div3A_87 = vector.broadcast %div3A_86 : f32 to vector<1x128xf32>
    %div3A_88 = arith.divf %broadcast_in_dim3A_85, %div3A_87 : vector<1x128xf32>
    %sub3A_89 = vector.broadcast %div3A_79 : vector<1x128xf32> to vector<10000x128xf32>
    %sub3A_90 = arith.subf %add3A_67, %sub3A_89 : vector<10000x128xf32>
    %mul3A_91 = vector.broadcast %get3A_70 : vector<1x128xf32> to vector<10000x128xf32>
    %mul3A_92 = arith.mulf %mul3A_91, %sub3A_90 : vector<10000x128xf32>
    %add3A_93 = arith.constant 9.99999974E-6 : f32
    %add3A_94 = vector.broadcast %add3A_93 : f32 to vector<1x128xf32>
    %add3A_95 = arith.addf %div3A_88, %add3A_94 : vector<1x128xf32>
    %rsqrt3A_96 = math.rsqrt %add3A_95 : vector<1x128xf32>
    %mul3A_97 = vector.broadcast %rsqrt3A_96 : vector<1x128xf32> to vector<10000x128xf32>
    %mul3A_98 = arith.mulf %mul3A_92, %mul3A_97 : vector<10000x128xf32>
    %add3A_99 = vector.broadcast %get3A_73 : vector<1x128xf32> to vector<10000x128xf32>
    %add3A_100 = arith.addf %mul3A_98, %add3A_99 : vector<10000x128xf32>
    %max3A_101 = arith.constant 0.000000e+00 : f32
    %max3A_102 = vector.broadcast %max3A_101 : f32 to vector<10000x128xf32>
    %max3A_103 = arith.maximumf %add3A_100, %max3A_102 : vector<10000x128xf32>
    %add3A_104 = arith.addf %max3A_103, %get3A_1 : vector<10000x128xf32>
    %iota3A = tpu.iota {dimensions = array<i32: 0>} : vector<128x10000xi32>
    %get3A_105 = arith.constant 0 : index
    %get3A_106 = arith.constant 0 : index
    %get3A_107 = vector.load %arg11[%get3A_105, %get3A_106] : memref<1x10000xi32, #tpu.memory_space<vmem>>, vector<1x10000xi32>
    %eq3A = vector.broadcast %get3A_107 : vector<1x10000xi32> to vector<128x10000xi32>
    %eq3A_108 = arith.cmpi eq, %iota3A, %eq3A : vector<128x10000xi32>
    %convert_element_type3A = arith.extui %eq3A_108 : vector<128x10000xi1> to vector<128x10000xi32>
    %convert_element_type3A_109 = arith.sitofp %convert_element_type3A : vector<128x10000xi32> to vector<128x10000xf32>
    %dot_general3A_110 = arith.constant dense<0.000000e+00> : vector<128x128xf32>
    %dot_general3A_111 = tpu.matmul %convert_element_type3A_109, %add3A_104, %dot_general3A_110 {dimension_numbers = #tpu.dot_dimension_numbers<[1], [0], [0], [1], [0, 0, 1, 1], [], []>, transpose_lhs_hint = false} : vector<128x10000xf32>, vector<10000x128xf32>, vector<128x128xf32> -> vector<128x128xf32>
    %get3A_112 = arith.constant 0 : index
    %get3A_113 = arith.constant 0 : index
    %get3A_114 = vector.load %arg12[%get3A_112, %get3A_113] : memref<128x128xf32, #tpu.memory_space<vmem>>, vector<128x128xf32>
    %dot_general3A_115 = arith.constant dense<0.000000e+00> : vector<128x128xf32>
    %dot_general3A_116 = tpu.matmul %dot_general3A_111, %get3A_114, %dot_general3A_115 {dimension_numbers = #tpu.dot_dimension_numbers<[1], [0], [0], [1], [0, 0, 1, 1], [], []>, transpose_lhs_hint = false} : vector<128x128xf32>, vector<128x128xf32>, vector<128x128xf32> -> vector<128x128xf32>
    %get3A_117 = arith.constant 0 : index
    %get3A_118 = arith.constant 0 : index
    %get3A_119 = vector.load %arg13[%get3A_117, %get3A_118] : memref<1x128xf32, #tpu.memory_space<vmem>>, vector<1x128xf32>
    %add3A_120 = vector.broadcast %get3A_119 : vector<1x128xf32> to vector<128x128xf32>
    %add3A_121 = arith.addf %dot_general3A_116, %add3A_120 : vector<128x128xf32>
    %swap3A = arith.constant 0 : index
    %swap3A_122 = arith.constant 0 : index
    %swap3A_123 = vector.load %arg14[%swap3A, %swap3A_122] : memref<128x128xf32, #tpu.memory_space<vmem>>, vector<128x128xf32>
    tpu.vector_store %arg14[%swap3A, %swap3A_122], %add3A_121 {strides = array<i32>} : memref<128x128xf32, #tpu.memory_space<vmem>>, vector<128x128xf32>,
    return
  }
}

</mosaic_0001>

<sc_bundles>
// kernel: sc_segment_sum.11.cloned.1.call-start
scs
__scs_entry_jumppad:
0x0: {  	(pc) =	sbr.rel $0x88, $3  }
0x1: {  	(tag) =	ssettag $0x0;
	lr =	simm.s32 $0x1  }
0x2: {  	[smem:$0x3F7F] =	sst lr;
	_ =	strace $0xD0000000  }
0x3: {  	_ = 	snop  }
0x4: {  	_ = 	snop  }
0x5: {  	_ = 	snop  }
0x6: {  	_ = 	snop  }
0x7: {  	_ = 	snop  }
__scs_overlays_trampoline_lowered:
0x8: {  	[smem:$0x3F8E] =	sst s0  }
0x9: {  	[smem:$0x3F8F] =	sst s1  }
0xa: {  	[smem:$0x3F90] =	sst s2  }
0xb: {  	[smem:$0x3F91] =	sst s3  }
0xc: {  	[smem:$0x3F92] =	sst s4  }
0xd: {  	[smem:$0x3F93] =	sst s5  }
0xe: {  	[smem:$0x3F94] =	sst s6  }
0xf: {  	[smem:$0x3F95] =	sst s7  }
0x10: {  	[smem:$0x3F96] =	sst s8  }
0x11: {  	[smem:$0x3F97] =	sst s9;
	s0 =	simm.s32 @!p0 $0x0  }
0x12: {  	s1 =	sld [smem:$0x3F7D];
	s0 =	simm.s32 @p0 $0x1  }
0x13: {  	[smem:$0x3F98] =	sst s0;
	s0 =	simm.s32 @!p1 $0x0  }
0x14: {  	s2 =	sld [smem:$0x3F7C];
	s0 =	simm.s32 @p1 $0x1  }
0x15: {  	[smem:$0x3F99] =	sst s0;
	s0 =	simm.s32 @!p2 $0x0  }
0x16: {  	s3 =	sld [smem:$0x3FDB];
	s0 =	simm.s32 @p2 $0x1  }
0x17: {  	s4 =	simm.s32 $0x1BF5;
	[smem:$0x3F9B] =	sst s0  }
0x18: {  	s0 =	sld [smem:$0x3F7E];
	_ =	swait.ge [sflag:s4], $0x0  }
0x19: {  	s7 =	sld [smem:$0x3F7F]  }
0x1a: {  	s8 =	sadd.s32 $0xFFFFE003, lr  }
0x1b: {  	s9 =	sadd.s32 $0xFFFFFEF7, lr;
	s5 =	simm.s32 $0xFFFFFFFF;
	p2 =	slt.u32 s8, $0xFFFFF086  }
0x1c: {  	p1 =	slt.u32 s9, $0xF7A;
	s5 =	simm.s32 @!p2 $0x0  }
0x1d: {  	s5 =	simm.s32 @p1 $0x1;
	p0 =	seq.s32 s7, s2  }
0x1e: {  	s7 =	smul.u32 @!p0 $0xF7A, s2;
	p2 =	seq.s32 @!p0 s5, $0x0  }
0x1f: {  	s9 =	smul.u32 $0xF7A, s1;
	s8 =	simm.s32 @!p0 $0x1BF5;
	p2 =	por !p2, p0  }
0x20: {  	[sflag:s8] =	ssyncset.s32 @!p0 $0xFFFFF086;
	s6 =	sadd.s32 @!p0 s3, s7;
	s7 =	simm.s32 @!p0 $0x108  }
0x21: {  	s3 =	sadd.s32 s3, s9;
	s6 =	sadd.s32 @!p0 $0x88, s6;
	s7 =	simm.s32 @p2 $0x1082  }
0x22: {  	[simem:s7], [sflag:s8] =	dma.local @!p0 [hbm:s6], $0xF7A  }
0x23: {  	s9 =	sor.u32 $0xD0000000, s2;
	s6 =	simm.s32 $0x108;
	_ =	swait.ge @!p0 [sflag:s8], $0x0  }
0x24: {  	s3 =	sadd.s32 $0x88, s3;
	s6 =	simm.s32 @!p1 $0x1082;
	[sflag:s4] =	ssyncset.s32 $0xFFFFF086  }
0x25: {  	[simem:s6], [sflag:s4] =	dma.local [hbm:s3], $0xF7A  }
0x26: {  	[smem:$0x3F7F] =	sst s1;
	(tag) =	ssettag s2;
	_ =	strace s9  }
0x27: {  	s1 =	sld [smem:$0x3F8F]  }
0x28: {  	s2 =	sld [smem:$0x3F90]  }
0x29: {  	s4 =	sld [smem:$0x3F92]  }
0x2a: {  	p0 =	seq.s32 s5, $0x0;
	s5 =	sld [smem:$0x3F93]  }
0x2b: {  	s6 =	sld [smem:$0x3F94]  }
0x2c: {  	s7 =	sld [smem:$0x3F95]  }
0x2d: {  	s3 =	simm.s32 $0x108;
	s8 =	sld [smem:$0x3F96]  }
0x2e: {  	s3 =	simm.s32 @!p0 $0x1082;
	s9 =	sld [smem:$0x3F97]  }
0x2f: {  	lr =	sadd.s32 s0, s3;
	s0 =	sld [smem:$0x3F8E]  }
0x30: {  	s3 =	sld [smem:$0x3F91]  }
0x31: {  	[smem:$0x3F9A] =	sst s10  }
0x32: {  	s10 =	sld [smem:$0x3F98];
	_ =	sdelay $0x3  }
0x33: {  	p0 =	seq.s32 s10, $0x1;
	s10 =	sld [smem:$0x3F9A];
	_ =	sdelay $0x3  }
0x34: {  	[smem:$0x3F9A] =	sst s10  }
0x35: {  	s10 =	sld [smem:$0x3F99];
	_ =	sdelay $0x3  }
0x36: {  	p1 =	seq.s32 s10, $0x1;
	s10 =	sld [smem:$0x3F9A];
	_ =	sdelay $0x3  }
0x37: {  	[smem:$0x3F9A] =	sst s10  }
0x38: {  	s10 =	sld [smem:$0x3F9B]  }
0x39: {  	_ = 	snop;
	(pc) =	sbr.ind lr, $3  }
0x3a: {  	_ = 	snop  }
0x3b: {  	_ = 	snop  }
0x3c: {  	p2 =	seq.s32 s10, $0x1;
	s10 =	sld [smem:$0x3F9A]  }
0x3d: {  	_ =	shalt  }
0x3e: {  	_ =	shalt  }
0x3f: {  	_ =	shalt  }
0x40: {  	_ =	shalt  }
0x41: {  	_ =	shalt  }
0x42: {  	_ =	shalt  }
0x43: {  	_ =	shalt  }
0x44: {  	_ =	shalt  }
0x45: {  	_ =	shalt  }
0x46: {  	_ =	shalt  }
0x47: {  	_ =	shalt  }
0x48: {  	_ =	shalt  }
0x49: {  	_ =	shalt  }
0x4a: {  	_ =	shalt  }
0x4b: {  	_ =	shalt  }
0x4c: {  	_ =	shalt  }
0x4d: {  	_ =	shalt  }
0x4e: {  	_ =	shalt  }
0x4f: {  	_ =	shalt  }
0x50: {  	_ =	shalt  }
0x51: {  	_ =	shalt  }
0x52: {  	_ =	shalt  }
0x53: {  	_ =	shalt  }
0x54: {  	_ =	shalt  }
0x55: {  	_ =	shalt  }
0x56: {  	_ =	shalt  }
0x57: {  	_ =	shalt  }
0x58: {  	_ =	shalt  }
0x59: {  	_ =	shalt  }
0x5a: {  	_ =	shalt  }
0x5b: {  	_ =	shalt  }
0x5c: {  	_ =	shalt  }
0x5d: {  	_ =	shalt  }
0x5e: {  	_ =	shalt  }
0x5f: {  	_ =	shalt  }
0x60: {  	_ =	shalt  }
0x61: {  	_ =	shalt  }
0x62: {  	_ =	shalt  }
0x63: {  	_ =	shalt  }
0x64: {  	_ =	shalt  }
0x65: {  	_ =	shalt  }
0x66: {  	_ =	shalt  }
0x67: {  	_ =	shalt  }
0x68: {  	_ =	shalt  }
0x69: {  	_ =	shalt  }
0x6a: {  	_ =	shalt  }
0x6b: {  	_ =	shalt  }
0x6c: {  	_ =	shalt  }
0x6d: {  	_ =	shalt  }
0x6e: {  	_ =	shalt  }
0x6f: {  	_ =	shalt  }
0x70: {  	_ =	shalt  }
0x71: {  	_ =	shalt  }
0x72: {  	_ =	shalt  }
0x73: {  	_ =	shalt  }
0x74: {  	_ =	shalt  }
0x75: {  	_ =	shalt  }
0x76: {  	_ =	shalt  }
0x77: {  	_ =	shalt  }
0x78: {  	_ =	shalt  }
0x79: {  	_ =	shalt  }
0x7a: {  	_ =	shalt  }
0x7b: {  	_ =	shalt  }
0x7c: {  	_ =	shalt  }
0x7d: {  	_ =	shalt  }
0x7e: {  	_ =	shalt  }
0x7f: {  	_ =	shalt  }
0x80: {  	_ =	shalt  }
0x81: {  	_ =	shalt  }
0x82: {  	_ =	shalt  }
0x83: {  	_ =	shalt  }
0x84: {  	_ =	shalt  }
0x85: {  	_ =	shalt  }
0x86: {  	_ =	shalt  }
0x87: {  	_ =	shalt  }
.Lfunc_end0:
.L_simem_size_0:
called_computation.2_lowered:
.L_overlay_start_0:
0x88: {  	s2 =	sld [smem:$0x3FD9]  }
0x89: {  	s3 =	sld [smem:$0x3FFE];
	_ =	sdelay $0x1  }
0x8a: {  	s1 =	srdreg.scid  }
0x8b: {  	s0 =	sand.u32 $0x1, s1  }
0x8c: {  	s16 =	sshll.u32 s0, $0xA;
	s2 =	sadd.s32 s3, s2  }
0x8d: {  	s2 =	sadd.s32 s2, s16  }
0x8e: {  	[smem:$0x3FA6] =	sst s2  }
0x8f: {  	_ = 	snop  }
0x90: {  	(tm) =	ssettm $0x1  }
0x91: {  	s17 =	sld [smem:$0x3FFB];
	_ =	sdelay $0x3  }
0x92: {  	_ =	strace s17  }
0x93: {  	s2 =	sld [smem:$0x3FFC];
	_ =	sdelay $0x3  }
0x94: {  	_ =	strace s2  }
0x95: {  	s2 =	sld [smem:$0x3FFD];
	_ =	sdelay $0x3  }
0x96: {  	_ =	strace s2  }
0x97: {  	_ =	strace $0x8FFFFFFF  }
0x98: {  	s18 =	sld [smem:$0x3FDB];
	_ =	sdelay $0x1  }
0x99: {  	s19 =	simm.s32 $_scs_section_size  }
0x9a: {  	s4 =	simm.s32 $_size__tile_overlayer_lowered;
	s5 =	simm.s32 $_tile_overlayer_lowered  }
0x9b: {  	s22 =	simm.s32 $0x1BFF;
	s21 =	sshll.u32 s5, $0x1;
	s2 =	sadd.s32 s19, s18  }
0x9c: {  	s6 =	simm.s32 $0x0;
	s20 =	sshll.u32 s4, $0x1;
	s4 =	sadd.s32 s21, s2  }
0x9d: {  	[timem:s6], [sflag:s22] =	dma.local [hbm:s4], s20  }
0x9e: {  	_ =	swait.ge [sflag:s22], s20  }
0x9f: {  	s3 =	ssub.s32 $0x0, s20;
	[sflag:s22] =	ssyncset.done $0x0  }
0xa0: {  	[sflag:s22] =	ssyncadd.s32 s3;
	_ =	sdelay $0x1  }
0xa1: {  	s23 =	simm.s32 $0x1B8B  }
0xa2: {  	_ =	swait.ge [sflag:s23], $0x1  }
0xa3: {  	[sflag:s23] =	ssyncset.done $0x0  }
0xa4: {  	s25 =	simm.s32 $0x1B8E;
	s24 =	sld [smem:$0x3FFE];
	[sflag:s23] =	ssyncadd.s32 $0xFFFFFFFF  }
0xa5: {  	s26 =	simm.s32 $execute0_lowered;
	[smem:$0x3FD2] =	sst s25  }
0xa6: {  	s4 =	sshll.u32 s26, $0x1;
	_ =	strace $0x8000004C;
	[dreg:$0x1] =	wrdreg $0xFFFFFFFF  }
0xa7: {  	s28 =	simm.s32 $_size_execute0_lowered;
	s2 =	sadd.s32 s2, s4;
	[dreg:$0x0] =	wrdreg $0x0  }
0xa8: {  	s4 =	sshll.u32 s28, $0x1;
	[dreg:$0x2] =	wrdreg s2  }
0xa9: {  	[dreg:$0x3] =	wrdreg s4  }
0xaa: {  	[dreg:$0x4] =	wrdreg $0xC0  }
0xab: {  	_ =	task [dreg:s6], $0x5FFFF  }
0xac: {  	[dreg:$0x1] =	wrdreg $0xFFFFFFFF  }
0xad: {  	[dreg:$0x0] =	wrdreg $0x60  }
0xae: {  	[dreg:$0x2] =	wrdreg s24  }
0xaf: {  	[dreg:$0x3] =	wrdreg $0xB0000  }
0xb0: {  	[dreg:$0x4] =	wrdreg $0x9  }
0xb1: {  	_ =	task.clear_ibuf [dreg:s6], $0x5FFFF;
	_ =	strace $0x9000004C  }
0xb2: {  	s29 =	simm.s32 $0x9;
	_ =	strace $0x8000004E  }
0xb3: {  	_ =	swait.ge [sflag:s29], $0x1  }
0xb4: {  	[sflag:s29] =	ssyncadd.s32 $0xFFFFFFFF  }
0xb5: {  	_ =	strace $0x9000004E  }
0xb6: {  	_ =	sfence  }
0xb7: {  	s30 =	sld [smem:$0x0];
	_ =	sdelay $0x2  }
0xb8: {  	s31 =	sshll.u32 s1, $0xD;
	s1 =	sshrl.u32 s1, $0x2  }
0xb9: {  	s3 =	sand.u32 $0x4000, s31;
	s1 =	sadd.s32 s1, s30  }
0xba: {  	s0 =	sor.u32 s3, s0;
	s1 =	sshll.u32 s1, $0x11  }
0xbb: {  	s0 =	sor.u32 s1, s0  }
0xbc: {  	s0 =	sadd.s32 $0x8F2B, s0  }
0xbd: {  	[sflag:s0] =	ssyncadd.remote.s32 $0x1  }
0xbe: {  	_ =	sfence.sel $0xFFFF  }
0xbf: {  	[dreg:$0x0] =	wrdreg $0xFFFFFFFF;
	(pc) =	sbr.abs _section_cstart, $3  }
0xc0: {  	[dreg:$0x1] =	wrdreg $0xFFFFFFFF  }
0xc1: {  	_ =	task.clear_ibuf [dreg:s6], $0x2FFFF;
	_ =	strace $0x9FFFFFFF  }
0xc2: {  	(tm) =	ssettm $0x7FFFFFFF  }
0xc3: {  	_ =	shalt  }
tec
execute0_lowered:
.L_overlay_start_1:
0x0: {  	(tag) =	ssettag $0x1  }
0x1: {  	s1 =	srdreg.scid  }
0x2: {  	s0 =	stileid.u32;
	s6 =	rddreg [dreg:$0x0]  }
0x3: {  	s2 =	rddreg [dreg:$0x1];
	s3 =	simm.s32 $0x0;
	s15 =	simm.s32 $0x1800  }
0x4: {  	s16 =	simm.s32 $0x3000;
	s17 =	simm.s32 $0x2;
	s18 =	simm.s32 $0x3  }
0x5: {  	s19 =	simm.s32 $0x80;
	s20 =	simm.s32 $0x7000;
	s21 =	simm.s32 $0x1  }
0x6: {  	s22 =	simm.s32 $0x4;
	s24 =	simm.s32 $0x0;
	s9 =	smul.u32 $0x14000, s0  }
0x7: {  	s5 =	sand.u32 $0x1, s1;
	s26 =	sshll.u32 s0, $0x1;
	s28 =	smul.u32 $0x50000, s0  }
0x8: {  	[smem:$0x7FF] =	sst s3;
	s1 =	sor.u32 s5, s26;
	s8 =	smul.u32 $0x140000, s5  }
0x9: {  	s4 =	sadd.s32 $0x1D800, s6;
	s5 =	ssub.s32 $0x2, s5;
	s7 =	smul.u32 $0x6000, s1  }
0xa: {  	s1 =	rddreg [dreg:$0x2];
	_ =	strace $0x8000004D;
	s30 =	sshrl.u32 s5, $0x1  }
0xb: {  	s31 =	sshrl.u32 s28, $0x2;
	s8 =	sadd.s32 s9, s8;
	s13 =	ssub.s32 s5, s30  }
0xc: {  	s7 =	sshrl.u32 s7, $0x3;
	s29 =	sshrl.u32 s8, $0x3;
	s13 =	smax.u32 s13, $0x1  }
0xd: {  	s14 =	sadd.s32 s7, s6;
	s12 =	sadd.s32 s29, s6;
	s6 =	sadd.s32 s31, s2  }
0xe: {  	s5 =	sadd.s32 $0x5800, s14;
	s7 =	sadd.s32 $0x4000, s6;
	s8 =	sadd.s32 $0x8000, s6  }
0xf: {  	s9 =	sadd.s32 $0xC000, s6;
	s10 =	sadd.s32 $0x10000, s6;
	s11 =	sadd.s32 $0x5E00, s14  }
0x10: {  	v0 =	vimm.f32 $0.0e+00;
	s12 =	sadd.s32 $0x44A00, s12;
	s14 =	sadd.s32 $0x5B00, s14;
	s23 =	sadd.s32 $0x300, s11  }
.LBB2_1:
0x11: {  	[tilespmem:s3], [sflag:$0x3] =	stream.linear.gather [hbm4b:s5+s3], $0x1500, $0x38;
	[tilespmem:$0x1F000] =	vst v63  }
0x12: {  	s25 =	simm.s32 $0x0;
	s26 =	simm.s32 $0x200  }
0x13: {  	[tilespmem:s15], [sflag:$0x3] =	stream.linear.gather [hbm4b:s14+s3], $0x1500, $0x38;
	[tilespmem:$0x1F000] =	vst v63  }
.LBB2_2:
0x14: {  	p0 =	sne.s32 s26, $0xFE00;
	[tilespmem:s25+$0x3070] =	vst v0  }
0x15: {  	[tilespmem:s25+$0x3000] =	vst v0  }
0x16: {  	[tilespmem:s25+$0x3010] =	vst v0  }
.Ltmp0:
0x17: {  	[tilespmem:s25+$0x3020] =	vst v0;
	(pc) =	sbr.rel @p0 .LBB2_2-.Ltmp0, $4  }
0x18: {  	[tilespmem:s25+$0x3030] =	vst v0  }
0x19: {  	[tilespmem:s25+$0x3040] =	vst v0  }
0x1a: {  	[tilespmem:s25+$0x3050] =	vst v0  }
0x1b: {  	[tilespmem:s25+$0x3060] =	vst v0;
	s25 =	sshra.s32 s26, $0x2;
	s26 =	sadd.s32 $0x200, s26  }
0x1c: {  	[tilespmem:s25+$0x3070] =	vst v0  }
0x1d: {  	[tilespmem:s25+$0x3000] =	vst v0  }
0x1e: {  	[tilespmem:s25+$0x3010] =	vst v0  }
0x1f: {  	[tilespmem:s25+$0x3020] =	vst v0  }
0x20: {  	[tilespmem:s25+$0x3030] =	vst v0  }
0x21: {  	[tilespmem:s25+$0x3040] =	vst v0  }
0x22: {  	[tilespmem:s25+$0x3050] =	vst v0  }
0x23: {  	[tilespmem:s25+$0x3060] =	vst v0  }
0x24: {  	[spmem:s6] =	stream.linear.scatter [tilespmem:s16], [sflag:$0x2], $0x4000, $0x38;
	[tilespmem:$0x1F000] =	vst v63  }
0x25: {  	_ = 	snop  }
0x26: {  	[spmem:s7] =	stream.linear.scatter [tilespmem:s16], [sflag:$0x2], $0x4000, $0x38;
	[tilespmem:$0x1F000] =	vst v63  }
0x27: {  	_ = 	snop  }
0x28: {  	[spmem:s8] =	stream.linear.scatter [tilespmem:s16], [sflag:$0x2], $0x4000, $0x38;
	[tilespmem:$0x1F000] =	vst v63  }
0x29: {  	_ = 	snop  }
0x2a: {  	[spmem:s9] =	stream.linear.scatter [tilespmem:s16], [sflag:$0x2], $0x4000, $0x38;
	[tilespmem:$0x1F000] =	vst v63  }
0x2b: {  	_ = 	snop  }
0x2c: {  	[spmem:s10] =	stream.linear.scatter [tilespmem:s16], [sflag:$0x2], $0x4000, $0x38;
	[tilespmem:$0x1F000] =	vst v63  }
0x2d: {  	_ =	swait.ge [sflag:s17], $0x4000  }
0x2e: {  	[sflag:s17] =	ssyncset.done $0x0  }
0x2f: {  	[sflag:s17] =	ssyncadd.s32 $0xFFFFC000  }
0x30: {  	_ =	swait.ge [sflag:s17], $0x4000  }
0x31: {  	[sflag:s17] =	ssyncset.done $0x0  }
0x32: {  	[sflag:s17] =	ssyncadd.s32 $0xFFFFC000  }
0x33: {  	_ =	swait.ge [sflag:s17], $0x4000  }
0x34: {  	[sflag:s17] =	ssyncset.done $0x0  }
0x35: {  	[sflag:s17] =	ssyncadd.s32 $0xFFFFC000  }
0x36: {  	_ =	swait.ge [sflag:s17], $0x4000  }
0x37: {  	[sflag:s17] =	ssyncset.done $0x0  }
0x38: {  	[sflag:s17] =	ssyncadd.s32 $0xFFFFC000  }
0x39: {  	_ =	swait.ge [sflag:s17], $0x4000  }
0x3a: {  	[sflag:s17] =	ssyncset.done $0x0  }
0x3b: {  	[sflag:s17] =	ssyncadd.s32 $0xFFFFC000  }
0x3c: {  	_ =	swait.ge [sflag:s18], $0x2A00  }
0x3d: {  	[sflag:s18] =	ssyncset.done $0x0  }
0x3e: {  	[sflag:s18] =	ssyncadd.s32 $0xFFFFD600  }
0x3f: {  	[tilespmem:s16], [sflag:$0x1] =	stream.indirect.gather [hbm4b:s4+s19], $0x80, s3, s19, $0xb8;
	[tilespmem:$0x1F000] =	vst v63  }
0x40: {  	_ = 	snop  }
0x41: {  	[tilespmem:s20], [sflag:$0x2] =	stream.indirect.gather [hbm4b:s4+s19], $0x80, s19, s19, $0xb8;
	[tilespmem:$0x1F000] =	vst v63  }
0x42: {  	[bflag:$0x0] =	sbarrier.arrive $0xFFFF  }
0x43: {  	_ =	swait.ge [sflag:s21], $0x4000  }
0x44: {  	[sflag:s21] =	ssyncset.done $0x0  }
0x45: {  	s29 =	simm.s32 $0x1800;
	[sflag:s21] =	ssyncadd.s32 $0xFFFFC000  }
0x46: {  	[spmem:s2] =	stream.indirect.scatter.add.f32 [tilespmem:s16], [sflag:$0x4], $0x80, s29, s19, $0xb8;
	[tilespmem:$0x1F000] =	vst v63  }
0x47: {  	_ =	swait.ge [sflag:s22], $0x4000  }
0x48: {  	[sflag:s22] =	ssyncset.done $0x0  }
0x49: {  	s30 =	simm.s32 $0x100;
	[sflag:s22] =	ssyncadd.s32 $0xFFFFC000  }
0x4a: {  	[tilespmem:s16], [sflag:$0x1] =	stream.indirect.gather [hbm4b:s4+s19], $0x80, s30, s19, $0xb8;
	[tilespmem:$0x1F000] =	vst v63  }
0x4b: {  	_ =	swait.ge [sflag:s17], $0x4000  }
0x4c: {  	[sflag:s17] =	ssyncset.done $0x0  }
0x4d: {  	s31 =	simm.s32 $0x1880;
	[sflag:s17] =	ssyncadd.s32 $0xFFFFC000  }
0x4e: {  	[spmem:s2] =	stream.indirect.scatter.add.f32 [tilespmem:s20], [sflag:$0x4], $0x80, s31, s19, $0xb8;
	[tilespmem:$0x1F000] =	vst v63  }
0x4f: {  	_ =	swait.ge [sflag:s22], $0x4000  }
0x50: {  	[sflag:s22] =	ssyncset.done $0x0  }
0x51: {  	s25 =	simm.s32 $0xFFFFB400;
	s26 =	simm.s32 $0x180;
	[sflag:s22] =	ssyncadd.s32 $0xFFFFC000  }
.LBB2_4:
0x52: {  	[tilespmem:s20], [sflag:$0x2] =	stream.indirect.gather [hbm4b:s4+s19], $0x80, s26, s19, $0xb8;
	[tilespmem:$0x1F000] =	vst v63  }
0x53: {  	s26 =	smov.u32 s25  }
0x54: {  	p0 =	sne.s32 s25, $0xFFFFFC00;
	s25 =	sadd.s32 $0x400, s25;
	_ =	swait.ge [sflag:s21], $0x4000  }
0x55: {  	s26 =	sshra.s32 s26, $0x2;
	[sflag:s21] =	ssyncset.done $0x0  }
0x56: {  	s28 =	sadd.s32 $0x2C00, s26;
	[sflag:s21] =	ssyncadd.s32 $0xFFFFC000  }
0x57: {  	[spmem:s2] =	stream.indirect.scatter.add.f32 [tilespmem:s16], [sflag:$0x4], $0x80, s28, s19, $0xb8;
	[tilespmem:$0x1F000] =	vst v63  }
0x58: {  	_ =	swait.ge [sflag:s22], $0x4000  }
0x59: {  	[sflag:s22] =	ssyncset.done $0x0  }
0x5a: {  	s28 =	sadd.s32 $0x1500, s26;
	[sflag:s22] =	ssyncadd.s32 $0xFFFFC000  }
0x5b: {  	[tilespmem:s16], [sflag:$0x1] =	stream.indirect.gather [hbm4b:s4+s19], $0x80, s28, s19, $0xb8;
	[tilespmem:$0x1F000] =	vst v63  }
0x5c: {  	_ =	swait.ge [sflag:s17], $0x4000  }
0x5d: {  	[sflag:s17] =	ssyncset.done $0x0  }
.Ltmp1:
0x5e: {  	s28 =	sadd.s32 $0x2C80, s26;
	[sflag:s17] =	ssyncadd.s32 $0xFFFFC000;
	(pc) =	sbr.rel @p0 .LBB2_4-.Ltmp1, $4  }
0x5f: {  	[spmem:s2] =	stream.indirect.scatter.add.f32 [tilespmem:s20], [sflag:$0x4], $0x80, s28, s19, $0xb8;
	[tilespmem:$0x1F000] =	vst v63  }
0x60: {  	_ =	swait.ge [sflag:s22], $0x4000  }
0x61: {  	[sflag:s22] =	ssyncset.done $0x0  }
0x62: {  	s26 =	sadd.s32 $0x1580, s26;
	[sflag:s22] =	ssyncadd.s32 $0xFFFFC000  }
0x63: {  	[tilespmem:s20], [sflag:$0x2] =	stream.indirect.gather [hbm4b:s4+s19], $0x80, s26, s19, $0xb8;
	[tilespmem:$0x1F000] =	vst v63  }
0x64: {  	_ =	swait.ge [sflag:s21], $0x4000  }
0x65: {  	[sflag:s21] =	ssyncset.done $0x0  }
0x66: {  	[sflag:s21] =	ssyncadd.s32 $0xFFFFC000  }
0x67: {  	_ =	swait.ge [sflag:s17], $0x4000  }
0x68: {  	[sflag:s17] =	ssyncset.done $0x0  }
0x69: {  	[sflag:s17] =	ssyncadd.s32 $0xFFFFC000  }
0x6a: {  	[tilespmem:s3], [sflag:$0x4] =	stream.linear.gather [hbm4b:s11+s3], $0x1500, $0x38;
	[tilespmem:$0x1F000] =	vst v63  }
0x6b: {  	_ = 	snop  }
0x6c: {  	[tilespmem:s15], [sflag:$0x4] =	stream.linear.gather [hbm4b:s23+s3], $0x1500, $0x38;
	[tilespmem:$0x1F000] =	vst v63  }
0x6d: {  	_ =	swait.ge [sflag:s22], $0x2A00  }
0x6e: {  	[sflag:s22] =	ssyncset.done $0x0  }
0x6f: {  	[sflag:s22] =	ssyncadd.s32 $0xFFFFD600  }
0x70: {  	[tilespmem:s16], [sflag:$0x1] =	stream.indirect.gather [hbm4b:s4+s19], $0x80, s3, s19, $0xb8;
	[tilespmem:$0x1F000] =	vst v63  }
0x71: {  	_ = 	snop  }
0x72: {  	[tilespmem:s20], [sflag:$0x2] =	stream.indirect.gather [hbm4b:s4+s19], $0x80, s19, s19, $0xb8;
	[tilespmem:$0x1F000] =	vst v63  }
0x73: {  	_ =	swait.ge [sflag:s21], $0x4000  }
0x74: {  	[sflag:s21] =	ssyncset.done $0x0  }
0x75: {  	s25 =	simm.s32 $0x1800;
	[sflag:s21] =	ssyncadd.s32 $0xFFFFC000  }
0x76: {  	[spmem:s2] =	stream.indirect.scatter.add.f32 [tilespmem:s16], [sflag:$0x4], $0x80, s25, s19, $0xb8;
	[tilespmem:$0x1F000] =	vst v63  }
0x77: {  	_ =	swait.ge [sflag:s22], $0x4000  }
0x78: {  	[sflag:s22] =	ssyncset.done $0x0  }
0x79: {  	s30 =	simm.s32 $0x100;
	[sflag:s22] =	ssyncadd.s32 $0xFFFFC000  }
0x7a: {  	[tilespmem:s16], [sflag:$0x1] =	stream.indirect.gather [hbm4b:s4+s19], $0x80, s30, s19, $0xb8;
	[tilespmem:$0x1F000] =	vst v63  }
0x7b: {  	_ =	swait.ge [sflag:s17], $0x4000  }
0x7c: {  	[sflag:s17] =	ssyncset.done $0x0  }
0x7d: {  	s31 =	simm.s32 $0x1880;
	[sflag:s17] =	ssyncadd.s32 $0xFFFFC000  }
0x7e: {  	[spmem:s2] =	stream.indirect.scatter.add.f32 [tilespmem:s20], [sflag:$0x4], $0x80, s31, s19, $0xb8;
	[tilespmem:$0x1F000] =	vst v63  }
0x7f: {  	_ =	swait.ge [sflag:s22], $0x4000  }
0x80: {  	[sflag:s22] =	ssyncset.done $0x0  }
0x81: {  	s26 =	simm.s32 $0x180;
	s25 =	simm.s32 $0xFFFFB400;
	[sflag:s22] =	ssyncadd.s32 $0xFFFFC000  }
.LBB2_6:
0x82: {  	[tilespmem:s20], [sflag:$0x2] =	stream.indirect.gather [hbm4b:s4+s19], $0x80, s26, s19, $0xb8;
	[tilespmem:$0x1F000] =	vst v63  }
0x83: {  	s26 =	smov.u32 s25  }
0x84: {  	p0 =	sne.s32 s25, $0xFFFFFC00;
	s25 =	sadd.s32 $0x400, s25;
	_ =	swait.ge [sflag:s21], $0x4000  }
0x85: {  	s26 =	sshra.s32 s26, $0x2;
	[sflag:s21] =	ssyncset.done $0x0  }
0x86: {  	s28 =	sadd.s32 $0x2C00, s26;
	[sflag:s21] =	ssyncadd.s32 $0xFFFFC000  }
0x87: {  	[spmem:s2] =	stream.indirect.scatter.add.f32 [tilespmem:s16], [sflag:$0x4], $0x80, s28, s19, $0xb8;
	[tilespmem:$0x1F000] =	vst v63  }
0x88: {  	_ =	swait.ge [sflag:s22], $0x4000  }
0x89: {  	[sflag:s22] =	ssyncset.done $0x0  }
0x8a: {  	s28 =	sadd.s32 $0x1500, s26;
	[sflag:s22] =	ssyncadd.s32 $0xFFFFC000  }
0x8b: {  	[tilespmem:s16], [sflag:$0x1] =	stream.indirect.gather [hbm4b:s4+s19], $0x80, s28, s19, $0xb8;
	[tilespmem:$0x1F000] =	vst v63  }
0x8c: {  	_ =	swait.ge [sflag:s17], $0x4000  }
0x8d: {  	[sflag:s17] =	ssyncset.done $0x0  }
.Ltmp2:
0x8e: {  	s28 =	sadd.s32 $0x2C80, s26;
	[sflag:s17] =	ssyncadd.s32 $0xFFFFC000;
	(pc) =	sbr.rel @p0 .LBB2_6-.Ltmp2, $4  }
0x8f: {  	[spmem:s2] =	stream.indirect.scatter.add.f32 [tilespmem:s20], [sflag:$0x4], $0x80, s28, s19, $0xb8;
	[tilespmem:$0x1F000] =	vst v63  }
0x90: {  	_ =	swait.ge [sflag:s22], $0x4000  }
0x91: {  	[sflag:s22] =	ssyncset.done $0x0  }
0x92: {  	s26 =	sadd.s32 $0x1580, s26;
	[sflag:s22] =	ssyncadd.s32 $0xFFFFC000  }
0x93: {  	[tilespmem:s20], [sflag:$0x2] =	stream.indirect.gather [hbm4b:s4+s19], $0x80, s26, s19, $0xb8;
	[tilespmem:$0x1F000] =	vst v63  }
0x94: {  	_ =	swait.ge [sflag:s21], $0x4000  }
0x95: {  	[sflag:s21] =	ssyncset.done $0x0  }
0x96: {  	[sflag:s21] =	ssyncadd.s32 $0xFFFFC000  }
0x97: {  	_ =	swait.ge [sflag:s17], $0x4000  }
0x98: {  	s25 =	sshll.u32 s0, $0x6;
	s24 =	sadd.s32 $0x1, s24;
	[sflag:s17] =	ssyncset.done $0x0  }
0x99: {  	s31 =	sshrl.u32 s6, $0x3;
	p0 =	sne.s32 s24, s13;
	[sflag:s17] =	ssyncadd.s32 $0xFFFFC000  }
.Ltmp3:
0x9a: {  	s25 =	sor.u32 $0x1C04, s25;
	[bflag:$0x0] =	sbarrier.arrive $0xFFFF;
	(pc) =	sbr.rel @p0 .LBB2_1-.Ltmp3, $4  }
0x9b: {  	[hbm:s12], [sflag:s25] =	dma.local [spmem:s31], $0x2800  }
0x9c: {  	_ =	swait.ge [sflag:s22], $0x2800  }
0x9d: {  	[sflag:s22] =	ssyncset.done $0x0  }
0x9e: {  	[sflag:s22] =	ssyncadd.s32 $0xFFFFD800  }
0x9f: {  	_ =	sfence.sel $0x180000  }
0xa0: {  	[bflag:$0x0] =	sbarrier.arrive $0xFFFF  }
0xa1: {  	p0 =	sne.s32 s0, $0x0;
	_ =	strace $0x9000004D  }
0xa2: {  	s0 =	sadd.s32 @!p0 $0x100000, s1;
	[bflag:$0x2] =	sbarrier.arrive $0xFFFF  }
0xa3: {  	[sflag:s0] =	ssyncadd.tile.s32 @!p0 $0x1;
	_ =	shalt  }
.Lfunc_end2:
_tile_overlayer_lowered:
.L_overlay_start_2:
0xa4: {  	(tag) =	ssettag $0x2  }
0xa5: {  	s0 =	rddreg [dreg:$0x0];
	s2 =	stileid.u32  }
0xa6: {  	s1 =	rddreg [dreg:$0x1];
	p0 =	sne.s32 s2, $0x0  }
0xa7: {  	s3 =	rddreg [dreg:$0x2];
	[bflag:$0x3] =	sbarrier.arrive $0xFFFF;
	s2 =	simm.s32 @!p0 $0x1C04  }
0xa8: {  	[timem:s3], [sflag:s2] =	dma.local @!p0 [hbm:s0], s1  }
0xa9: {  	s0 =	simm.s32 @!p0 $0x4  }
0xaa: {  	_ =	swait.ge @!p0 [sflag:s0], s1  }
0xab: {  	s1 =	ssub.s32 @!p0 $0x0, s1;
	[sflag:s0] =	ssyncset.done @!p0 $0x0  }
0xac: {  	[sflag:s0] =	ssyncadd.s32 @!p0 s1  }
0xad: {  	[bflag:$0x3] =	sbarrier.arrive $0xFFFF  }
0xae: {  	_ =	shalt  }

// kernel: sc_segment_sum.5.cloned.1.call-start
scs
__scs_entry_jumppad:
0x0: {  	(pc) =	sbr.rel $0x88, $3  }
0x1: {  	(tag) =	ssettag $0x0;
	lr =	simm.s32 $0x1  }
0x2: {  	[smem:$0x3F7F] =	sst lr;
	_ =	strace $0xD0000000  }
0x3: {  	_ = 	snop  }
0x4: {  	_ = 	snop  }
0x5: {  	_ = 	snop  }
0x6: {  	_ = 	snop  }
0x7: {  	_ = 	snop  }
__scs_overlays_trampoline_lowered:
0x8: {  	[smem:$0x3F8E] =	sst s0  }
0x9: {  	[smem:$0x3F8F] =	sst s1  }
0xa: {  	[smem:$0x3F90] =	sst s2  }
0xb: {  	[smem:$0x3F91] =	sst s3  }
0xc: {  	[smem:$0x3F92] =	sst s4  }
0xd: {  	[smem:$0x3F93] =	sst s5  }
0xe: {  	[smem:$0x3F94] =	sst s6  }
0xf: {  	[smem:$0x3F95] =	sst s7  }
0x10: {  	[smem:$0x3F96] =	sst s8  }
0x11: {  	[smem:$0x3F97] =	sst s9;
	s0 =	simm.s32 @!p0 $0x0  }
0x12: {  	s1 =	sld [smem:$0x3F7D];
	s0 =	simm.s32 @p0 $0x1  }
0x13: {  	[smem:$0x3F98] =	sst s0;
	s0 =	simm.s32 @!p1 $0x0  }
0x14: {  	s2 =	sld [smem:$0x3F7C];
	s0 =	simm.s32 @p1 $0x1  }
0x15: {  	[smem:$0x3F99] =	sst s0;
	s0 =	simm.s32 @!p2 $0x0  }
0x16: {  	s3 =	sld [smem:$0x3FDB];
	s0 =	simm.s32 @p2 $0x1  }
0x17: {  	s4 =	simm.s32 $0x1BF5;
	[smem:$0x3F9B] =	sst s0  }
0x18: {  	s0 =	sld [smem:$0x3F7E];
	_ =	swait.ge [sflag:s4], $0x0  }
0x19: {  	s7 =	sld [smem:$0x3F7F]  }
0x1a: {  	s8 =	sadd.s32 $0xFFFFE003, lr  }
0x1b: {  	s9 =	sadd.s32 $0xFFFFFEF7, lr;
	s5 =	simm.s32 $0xFFFFFFFF;
	p2 =	slt.u32 s8, $0xFFFFF086  }
0x1c: {  	p1 =	slt.u32 s9, $0xF7A;
	s5 =	simm.s32 @!p2 $0x0  }
0x1d: {  	s5 =	simm.s32 @p1 $0x1;
	p0 =	seq.s32 s7, s2  }
0x1e: {  	s7 =	smul.u32 @!p0 $0xF7A, s2;
	p2 =	seq.s32 @!p0 s5, $0x0  }
0x1f: {  	s9 =	smul.u32 $0xF7A, s1;
	s8 =	simm.s32 @!p0 $0x1BF5;
	p2 =	por !p2, p0  }
0x20: {  	[sflag:s8] =	ssyncset.s32 @!p0 $0xFFFFF086;
	s6 =	sadd.s32 @!p0 s3, s7;
	s7 =	simm.s32 @!p0 $0x108  }
0x21: {  	s3 =	sadd.s32 s3, s9;
	s6 =	sadd.s32 @!p0 $0x88, s6;
	s7 =	simm.s32 @p2 $0x1082  }
0x22: {  	[simem:s7], [sflag:s8] =	dma.local @!p0 [hbm:s6], $0xF7A  }
0x23: {  	s9 =	sor.u32 $0xD0000000, s2;
	s6 =	simm.s32 $0x108;
	_ =	swait.ge @!p0 [sflag:s8], $0x0  }
0x24: {  	s3 =	sadd.s32 $0x88, s3;
	s6 =	simm.s32 @!p1 $0x1082;
	[sflag:s4] =	ssyncset.s32 $0xFFFFF086  }
0x25: {  	[simem:s6], [sflag:s4] =	dma.local [hbm:s3], $0xF7A  }
0x26: {  	[smem:$0x3F7F] =	sst s1;
	(tag) =	ssettag s2;
	_ =	strace s9  }
0x27: {  	s1 =	sld [smem:$0x3F8F]  }
0x28: {  	s2 =	sld [smem:$0x3F90]  }
0x29: {  	s4 =	sld [smem:$0x3F92]  }
0x2a: {  	p0 =	seq.s32 s5, $0x0;
	s5 =	sld [smem:$0x3F93]  }
0x2b: {  	s6 =	sld [smem:$0x3F94]  }
0x2c: {  	s7 =	sld [smem:$0x3F95]  }
0x2d: {  	s3 =	simm.s32 $0x108;
	s8 =	sld [smem:$0x3F96]  }
0x2e: {  	s3 =	simm.s32 @!p0 $0x1082;
	s9 =	sld [smem:$0x3F97]  }
0x2f: {  	lr =	sadd.s32 s0, s3;
	s0 =	sld [smem:$0x3F8E]  }
0x30: {  	s3 =	sld [smem:$0x3F91]  }
0x31: {  	[smem:$0x3F9A] =	sst s10  }
0x32: {  	s10 =	sld [smem:$0x3F98];
	_ =	sdelay $0x3  }
0x33: {  	p0 =	seq.s32 s10, $0x1;
	s10 =	sld [smem:$0x3F9A];
	_ =	sdelay $0x3  }
0x34: {  	[smem:$0x3F9A] =	sst s10  }
0x35: {  	s10 =	sld [smem:$0x3F99];
	_ =	sdelay $0x3  }
0x36: {  	p1 =	seq.s32 s10, $0x1;
	s10 =	sld [smem:$0x3F9A];
	_ =	sdelay $0x3  }
0x37: {  	[smem:$0x3F9A] =	sst s10  }
0x38: {  	s10 =	sld [smem:$0x3F9B]  }
0x39: {  	_ = 	snop;
	(pc) =	sbr.ind lr, $3  }
0x3a: {  	_ = 	snop  }
0x3b: {  	_ = 	snop  }
0x3c: {  	p2 =	seq.s32 s10, $0x1;
	s10 =	sld [smem:$0x3F9A]  }
0x3d: {  	_ =	shalt  }
0x3e: {  	_ =	shalt  }
0x3f: {  	_ =	shalt  }
0x40: {  	_ =	shalt  }
0x41: {  	_ =	shalt  }
0x42: {  	_ =	shalt  }
0x43: {  	_ =	shalt  }
0x44: {  	_ =	shalt  }
0x45: {  	_ =	shalt  }
0x46: {  	_ =	shalt  }
0x47: {  	_ =	shalt  }
0x48: {  	_ =	shalt  }
0x49: {  	_ =	shalt  }
0x4a: {  	_ =	shalt  }
0x4b: {  	_ =	shalt  }
0x4c: {  	_ =	shalt  }
0x4d: {  	_ =	shalt  }
0x4e: {  	_ =	shalt  }
0x4f: {  	_ =	shalt  }
0x50: {  	_ =	shalt  }
0x51: {  	_ =	shalt  }
0x52: {  	_ =	shalt  }
0x53: {  	_ =	shalt  }
0x54: {  	_ =	shalt  }
0x55: {  	_ =	shalt  }
0x56: {  	_ =	shalt  }
0x57: {  	_ =	shalt  }
0x58: {  	_ =	shalt  }
0x59: {  	_ =	shalt  }
0x5a: {  	_ =	shalt  }
0x5b: {  	_ =	shalt  }
0x5c: {  	_ =	shalt  }
0x5d: {  	_ =	shalt  }
0x5e: {  	_ =	shalt  }
0x5f: {  	_ =	shalt  }
0x60: {  	_ =	shalt  }
0x61: {  	_ =	shalt  }
0x62: {  	_ =	shalt  }
0x63: {  	_ =	shalt  }
0x64: {  	_ =	shalt  }
0x65: {  	_ =	shalt  }
0x66: {  	_ =	shalt  }
0x67: {  	_ =	shalt  }
0x68: {  	_ =	shalt  }
0x69: {  	_ =	shalt  }
0x6a: {  	_ =	shalt  }
0x6b: {  	_ =	shalt  }
0x6c: {  	_ =	shalt  }
0x6d: {  	_ =	shalt  }
0x6e: {  	_ =	shalt  }
0x6f: {  	_ =	shalt  }
0x70: {  	_ =	shalt  }
0x71: {  	_ =	shalt  }
0x72: {  	_ =	shalt  }
0x73: {  	_ =	shalt  }
0x74: {  	_ =	shalt  }
0x75: {  	_ =	shalt  }
0x76: {  	_ =	shalt  }
0x77: {  	_ =	shalt  }
0x78: {  	_ =	shalt  }
0x79: {  	_ =	shalt  }
0x7a: {  	_ =	shalt  }
0x7b: {  	_ =	shalt  }
0x7c: {  	_ =	shalt  }
0x7d: {  	_ =	shalt  }
0x7e: {  	_ =	shalt  }
0x7f: {  	_ =	shalt  }
0x80: {  	_ =	shalt  }
0x81: {  	_ =	shalt  }
0x82: {  	_ =	shalt  }
0x83: {  	_ =	shalt  }
0x84: {  	_ =	shalt  }
0x85: {  	_ =	shalt  }
0x86: {  	_ =	shalt  }
0x87: {  	_ =	shalt  }
.Lfunc_end0:
.L_simem_size_0:
called_computation_lowered:
.L_overlay_start_0:
0x88: {  	s2 =	sld [smem:$0x3FD9]  }
0x89: {  	s3 =	sld [smem:$0x3FFE];
	_ =	sdelay $0x1  }
0x8a: {  	s1 =	srdreg.scid  }
0x8b: {  	s0 =	sand.u32 $0x1, s1  }
0x8c: {  	s16 =	sshll.u32 s0, $0xA;
	s2 =	sadd.s32 s3, s2  }
0x8d: {  	s2 =	sadd.s32 s2, s16  }
0x8e: {  	[smem:$0x3FA6] =	sst s2  }
0x8f: {  	_ = 	snop  }
0x90: {  	(tm) =	ssettm $0x1  }
0x91: {  	s17 =	sld [smem:$0x3FFB];
	_ =	sdelay $0x3  }
0x92: {  	_ =	strace s17  }
0x93: {  	s2 =	sld [smem:$0x3FFC];
	_ =	sdelay $0x3  }
0x94: {  	_ =	strace s2  }
0x95: {  	s2 =	sld [smem:$0x3FFD];
	_ =	sdelay $0x3  }
0x96: {  	_ =	strace s2  }
0x97: {  	_ =	strace $0x8FFFFFFF  }
0x98: {  	s18 =	sld [smem:$0x3FDB];
	_ =	sdelay $0x1  }
0x99: {  	s19 =	simm.s32 $_scs_section_size  }
0x9a: {  	s4 =	simm.s32 $_size__tile_overlayer_lowered;
	s5 =	simm.s32 $_tile_overlayer_lowered  }
0x9b: {  	s22 =	simm.s32 $0x1BFF;
	s21 =	sshll.u32 s5, $0x1;
	s2 =	sadd.s32 s19, s18  }
0x9c: {  	s6 =	simm.s32 $0x0;
	s20 =	sshll.u32 s4, $0x1;
	s4 =	sadd.s32 s21, s2  }
0x9d: {  	[timem:s6], [sflag:s22] =	dma.local [hbm:s4], s20  }
0x9e: {  	_ =	swait.ge [sflag:s22], s20  }
0x9f: {  	s3 =	ssub.s32 $0x0, s20;
	[sflag:s22] =	ssyncset.done $0x0  }
0xa0: {  	[sflag:s22] =	ssyncadd.s32 s3;
	_ =	sdelay $0x1  }
0xa1: {  	s23 =	simm.s32 $0x1B8B  }
0xa2: {  	_ =	swait.ge [sflag:s23], $0x1  }
0xa3: {  	[sflag:s23] =	ssyncset.done $0x0  }
0xa4: {  	s25 =	simm.s32 $0x1B8E;
	s24 =	sld [smem:$0x3FFE];
	[sflag:s23] =	ssyncadd.s32 $0xFFFFFFFF  }
0xa5: {  	s26 =	simm.s32 $execute0_lowered;
	[smem:$0x3FD2] =	sst s25  }
0xa6: {  	s4 =	sshll.u32 s26, $0x1;
	_ =	strace $0x80000046;
	[dreg:$0x1] =	wrdreg $0xFFFFFFFF  }
0xa7: {  	s28 =	simm.s32 $_size_execute0_lowered;
	s2 =	sadd.s32 s2, s4;
	[dreg:$0x0] =	wrdreg $0x0  }
0xa8: {  	s4 =	sshll.u32 s28, $0x1;
	[dreg:$0x2] =	wrdreg s2  }
0xa9: {  	[dreg:$0x3] =	wrdreg s4  }
0xaa: {  	[dreg:$0x4] =	wrdreg $0xC0  }
0xab: {  	_ =	task [dreg:s6], $0x5FFFF  }
0xac: {  	[dreg:$0x1] =	wrdreg $0xFFFFFFFF  }
0xad: {  	[dreg:$0x0] =	wrdreg $0x60  }
0xae: {  	[dreg:$0x2] =	wrdreg s24  }
0xaf: {  	[dreg:$0x3] =	wrdreg $0xB0000  }
0xb0: {  	[dreg:$0x4] =	wrdreg $0x9  }
0xb1: {  	_ =	task.clear_ibuf [dreg:s6], $0x5FFFF;
	_ =	strace $0x90000046  }
0xb2: {  	s29 =	simm.s32 $0x9;
	_ =	strace $0x80000048  }
0xb3: {  	_ =	swait.ge [sflag:s29], $0x1  }
0xb4: {  	[sflag:s29] =	ssyncadd.s32 $0xFFFFFFFF  }
0xb5: {  	_ =	strace $0x90000048  }
0xb6: {  	_ =	sfence  }
0xb7: {  	s30 =	sld [smem:$0x0];
	_ =	sdelay $0x2  }
0xb8: {  	s31 =	sshll.u32 s1, $0xD;
	s1 =	sshrl.u32 s1, $0x2  }
0xb9: {  	s3 =	sand.u32 $0x4000, s31;
	s1 =	sadd.s32 s1, s30  }
0xba: {  	s0 =	sor.u32 s3, s0;
	s1 =	sshll.u32 s1, $0x11  }
0xbb: {  	s0 =	sor.u32 s1, s0  }
0xbc: {  	s0 =	sadd.s32 $0x8F2B, s0  }
0xbd: {  	[sflag:s0] =	ssyncadd.remote.s32 $0x1  }
0xbe: {  	_ =	sfence.sel $0xFFFF  }
0xbf: {  	[dreg:$0x0] =	wrdreg $0xFFFFFFFF;
	(pc) =	sbr.abs _section_cstart, $3  }
0xc0: {  	[dreg:$0x1] =	wrdreg $0xFFFFFFFF  }
0xc1: {  	_ =	task.clear_ibuf [dreg:s6], $0x2FFFF;
	_ =	strace $0x9FFFFFFF  }
0xc2: {  	(tm) =	ssettm $0x7FFFFFFF  }
0xc3: {  	_ =	shalt  }
tec
execute0_lowered:
.L_overlay_start_1:
0x0: {  	(tag) =	ssettag $0x1  }
0x1: {  	s1 =	srdreg.scid  }
0x2: {  	s0 =	stileid.u32;
	s6 =	rddreg [dreg:$0x0]  }
0x3: {  	s2 =	rddreg [dreg:$0x1];
	s3 =	simm.s32 $0x0;
	s15 =	simm.s32 $0x1800  }
0x4: {  	s16 =	simm.s32 $0x3000;
	s17 =	simm.s32 $0x2;
	s18 =	simm.s32 $0x3  }
0x5: {  	s19 =	simm.s32 $0x80;
	s20 =	simm.s32 $0x7000;
	s21 =	simm.s32 $0x1  }
0x6: {  	s22 =	simm.s32 $0x4;
	s24 =	simm.s32 $0x0;
	s9 =	smul.u32 $0x14000, s0  }
0x7: {  	s5 =	sand.u32 $0x1, s1;
	s26 =	sshll.u32 s0, $0x1;
	s28 =	smul.u32 $0x50000, s0  }
0x8: {  	[smem:$0x7FF] =	sst s3;
	s1 =	sor.u32 s5, s26;
	s8 =	smul.u32 $0x140000, s5  }
0x9: {  	s4 =	sadd.s32 $0x1D800, s6;
	s5 =	ssub.s32 $0x2, s5;
	s7 =	smul.u32 $0x6000, s1  }
0xa: {  	s1 =	rddreg [dreg:$0x2];
	_ =	strace $0x80000047;
	s30 =	sshrl.u32 s5, $0x1  }
0xb: {  	s31 =	sshrl.u32 s28, $0x2;
	s8 =	sadd.s32 s9, s8;
	s13 =	ssub.s32 s5, s30  }
0xc: {  	s7 =	sshrl.u32 s7, $0x3;
	s29 =	sshrl.u32 s8, $0x3;
	s13 =	smax.u32 s13, $0x1  }
0xd: {  	s14 =	sadd.s32 s7, s6;
	s12 =	sadd.s32 s29, s6;
	s6 =	sadd.s32 s31, s2  }
0xe: {  	s5 =	sadd.s32 $0x5800, s14;
	s7 =	sadd.s32 $0x4000, s6;
	s8 =	sadd.s32 $0x8000, s6  }
0xf: {  	s9 =	sadd.s32 $0xC000, s6;
	s10 =	sadd.s32 $0x10000, s6;
	s11 =	sadd.s32 $0x5E00, s14  }
0x10: {  	v0 =	vimm.f32 $0.0e+00;
	s12 =	sadd.s32 $0x44A00, s12;
	s14 =	sadd.s32 $0x5B00, s14;
	s23 =	sadd.s32 $0x300, s11  }
.LBB2_1:
0x11: {  	[tilespmem:s3], [sflag:$0x3] =	stream.linear.gather [hbm4b:s5+s3], $0x1500, $0x38;
	[tilespmem:$0x1F000] =	vst v63  }
0x12: {  	s25 =	simm.s32 $0x0;
	s26 =	simm.s32 $0x200  }
0x13: {  	[tilespmem:s15], [sflag:$0x3] =	stream.linear.gather [hbm4b:s14+s3], $0x1500, $0x38;
	[tilespmem:$0x1F000] =	vst v63  }
.LBB2_2:
0x14: {  	p0 =	sne.s32 s26, $0xFE00;
	[tilespmem:s25+$0x3070] =	vst v0  }
0x15: {  	[tilespmem:s25+$0x3000] =	vst v0  }
0x16: {  	[tilespmem:s25+$0x3010] =	vst v0  }
.Ltmp0:
0x17: {  	[tilespmem:s25+$0x3020] =	vst v0;
	(pc) =	sbr.rel @p0 .LBB2_2-.Ltmp0, $4  }
0x18: {  	[tilespmem:s25+$0x3030] =	vst v0  }
0x19: {  	[tilespmem:s25+$0x3040] =	vst v0  }
0x1a: {  	[tilespmem:s25+$0x3050] =	vst v0  }
0x1b: {  	[tilespmem:s25+$0x3060] =	vst v0;
	s25 =	sshra.s32 s26, $0x2;
	s26 =	sadd.s32 $0x200, s26  }
0x1c: {  	[tilespmem:s25+$0x3070] =	vst v0  }
0x1d: {  	[tilespmem:s25+$0x3000] =	vst v0  }
0x1e: {  	[tilespmem:s25+$0x3010] =	vst v0  }
0x1f: {  	[tilespmem:s25+$0x3020] =	vst v0  }
0x20: {  	[tilespmem:s25+$0x3030] =	vst v0  }
0x21: {  	[tilespmem:s25+$0x3040] =	vst v0  }
0x22: {  	[tilespmem:s25+$0x3050] =	vst v0  }
0x23: {  	[tilespmem:s25+$0x3060] =	vst v0  }
0x24: {  	[spmem:s6] =	stream.linear.scatter [tilespmem:s16], [sflag:$0x2], $0x4000, $0x38;
	[tilespmem:$0x1F000] =	vst v63  }
0x25: {  	_ = 	snop  }
0x26: {  	[spmem:s7] =	stream.linear.scatter [tilespmem:s16], [sflag:$0x2], $0x4000, $0x38;
	[tilespmem:$0x1F000] =	vst v63  }
0x27: {  	_ = 	snop  }
0x28: {  	[spmem:s8] =	stream.linear.scatter [tilespmem:s16], [sflag:$0x2], $0x4000, $0x38;
	[tilespmem:$0x1F000] =	vst v63  }
0x29: {  	_ = 	snop  }
0x2a: {  	[spmem:s9] =	stream.linear.scatter [tilespmem:s16], [sflag:$0x2], $0x4000, $0x38;
	[tilespmem:$0x1F000] =	vst v63  }
0x2b: {  	_ = 	snop  }
0x2c: {  	[spmem:s10] =	stream.linear.scatter [tilespmem:s16], [sflag:$0x2], $0x4000, $0x38;
	[tilespmem:$0x1F000] =	vst v63  }
0x2d: {  	_ =	swait.ge [sflag:s17], $0x4000  }
0x2e: {  	[sflag:s17] =	ssyncset.done $0x0  }
0x2f: {  	[sflag:s17] =	ssyncadd.s32 $0xFFFFC000  }
0x30: {  	_ =	swait.ge [sflag:s17], $0x4000  }
0x31: {  	[sflag:s17] =	ssyncset.done $0x0  }
0x32: {  	[sflag:s17] =	ssyncadd.s32 $0xFFFFC000  }
0x33: {  	_ =	swait.ge [sflag:s17], $0x4000  }
0x34: {  	[sflag:s17] =	ssyncset.done $0x0  }
0x35: {  	[sflag:s17] =	ssyncadd.s32 $0xFFFFC000  }
0x36: {  	_ =	swait.ge [sflag:s17], $0x4000  }
0x37: {  	[sflag:s17] =	ssyncset.done $0x0  }
0x38: {  	[sflag:s17] =	ssyncadd.s32 $0xFFFFC000  }
0x39: {  	_ =	swait.ge [sflag:s17], $0x4000  }
0x3a: {  	[sflag:s17] =	ssyncset.done $0x0  }
0x3b: {  	[sflag:s17] =	ssyncadd.s32 $0xFFFFC000  }
0x3c: {  	_ =	swait.ge [sflag:s18], $0x2A00  }
0x3d: {  	[sflag:s18] =	ssyncset.done $0x0  }
0x3e: {  	[sflag:s18] =	ssyncadd.s32 $0xFFFFD600  }
0x3f: {  	[tilespmem:s16], [sflag:$0x1] =	stream.indirect.gather [hbm4b:s4+s19], $0x80, s3, s19, $0xb8;
	[tilespmem:$0x1F000] =	vst v63  }
0x40: {  	_ = 	snop  }
0x41: {  	[tilespmem:s20], [sflag:$0x2] =	stream.indirect.gather [hbm4b:s4+s19], $0x80, s19, s19, $0xb8;
	[tilespmem:$0x1F000] =	vst v63  }
0x42: {  	[bflag:$0x0] =	sbarrier.arrive $0xFFFF  }
0x43: {  	_ =	swait.ge [sflag:s21], $0x4000  }
0x44: {  	[sflag:s21] =	ssyncset.done $0x0  }
0x45: {  	s29 =	simm.s32 $0x1800;
	[sflag:s21] =	ssyncadd.s32 $0xFFFFC000  }
0x46: {  	[spmem:s2] =	stream.indirect.scatter.add.f32 [tilespmem:s16], [sflag:$0x4], $0x80, s29, s19, $0xb8;
	[tilespmem:$0x1F000] =	vst v63  }
0x47: {  	_ =	swait.ge [sflag:s22], $0x4000  }
0x48: {  	[sflag:s22] =	ssyncset.done $0x0  }
0x49: {  	s30 =	simm.s32 $0x100;
	[sflag:s22] =	ssyncadd.s32 $0xFFFFC000  }
0x4a: {  	[tilespmem:s16], [sflag:$0x1] =	stream.indirect.gather [hbm4b:s4+s19], $0x80, s30, s19, $0xb8;
	[tilespmem:$0x1F000] =	vst v63  }
0x4b: {  	_ =	swait.ge [sflag:s17], $0x4000  }
0x4c: {  	[sflag:s17] =	ssyncset.done $0x0  }
0x4d: {  	s31 =	simm.s32 $0x1880;
	[sflag:s17] =	ssyncadd.s32 $0xFFFFC000  }
0x4e: {  	[spmem:s2] =	stream.indirect.scatter.add.f32 [tilespmem:s20], [sflag:$0x4], $0x80, s31, s19, $0xb8;
	[tilespmem:$0x1F000] =	vst v63  }
0x4f: {  	_ =	swait.ge [sflag:s22], $0x4000  }
0x50: {  	[sflag:s22] =	ssyncset.done $0x0  }
0x51: {  	s25 =	simm.s32 $0xFFFFB400;
	s26 =	simm.s32 $0x180;
	[sflag:s22] =	ssyncadd.s32 $0xFFFFC000  }
.LBB2_4:
0x52: {  	[tilespmem:s20], [sflag:$0x2] =	stream.indirect.gather [hbm4b:s4+s19], $0x80, s26, s19, $0xb8;
	[tilespmem:$0x1F000] =	vst v63  }
0x53: {  	s26 =	smov.u32 s25  }
0x54: {  	p0 =	sne.s32 s25, $0xFFFFFC00;
	s25 =	sadd.s32 $0x400, s25;
	_ =	swait.ge [sflag:s21], $0x4000  }
0x55: {  	s26 =	sshra.s32 s26, $0x2;
	[sflag:s21] =	ssyncset.done $0x0  }
0x56: {  	s28 =	sadd.s32 $0x2C00, s26;
	[sflag:s21] =	ssyncadd.s32 $0xFFFFC000  }
0x57: {  	[spmem:s2] =	stream.indirect.scatter.add.f32 [tilespmem:s16], [sflag:$0x4], $0x80, s28, s19, $0xb8;
	[tilespmem:$0x1F000] =	vst v63  }
0x58: {  	_ =	swait.ge [sflag:s22], $0x4000  }
0x59: {  	[sflag:s22] =	ssyncset.done $0x0  }
0x5a: {  	s28 =	sadd.s32 $0x1500, s26;
	[sflag:s22] =	ssyncadd.s32 $0xFFFFC000  }
0x5b: {  	[tilespmem:s16], [sflag:$0x1] =	stream.indirect.gather [hbm4b:s4+s19], $0x80, s28, s19, $0xb8;
	[tilespmem:$0x1F000] =	vst v63  }
0x5c: {  	_ =	swait.ge [sflag:s17], $0x4000  }
0x5d: {  	[sflag:s17] =	ssyncset.done $0x0  }
.Ltmp1:
0x5e: {  	s28 =	sadd.s32 $0x2C80, s26;
	[sflag:s17] =	ssyncadd.s32 $0xFFFFC000;
	(pc) =	sbr.rel @p0 .LBB2_4-.Ltmp1, $4  }
0x5f: {  	[spmem:s2] =	stream.indirect.scatter.add.f32 [tilespmem:s20], [sflag:$0x4], $0x80, s28, s19, $0xb8;
	[tilespmem:$0x1F000] =	vst v63  }
0x60: {  	_ =	swait.ge [sflag:s22], $0x4000  }
0x61: {  	[sflag:s22] =	ssyncset.done $0x0  }
0x62: {  	s26 =	sadd.s32 $0x1580, s26;
	[sflag:s22] =	ssyncadd.s32 $0xFFFFC000  }
0x63: {  	[tilespmem:s20], [sflag:$0x2] =	stream.indirect.gather [hbm4b:s4+s19], $0x80, s26, s19, $0xb8;
	[tilespmem:$0x1F000] =	vst v63  }
0x64: {  	_ =	swait.ge [sflag:s21], $0x4000  }
0x65: {  	[sflag:s21] =	ssyncset.done $0x0  }
0x66: {  	[sflag:s21] =	ssyncadd.s32 $0xFFFFC000  }
0x67: {  	_ =	swait.ge [sflag:s17], $0x4000  }
0x68: {  	[sflag:s17] =	ssyncset.done $0x0  }
0x69: {  	[sflag:s17] =	ssyncadd.s32 $0xFFFFC000  }
0x6a: {  	[tilespmem:s3], [sflag:$0x4] =	stream.linear.gather [hbm4b:s11+s3], $0x1500, $0x38;
	[tilespmem:$0x1F000] =	vst v63  }
0x6b: {  	_ = 	snop  }
0x6c: {  	[tilespmem:s15], [sflag:$0x4] =	stream.linear.gather [hbm4b:s23+s3], $0x1500, $0x38;
	[tilespmem:$0x1F000] =	vst v63  }
0x6d: {  	_ =	swait.ge [sflag:s22], $0x2A00  }
0x6e: {  	[sflag:s22] =	ssyncset.done $0x0  }
0x6f: {  	[sflag:s22] =	ssyncadd.s32 $0xFFFFD600  }
0x70: {  	[tilespmem:s16], [sflag:$0x1] =	stream.indirect.gather [hbm4b:s4+s19], $0x80, s3, s19, $0xb8;
	[tilespmem:$0x1F000] =	vst v63  }
0x71: {  	_ = 	snop  }
0x72: {  	[tilespmem:s20], [sflag:$0x2] =	stream.indirect.gather [hbm4b:s4+s19], $0x80, s19, s19, $0xb8;
	[tilespmem:$0x1F000] =	vst v63  }
0x73: {  	_ =	swait.ge [sflag:s21], $0x4000  }
0x74: {  	[sflag:s21] =	ssyncset.done $0x0  }
0x75: {  	s25 =	simm.s32 $0x1800;
	[sflag:s21] =	ssyncadd.s32 $0xFFFFC000  }
0x76: {  	[spmem:s2] =	stream.indirect.scatter.add.f32 [tilespmem:s16], [sflag:$0x4], $0x80, s25, s19, $0xb8;
	[tilespmem:$0x1F000] =	vst v63  }
0x77: {  	_ =	swait.ge [sflag:s22], $0x4000  }
0x78: {  	[sflag:s22] =	ssyncset.done $0x0  }
0x79: {  	s30 =	simm.s32 $0x100;
	[sflag:s22] =	ssyncadd.s32 $0xFFFFC000  }
0x7a: {  	[tilespmem:s16], [sflag:$0x1] =	stream.indirect.gather [hbm4b:s4+s19], $0x80, s30, s19, $0xb8;
	[tilespmem:$0x1F000] =	vst v63  }
0x7b: {  	_ =	swait.ge [sflag:s17], $0x4000  }
0x7c: {  	[sflag:s17] =	ssyncset.done $0x0  }
0x7d: {  	s31 =	simm.s32 $0x1880;
	[sflag:s17] =	ssyncadd.s32 $0xFFFFC000  }
0x7e: {  	[spmem:s2] =	stream.indirect.scatter.add.f32 [tilespmem:s20], [sflag:$0x4], $0x80, s31, s19, $0xb8;
	[tilespmem:$0x1F000] =	vst v63  }
0x7f: {  	_ =	swait.ge [sflag:s22], $0x4000  }
0x80: {  	[sflag:s22] =	ssyncset.done $0x0  }
0x81: {  	s26 =	simm.s32 $0x180;
	s25 =	simm.s32 $0xFFFFB400;
	[sflag:s22] =	ssyncadd.s32 $0xFFFFC000  }
.LBB2_6:
0x82: {  	[tilespmem:s20], [sflag:$0x2] =	stream.indirect.gather [hbm4b:s4+s19], $0x80, s26, s19, $0xb8;
	[tilespmem:$0x1F000] =	vst v63  }
0x83: {  	s26 =	smov.u32 s25  }
0x84: {  	p0 =	sne.s32 s25, $0xFFFFFC00;
	s25 =	sadd.s32 $0x400, s25;
	_ =	swait.ge [sflag:s21], $0x4000  }
0x85: {  	s26 =	sshra.s32 s26, $0x2;
	[sflag:s21] =	ssyncset.done $0x0  }
0x86: {  	s28 =	sadd.s32 $0x2C00, s26;
	[sflag:s21] =	ssyncadd.s32 $0xFFFFC000  }
0x87: {  	[spmem:s2] =	stream.indirect.scatter.add.f32 [tilespmem:s16], [sflag:$0x4], $0x80, s28, s19, $0xb8;
	[tilespmem:$0x1F000] =	vst v63  }
0x88: {  	_ =	swait.ge [sflag:s22], $0x4000  }
0x89: {  	[sflag:s22] =	ssyncset.done $0x0  }
0x8a: {  	s28 =	sadd.s32 $0x1500, s26;
	[sflag:s22] =	ssyncadd.s32 $0xFFFFC000  }
0x8b: {  	[tilespmem:s16], [sflag:$0x1] =	stream.indirect.gather [hbm4b:s4+s19], $0x80, s28, s19, $0xb8;
	[tilespmem:$0x1F000] =	vst v63  }
0x8c: {  	_ =	swait.ge [sflag:s17], $0x4000  }
0x8d: {  	[sflag:s17] =	ssyncset.done $0x0  }
.Ltmp2:
0x8e: {  	s28 =	sadd.s32 $0x2C80, s26;
	[sflag:s17] =	ssyncadd.s32 $0xFFFFC000;
	(pc) =	sbr.rel @p0 .LBB2_6-.Ltmp2, $4  }
0x8f: {  	[spmem:s2] =	stream.indirect.scatter.add.f32 [tilespmem:s20], [sflag:$0x4], $0x80, s28, s19, $0xb8;
	[tilespmem:$0x1F000] =	vst v63  }
0x90: {  	_ =	swait.ge [sflag:s22], $0x4000  }
0x91: {  	[sflag:s22] =	ssyncset.done $0x0  }
0x92: {  	s26 =	sadd.s32 $0x1580, s26;
	[sflag:s22] =	ssyncadd.s32 $0xFFFFC000  }
0x93: {  	[tilespmem:s20], [sflag:$0x2] =	stream.indirect.gather [hbm4b:s4+s19], $0x80, s26, s19, $0xb8;
	[tilespmem:$0x1F000] =	vst v63  }
0x94: {  	_ =	swait.ge [sflag:s21], $0x4000  }
0x95: {  	[sflag:s21] =	ssyncset.done $0x0  }
0x96: {  	[sflag:s21] =	ssyncadd.s32 $0xFFFFC000  }
0x97: {  	_ =	swait.ge [sflag:s17], $0x4000  }
0x98: {  	s25 =	sshll.u32 s0, $0x6;
	s24 =	sadd.s32 $0x1, s24;
	[sflag:s17] =	ssyncset.done $0x0  }
0x99: {  	s31 =	sshrl.u32 s6, $0x3;
	p0 =	sne.s32 s24, s13;
	[sflag:s17] =	ssyncadd.s32 $0xFFFFC000  }
.Ltmp3:
0x9a: {  	s25 =	sor.u32 $0x1C04, s25;
	[bflag:$0x0] =	sbarrier.arrive $0xFFFF;
	(pc) =	sbr.rel @p0 .LBB2_1-.Ltmp3, $4  }
0x9b: {  	[hbm:s12], [sflag:s25] =	dma.local [spmem:s31], $0x2800  }
0x9c: {  	_ =	swait.ge [sflag:s22], $0x2800  }
0x9d: {  	[sflag:s22] =	ssyncset.done $0x0  }
0x9e: {  	[sflag:s22] =	ssyncadd.s32 $0xFFFFD800  }
0x9f: {  	_ =	sfence.sel $0x180000  }
0xa0: {  	[bflag:$0x0] =	sbarrier.arrive $0xFFFF  }
0xa1: {  	p0 =	sne.s32 s0, $0x0;
	_ =	strace $0x90000047  }
0xa2: {  	s0 =	sadd.s32 @!p0 $0x100000, s1;
	[bflag:$0x2] =	sbarrier.arrive $0xFFFF  }
0xa3: {  	[sflag:s0] =	ssyncadd.tile.s32 @!p0 $0x1;
	_ =	shalt  }
.Lfunc_end2:
_tile_overlayer_lowered:
.L_overlay_start_2:
0xa4: {  	(tag) =	ssettag $0x2  }
0xa5: {  	s0 =	rddreg [dreg:$0x0];
	s2 =	stileid.u32  }
0xa6: {  	s1 =	rddreg [dreg:$0x1];
	p0 =	sne.s32 s2, $0x0  }
0xa7: {  	s3 =	rddreg [dreg:$0x2];
	[bflag:$0x3] =	sbarrier.arrive $0xFFFF;
	s2 =	simm.s32 @!p0 $0x1C04  }
0xa8: {  	[timem:s3], [sflag:s2] =	dma.local @!p0 [hbm:s0], s1  }
0xa9: {  	s0 =	simm.s32 @!p0 $0x4  }
0xaa: {  	_ =	swait.ge @!p0 [sflag:s0], s1  }
0xab: {  	s1 =	ssub.s32 @!p0 $0x0, s1;
	[sflag:s0] =	ssyncset.done @!p0 $0x0  }
0xac: {  	[sflag:s0] =	ssyncadd.s32 @!p0 s1  }
0xad: {  	[bflag:$0x3] =	sbarrier.arrive $0xFFFF  }
0xae: {  	_ =	shalt  }

// kernel: sc_segment_sum.8.cloned.1.call-start
scs
__scs_entry_jumppad:
0x0: {  	(pc) =	sbr.rel $0x88, $3  }
0x1: {  	(tag) =	ssettag $0x0;
	lr =	simm.s32 $0x1  }
0x2: {  	[smem:$0x3F7F] =	sst lr;
	_ =	strace $0xD0000000  }
0x3: {  	_ = 	snop  }
0x4: {  	_ = 	snop  }
0x5: {  	_ = 	snop  }
0x6: {  	_ = 	snop  }
0x7: {  	_ = 	snop  }
__scs_overlays_trampoline_lowered:
0x8: {  	[smem:$0x3F8E] =	sst s0  }
0x9: {  	[smem:$0x3F8F] =	sst s1  }
0xa: {  	[smem:$0x3F90] =	sst s2  }
0xb: {  	[smem:$0x3F91] =	sst s3  }
0xc: {  	[smem:$0x3F92] =	sst s4  }
0xd: {  	[smem:$0x3F93] =	sst s5  }
0xe: {  	[smem:$0x3F94] =	sst s6  }
0xf: {  	[smem:$0x3F95] =	sst s7  }
0x10: {  	[smem:$0x3F96] =	sst s8  }
0x11: {  	[smem:$0x3F97] =	sst s9;
	s0 =	simm.s32 @!p0 $0x0  }
0x12: {  	s1 =	sld [smem:$0x3F7D];
	s0 =	simm.s32 @p0 $0x1  }
0x13: {  	[smem:$0x3F98] =	sst s0;
	s0 =	simm.s32 @!p1 $0x0  }
0x14: {  	s2 =	sld [smem:$0x3F7C];
	s0 =	simm.s32 @p1 $0x1  }
0x15: {  	[smem:$0x3F99] =	sst s0;
	s0 =	simm.s32 @!p2 $0x0  }
0x16: {  	s3 =	sld [smem:$0x3FDB];
	s0 =	simm.s32 @p2 $0x1  }
0x17: {  	s4 =	simm.s32 $0x1BF5;
	[smem:$0x3F9B] =	sst s0  }
0x18: {  	s0 =	sld [smem:$0x3F7E];
	_ =	swait.ge [sflag:s4], $0x0  }
0x19: {  	s7 =	sld [smem:$0x3F7F]  }
0x1a: {  	s8 =	sadd.s32 $0xFFFFE003, lr  }
0x1b: {  	s9 =	sadd.s32 $0xFFFFFEF7, lr;
	s5 =	simm.s32 $0xFFFFFFFF;
	p2 =	slt.u32 s8, $0xFFFFF086  }
0x1c: {  	p1 =	slt.u32 s9, $0xF7A;
	s5 =	simm.s32 @!p2 $0x0  }
0x1d: {  	s5 =	simm.s32 @p1 $0x1;
	p0 =	seq.s32 s7, s2  }
0x1e: {  	s7 =	smul.u32 @!p0 $0xF7A, s2;
	p2 =	seq.s32 @!p0 s5, $0x0  }
0x1f: {  	s9 =	smul.u32 $0xF7A, s1;
	s8 =	simm.s32 @!p0 $0x1BF5;
	p2 =	por !p2, p0  }
0x20: {  	[sflag:s8] =	ssyncset.s32 @!p0 $0xFFFFF086;
	s6 =	sadd.s32 @!p0 s3, s7;
	s7 =	simm.s32 @!p0 $0x108  }
0x21: {  	s3 =	sadd.s32 s3, s9;
	s6 =	sadd.s32 @!p0 $0x88, s6;
	s7 =	simm.s32 @p2 $0x1082  }
0x22: {  	[simem:s7], [sflag:s8] =	dma.local @!p0 [hbm:s6], $0xF7A  }
0x23: {  	s9 =	sor.u32 $0xD0000000, s2;
	s6 =	simm.s32 $0x108;
	_ =	swait.ge @!p0 [sflag:s8], $0x0  }
0x24: {  	s3 =	sadd.s32 $0x88, s3;
	s6 =	simm.s32 @!p1 $0x1082;
	[sflag:s4] =	ssyncset.s32 $0xFFFFF086  }
0x25: {  	[simem:s6], [sflag:s4] =	dma.local [hbm:s3], $0xF7A  }
0x26: {  	[smem:$0x3F7F] =	sst s1;
	(tag) =	ssettag s2;
	_ =	strace s9  }
0x27: {  	s1 =	sld [smem:$0x3F8F]  }
0x28: {  	s2 =	sld [smem:$0x3F90]  }
0x29: {  	s4 =	sld [smem:$0x3F92]  }
0x2a: {  	p0 =	seq.s32 s5, $0x0;
	s5 =	sld [smem:$0x3F93]  }
0x2b: {  	s6 =	sld [smem:$0x3F94]  }
0x2c: {  	s7 =	sld [smem:$0x3F95]  }
0x2d: {  	s3 =	simm.s32 $0x108;
	s8 =	sld [smem:$0x3F96]  }
0x2e: {  	s3 =	simm.s32 @!p0 $0x1082;
	s9 =	sld [smem:$0x3F97]  }
0x2f: {  	lr =	sadd.s32 s0, s3;
	s0 =	sld [smem:$0x3F8E]  }
0x30: {  	s3 =	sld [smem:$0x3F91]  }
0x31: {  	[smem:$0x3F9A] =	sst s10  }
0x32: {  	s10 =	sld [smem:$0x3F98];
	_ =	sdelay $0x3  }
0x33: {  	p0 =	seq.s32 s10, $0x1;
	s10 =	sld [smem:$0x3F9A];
	_ =	sdelay $0x3  }
0x34: {  	[smem:$0x3F9A] =	sst s10  }
0x35: {  	s10 =	sld [smem:$0x3F99];
	_ =	sdelay $0x3  }
0x36: {  	p1 =	seq.s32 s10, $0x1;
	s10 =	sld [smem:$0x3F9A];
	_ =	sdelay $0x3  }
0x37: {  	[smem:$0x3F9A] =	sst s10  }
0x38: {  	s10 =	sld [smem:$0x3F9B]  }
0x39: {  	_ = 	snop;
	(pc) =	sbr.ind lr, $3  }
0x3a: {  	_ = 	snop  }
0x3b: {  	_ = 	snop  }
0x3c: {  	p2 =	seq.s32 s10, $0x1;
	s10 =	sld [smem:$0x3F9A]  }
0x3d: {  	_ =	shalt  }
0x3e: {  	_ =	shalt  }
0x3f: {  	_ =	shalt  }
0x40: {  	_ =	shalt  }
0x41: {  	_ =	shalt  }
0x42: {  	_ =	shalt  }
0x43: {  	_ =	shalt  }
0x44: {  	_ =	shalt  }
0x45: {  	_ =	shalt  }
0x46: {  	_ =	shalt  }
0x47: {  	_ =	shalt  }
0x48: {  	_ =	shalt  }
0x49: {  	_ =	shalt  }
0x4a: {  	_ =	shalt  }
0x4b: {  	_ =	shalt  }
0x4c: {  	_ =	shalt  }
0x4d: {  	_ =	shalt  }
0x4e: {  	_ =	shalt  }
0x4f: {  	_ =	shalt  }
0x50: {  	_ =	shalt  }
0x51: {  	_ =	shalt  }
0x52: {  	_ =	shalt  }
0x53: {  	_ =	shalt  }
0x54: {  	_ =	shalt  }
0x55: {  	_ =	shalt  }
0x56: {  	_ =	shalt  }
0x57: {  	_ =	shalt  }
0x58: {  	_ =	shalt  }
0x59: {  	_ =	shalt  }
0x5a: {  	_ =	shalt  }
0x5b: {  	_ =	shalt  }
0x5c: {  	_ =	shalt  }
0x5d: {  	_ =	shalt  }
0x5e: {  	_ =	shalt  }
0x5f: {  	_ =	shalt  }
0x60: {  	_ =	shalt  }
0x61: {  	_ =	shalt  }
0x62: {  	_ =	shalt  }
0x63: {  	_ =	shalt  }
0x64: {  	_ =	shalt  }
0x65: {  	_ =	shalt  }
0x66: {  	_ =	shalt  }
0x67: {  	_ =	shalt  }
0x68: {  	_ =	shalt  }
0x69: {  	_ =	shalt  }
0x6a: {  	_ =	shalt  }
0x6b: {  	_ =	shalt  }
0x6c: {  	_ =	shalt  }
0x6d: {  	_ =	shalt  }
0x6e: {  	_ =	shalt  }
0x6f: {  	_ =	shalt  }
0x70: {  	_ =	shalt  }
0x71: {  	_ =	shalt  }
0x72: {  	_ =	shalt  }
0x73: {  	_ =	shalt  }
0x74: {  	_ =	shalt  }
0x75: {  	_ =	shalt  }
0x76: {  	_ =	shalt  }
0x77: {  	_ =	shalt  }
0x78: {  	_ =	shalt  }
0x79: {  	_ =	shalt  }
0x7a: {  	_ =	shalt  }
0x7b: {  	_ =	shalt  }
0x7c: {  	_ =	shalt  }
0x7d: {  	_ =	shalt  }
0x7e: {  	_ =	shalt  }
0x7f: {  	_ =	shalt  }
0x80: {  	_ =	shalt  }
0x81: {  	_ =	shalt  }
0x82: {  	_ =	shalt  }
0x83: {  	_ =	shalt  }
0x84: {  	_ =	shalt  }
0x85: {  	_ =	shalt  }
0x86: {  	_ =	shalt  }
0x87: {  	_ =	shalt  }
.Lfunc_end0:
.L_simem_size_0:
called_computation.1_lowered:
.L_overlay_start_0:
0x88: {  	s2 =	sld [smem:$0x3FD9]  }
0x89: {  	s3 =	sld [smem:$0x3FFE];
	_ =	sdelay $0x1  }
0x8a: {  	s1 =	srdreg.scid  }
0x8b: {  	s0 =	sand.u32 $0x1, s1  }
0x8c: {  	s16 =	sshll.u32 s0, $0xA;
	s2 =	sadd.s32 s3, s2  }
0x8d: {  	s2 =	sadd.s32 s2, s16  }
0x8e: {  	[smem:$0x3FA6] =	sst s2  }
0x8f: {  	_ = 	snop  }
0x90: {  	(tm) =	ssettm $0x1  }
0x91: {  	s17 =	sld [smem:$0x3FFB];
	_ =	sdelay $0x3  }
0x92: {  	_ =	strace s17  }
0x93: {  	s2 =	sld [smem:$0x3FFC];
	_ =	sdelay $0x3  }
0x94: {  	_ =	strace s2  }
0x95: {  	s2 =	sld [smem:$0x3FFD];
	_ =	sdelay $0x3  }
0x96: {  	_ =	strace s2  }
0x97: {  	_ =	strace $0x8FFFFFFF  }
0x98: {  	s18 =	sld [smem:$0x3FDB];
	_ =	sdelay $0x1  }
0x99: {  	s19 =	simm.s32 $_scs_section_size  }
0x9a: {  	s4 =	simm.s32 $_size__tile_overlayer_lowered;
	s5 =	simm.s32 $_tile_overlayer_lowered  }
0x9b: {  	s22 =	simm.s32 $0x1BFF;
	s21 =	sshll.u32 s5, $0x1;
	s2 =	sadd.s32 s19, s18  }
0x9c: {  	s6 =	simm.s32 $0x0;
	s20 =	sshll.u32 s4, $0x1;
	s4 =	sadd.s32 s21, s2  }
0x9d: {  	[timem:s6], [sflag:s22] =	dma.local [hbm:s4], s20  }
0x9e: {  	_ =	swait.ge [sflag:s22], s20  }
0x9f: {  	s3 =	ssub.s32 $0x0, s20;
	[sflag:s22] =	ssyncset.done $0x0  }
0xa0: {  	[sflag:s22] =	ssyncadd.s32 s3;
	_ =	sdelay $0x1  }
0xa1: {  	s23 =	simm.s32 $0x1B8B  }
0xa2: {  	_ =	swait.ge [sflag:s23], $0x1  }
0xa3: {  	[sflag:s23] =	ssyncset.done $0x0  }
0xa4: {  	s25 =	simm.s32 $0x1B8E;
	s24 =	sld [smem:$0x3FFE];
	[sflag:s23] =	ssyncadd.s32 $0xFFFFFFFF  }
0xa5: {  	s26 =	simm.s32 $execute0_lowered;
	[smem:$0x3FD2] =	sst s25  }
0xa6: {  	s4 =	sshll.u32 s26, $0x1;
	_ =	strace $0x80000049;
	[dreg:$0x1] =	wrdreg $0xFFFFFFFF  }
0xa7: {  	s28 =	simm.s32 $_size_execute0_lowered;
	s2 =	sadd.s32 s2, s4;
	[dreg:$0x0] =	wrdreg $0x0  }
0xa8: {  	s4 =	sshll.u32 s28, $0x1;
	[dreg:$0x2] =	wrdreg s2  }
0xa9: {  	[dreg:$0x3] =	wrdreg s4  }
0xaa: {  	[dreg:$0x4] =	wrdreg $0xC0  }
0xab: {  	_ =	task [dreg:s6], $0x5FFFF  }
0xac: {  	[dreg:$0x1] =	wrdreg $0xFFFFFFFF  }
0xad: {  	[dreg:$0x0] =	wrdreg $0x60  }
0xae: {  	[dreg:$0x2] =	wrdreg s24  }
0xaf: {  	[dreg:$0x3] =	wrdreg $0xB0000  }
0xb0: {  	[dreg:$0x4] =	wrdreg $0x9  }
0xb1: {  	_ =	task.clear_ibuf [dreg:s6], $0x5FFFF;
	_ =	strace $0x90000049  }
0xb2: {  	s29 =	simm.s32 $0x9;
	_ =	strace $0x8000004B  }
0xb3: {  	_ =	swait.ge [sflag:s29], $0x1  }
0xb4: {  	[sflag:s29] =	ssyncadd.s32 $0xFFFFFFFF  }
0xb5: {  	_ =	strace $0x9000004B  }
0xb6: {  	_ =	sfence  }
0xb7: {  	s30 =	sld [smem:$0x0];
	_ =	sdelay $0x2  }
0xb8: {  	s31 =	sshll.u32 s1, $0xD;
	s1 =	sshrl.u32 s1, $0x2  }
0xb9: {  	s3 =	sand.u32 $0x4000, s31;
	s1 =	sadd.s32 s1, s30  }
0xba: {  	s0 =	sor.u32 s3, s0;
	s1 =	sshll.u32 s1, $0x11  }
0xbb: {  	s0 =	sor.u32 s1, s0  }
0xbc: {  	s0 =	sadd.s32 $0x8F2B, s0  }
0xbd: {  	[sflag:s0] =	ssyncadd.remote.s32 $0x1  }
0xbe: {  	_ =	sfence.sel $0xFFFF  }
0xbf: {  	[dreg:$0x0] =	wrdreg $0xFFFFFFFF;
	(pc) =	sbr.abs _section_cstart, $3  }
0xc0: {  	[dreg:$0x1] =	wrdreg $0xFFFFFFFF  }
0xc1: {  	_ =	task.clear_ibuf [dreg:s6], $0x2FFFF;
	_ =	strace $0x9FFFFFFF  }
0xc2: {  	(tm) =	ssettm $0x7FFFFFFF  }
0xc3: {  	_ =	shalt  }
tec
execute0_lowered:
.L_overlay_start_1:
0x0: {  	(tag) =	ssettag $0x1  }
0x1: {  	s1 =	srdreg.scid  }
0x2: {  	s0 =	stileid.u32;
	s6 =	rddreg [dreg:$0x0]  }
0x3: {  	s2 =	rddreg [dreg:$0x1];
	s3 =	simm.s32 $0x0;
	s15 =	simm.s32 $0x1800  }
0x4: {  	s16 =	simm.s32 $0x3000;
	s17 =	simm.s32 $0x2;
	s18 =	simm.s32 $0x3  }
0x5: {  	s19 =	simm.s32 $0x80;
	s20 =	simm.s32 $0x7000;
	s21 =	simm.s32 $0x1  }
0x6: {  	s22 =	simm.s32 $0x4;
	s24 =	simm.s32 $0x0;
	s9 =	smul.u32 $0x14000, s0  }
0x7: {  	s5 =	sand.u32 $0x1, s1;
	s26 =	sshll.u32 s0, $0x1;
	s28 =	smul.u32 $0x50000, s0  }
0x8: {  	[smem:$0x7FF] =	sst s3;
	s1 =	sor.u32 s5, s26;
	s8 =	smul.u32 $0x140000, s5  }
0x9: {  	s4 =	sadd.s32 $0x1D800, s6;
	s5 =	ssub.s32 $0x2, s5;
	s7 =	smul.u32 $0x6000, s1  }
0xa: {  	s1 =	rddreg [dreg:$0x2];
	_ =	strace $0x8000004A;
	s30 =	sshrl.u32 s5, $0x1  }
0xb: {  	s31 =	sshrl.u32 s28, $0x2;
	s8 =	sadd.s32 s9, s8;
	s13 =	ssub.s32 s5, s30  }
0xc: {  	s7 =	sshrl.u32 s7, $0x3;
	s29 =	sshrl.u32 s8, $0x3;
	s13 =	smax.u32 s13, $0x1  }
0xd: {  	s14 =	sadd.s32 s7, s6;
	s12 =	sadd.s32 s29, s6;
	s6 =	sadd.s32 s31, s2  }
0xe: {  	s5 =	sadd.s32 $0x5800, s14;
	s7 =	sadd.s32 $0x4000, s6;
	s8 =	sadd.s32 $0x8000, s6  }
0xf: {  	s9 =	sadd.s32 $0xC000, s6;
	s10 =	sadd.s32 $0x10000, s6;
	s11 =	sadd.s32 $0x5E00, s14  }
0x10: {  	v0 =	vimm.f32 $0.0e+00;
	s12 =	sadd.s32 $0x44A00, s12;
	s14 =	sadd.s32 $0x5B00, s14;
	s23 =	sadd.s32 $0x300, s11  }
.LBB2_1:
0x11: {  	[tilespmem:s3], [sflag:$0x3] =	stream.linear.gather [hbm4b:s5+s3], $0x1500, $0x38;
	[tilespmem:$0x1F000] =	vst v63  }
0x12: {  	s25 =	simm.s32 $0x0;
	s26 =	simm.s32 $0x200  }
0x13: {  	[tilespmem:s15], [sflag:$0x3] =	stream.linear.gather [hbm4b:s14+s3], $0x1500, $0x38;
	[tilespmem:$0x1F000] =	vst v63  }
.LBB2_2:
0x14: {  	p0 =	sne.s32 s26, $0xFE00;
	[tilespmem:s25+$0x3070] =	vst v0  }
0x15: {  	[tilespmem:s25+$0x3000] =	vst v0  }
0x16: {  	[tilespmem:s25+$0x3010] =	vst v0  }
.Ltmp0:
0x17: {  	[tilespmem:s25+$0x3020] =	vst v0;
	(pc) =	sbr.rel @p0 .LBB2_2-.Ltmp0, $4  }
0x18: {  	[tilespmem:s25+$0x3030] =	vst v0  }
0x19: {  	[tilespmem:s25+$0x3040] =	vst v0  }
0x1a: {  	[tilespmem:s25+$0x3050] =	vst v0  }
0x1b: {  	[tilespmem:s25+$0x3060] =	vst v0;
	s25 =	sshra.s32 s26, $0x2;
	s26 =	sadd.s32 $0x200, s26  }
0x1c: {  	[tilespmem:s25+$0x3070] =	vst v0  }
0x1d: {  	[tilespmem:s25+$0x3000] =	vst v0  }
0x1e: {  	[tilespmem:s25+$0x3010] =	vst v0  }
0x1f: {  	[tilespmem:s25+$0x3020] =	vst v0  }
0x20: {  	[tilespmem:s25+$0x3030] =	vst v0  }
0x21: {  	[tilespmem:s25+$0x3040] =	vst v0  }
0x22: {  	[tilespmem:s25+$0x3050] =	vst v0  }
0x23: {  	[tilespmem:s25+$0x3060] =	vst v0  }
0x24: {  	[spmem:s6] =	stream.linear.scatter [tilespmem:s16], [sflag:$0x2], $0x4000, $0x38;
	[tilespmem:$0x1F000] =	vst v63  }
0x25: {  	_ = 	snop  }
0x26: {  	[spmem:s7] =	stream.linear.scatter [tilespmem:s16], [sflag:$0x2], $0x4000, $0x38;
	[tilespmem:$0x1F000] =	vst v63  }
0x27: {  	_ = 	snop  }
0x28: {  	[spmem:s8] =	stream.linear.scatter [tilespmem:s16], [sflag:$0x2], $0x4000, $0x38;
	[tilespmem:$0x1F000] =	vst v63  }
0x29: {  	_ = 	snop  }
0x2a: {  	[spmem:s9] =	stream.linear.scatter [tilespmem:s16], [sflag:$0x2], $0x4000, $0x38;
	[tilespmem:$0x1F000] =	vst v63  }
0x2b: {  	_ = 	snop  }
0x2c: {  	[spmem:s10] =	stream.linear.scatter [tilespmem:s16], [sflag:$0x2], $0x4000, $0x38;
	[tilespmem:$0x1F000] =	vst v63  }
0x2d: {  	_ =	swait.ge [sflag:s17], $0x4000  }
0x2e: {  	[sflag:s17] =	ssyncset.done $0x0  }
0x2f: {  	[sflag:s17] =	ssyncadd.s32 $0xFFFFC000  }
0x30: {  	_ =	swait.ge [sflag:s17], $0x4000  }
0x31: {  	[sflag:s17] =	ssyncset.done $0x0  }
0x32: {  	[sflag:s17] =	ssyncadd.s32 $0xFFFFC000  }
0x33: {  	_ =	swait.ge [sflag:s17], $0x4000  }
0x34: {  	[sflag:s17] =	ssyncset.done $0x0  }
0x35: {  	[sflag:s17] =	ssyncadd.s32 $0xFFFFC000  }
0x36: {  	_ =	swait.ge [sflag:s17], $0x4000  }
0x37: {  	[sflag:s17] =	ssyncset.done $0x0  }
0x38: {  	[sflag:s17] =	ssyncadd.s32 $0xFFFFC000  }
0x39: {  	_ =	swait.ge [sflag:s17], $0x4000  }
0x3a: {  	[sflag:s17] =	ssyncset.done $0x0  }
0x3b: {  	[sflag:s17] =	ssyncadd.s32 $0xFFFFC000  }
0x3c: {  	_ =	swait.ge [sflag:s18], $0x2A00  }
0x3d: {  	[sflag:s18] =	ssyncset.done $0x0  }
0x3e: {  	[sflag:s18] =	ssyncadd.s32 $0xFFFFD600  }
0x3f: {  	[tilespmem:s16], [sflag:$0x1] =	stream.indirect.gather [hbm4b:s4+s19], $0x80, s3, s19, $0xb8;
	[tilespmem:$0x1F000] =	vst v63  }
0x40: {  	_ = 	snop  }
0x41: {  	[tilespmem:s20], [sflag:$0x2] =	stream.indirect.gather [hbm4b:s4+s19], $0x80, s19, s19, $0xb8;
	[tilespmem:$0x1F000] =	vst v63  }
0x42: {  	[bflag:$0x0] =	sbarrier.arrive $0xFFFF  }
0x43: {  	_ =	swait.ge [sflag:s21], $0x4000  }
0x44: {  	[sflag:s21] =	ssyncset.done $0x0  }
0x45: {  	s29 =	simm.s32 $0x1800;
	[sflag:s21] =	ssyncadd.s32 $0xFFFFC000  }
0x46: {  	[spmem:s2] =	stream.indirect.scatter.add.f32 [tilespmem:s16], [sflag:$0x4], $0x80, s29, s19, $0xb8;
	[tilespmem:$0x1F000] =	vst v63  }
0x47: {  	_ =	swait.ge [sflag:s22], $0x4000  }
0x48: {  	[sflag:s22] =	ssyncset.done $0x0  }
0x49: {  	s30 =	simm.s32 $0x100;
	[sflag:s22] =	ssyncadd.s32 $0xFFFFC000  }
0x4a: {  	[tilespmem:s16], [sflag:$0x1] =	stream.indirect.gather [hbm4b:s4+s19], $0x80, s30, s19, $0xb8;
	[tilespmem:$0x1F000] =	vst v63  }
0x4b: {  	_ =	swait.ge [sflag:s17], $0x4000  }
0x4c: {  	[sflag:s17] =	ssyncset.done $0x0  }
0x4d: {  	s31 =	simm.s32 $0x1880;
	[sflag:s17] =	ssyncadd.s32 $0xFFFFC000  }
0x4e: {  	[spmem:s2] =	stream.indirect.scatter.add.f32 [tilespmem:s20], [sflag:$0x4], $0x80, s31, s19, $0xb8;
	[tilespmem:$0x1F000] =	vst v63  }
0x4f: {  	_ =	swait.ge [sflag:s22], $0x4000  }
0x50: {  	[sflag:s22] =	ssyncset.done $0x0  }
0x51: {  	s25 =	simm.s32 $0xFFFFB400;
	s26 =	simm.s32 $0x180;
	[sflag:s22] =	ssyncadd.s32 $0xFFFFC000  }
.LBB2_4:
0x52: {  	[tilespmem:s20], [sflag:$0x2] =	stream.indirect.gather [hbm4b:s4+s19], $0x80, s26, s19, $0xb8;
	[tilespmem:$0x1F000] =	vst v63  }
0x53: {  	s26 =	smov.u32 s25  }
0x54: {  	p0 =	sne.s32 s25, $0xFFFFFC00;
	s25 =	sadd.s32 $0x400, s25;
	_ =	swait.ge [sflag:s21], $0x4000  }
0x55: {  	s26 =	sshra.s32 s26, $0x2;
	[sflag:s21] =	ssyncset.done $0x0  }
0x56: {  	s28 =	sadd.s32 $0x2C00, s26;
	[sflag:s21] =	ssyncadd.s32 $0xFFFFC000  }
0x57: {  	[spmem:s2] =	stream.indirect.scatter.add.f32 [tilespmem:s16], [sflag:$0x4], $0x80, s28, s19, $0xb8;
	[tilespmem:$0x1F000] =	vst v63  }
0x58: {  	_ =	swait.ge [sflag:s22], $0x4000  }
0x59: {  	[sflag:s22] =	ssyncset.done $0x0  }
0x5a: {  	s28 =	sadd.s32 $0x1500, s26;
	[sflag:s22] =	ssyncadd.s32 $0xFFFFC000  }
0x5b: {  	[tilespmem:s16], [sflag:$0x1] =	stream.indirect.gather [hbm4b:s4+s19], $0x80, s28, s19, $0xb8;
	[tilespmem:$0x1F000] =	vst v63  }
0x5c: {  	_ =	swait.ge [sflag:s17], $0x4000  }
0x5d: {  	[sflag:s17] =	ssyncset.done $0x0  }
.Ltmp1:
0x5e: {  	s28 =	sadd.s32 $0x2C80, s26;
	[sflag:s17] =	ssyncadd.s32 $0xFFFFC000;
	(pc) =	sbr.rel @p0 .LBB2_4-.Ltmp1, $4  }
0x5f: {  	[spmem:s2] =	stream.indirect.scatter.add.f32 [tilespmem:s20], [sflag:$0x4], $0x80, s28, s19, $0xb8;
	[tilespmem:$0x1F000] =	vst v63  }
0x60: {  	_ =	swait.ge [sflag:s22], $0x4000  }
0x61: {  	[sflag:s22] =	ssyncset.done $0x0  }
0x62: {  	s26 =	sadd.s32 $0x1580, s26;
	[sflag:s22] =	ssyncadd.s32 $0xFFFFC000  }
0x63: {  	[tilespmem:s20], [sflag:$0x2] =	stream.indirect.gather [hbm4b:s4+s19], $0x80, s26, s19, $0xb8;
	[tilespmem:$0x1F000] =	vst v63  }
0x64: {  	_ =	swait.ge [sflag:s21], $0x4000  }
0x65: {  	[sflag:s21] =	ssyncset.done $0x0  }
0x66: {  	[sflag:s21] =	ssyncadd.s32 $0xFFFFC000  }
0x67: {  	_ =	swait.ge [sflag:s17], $0x4000  }
0x68: {  	[sflag:s17] =	ssyncset.done $0x0  }
0x69: {  	[sflag:s17] =	ssyncadd.s32 $0xFFFFC000  }
0x6a: {  	[tilespmem:s3], [sflag:$0x4] =	stream.linear.gather [hbm4b:s11+s3], $0x1500, $0x38;
	[tilespmem:$0x1F000] =	vst v63  }
0x6b: {  	_ = 	snop  }
0x6c: {  	[tilespmem:s15], [sflag:$0x4] =	stream.linear.gather [hbm4b:s23+s3], $0x1500, $0x38;
	[tilespmem:$0x1F000] =	vst v63  }
0x6d: {  	_ =	swait.ge [sflag:s22], $0x2A00  }
0x6e: {  	[sflag:s22] =	ssyncset.done $0x0  }
0x6f: {  	[sflag:s22] =	ssyncadd.s32 $0xFFFFD600  }
0x70: {  	[tilespmem:s16], [sflag:$0x1] =	stream.indirect.gather [hbm4b:s4+s19], $0x80, s3, s19, $0xb8;
	[tilespmem:$0x1F000] =	vst v63  }
0x71: {  	_ = 	snop  }
0x72: {  	[tilespmem:s20], [sflag:$0x2] =	stream.indirect.gather [hbm4b:s4+s19], $0x80, s19, s19, $0xb8;
	[tilespmem:$0x1F000] =	vst v63  }
0x73: {  	_ =	swait.ge [sflag:s21], $0x4000  }
0x74: {  	[sflag:s21] =	ssyncset.done $0x0  }
0x75: {  	s25 =	simm.s32 $0x1800;
	[sflag:s21] =	ssyncadd.s32 $0xFFFFC000  }
0x76: {  	[spmem:s2] =	stream.indirect.scatter.add.f32 [tilespmem:s16], [sflag:$0x4], $0x80, s25, s19, $0xb8;
	[tilespmem:$0x1F000] =	vst v63  }
0x77: {  	_ =	swait.ge [sflag:s22], $0x4000  }
0x78: {  	[sflag:s22] =	ssyncset.done $0x0  }
0x79: {  	s30 =	simm.s32 $0x100;
	[sflag:s22] =	ssyncadd.s32 $0xFFFFC000  }
0x7a: {  	[tilespmem:s16], [sflag:$0x1] =	stream.indirect.gather [hbm4b:s4+s19], $0x80, s30, s19, $0xb8;
	[tilespmem:$0x1F000] =	vst v63  }
0x7b: {  	_ =	swait.ge [sflag:s17], $0x4000  }
0x7c: {  	[sflag:s17] =	ssyncset.done $0x0  }
0x7d: {  	s31 =	simm.s32 $0x1880;
	[sflag:s17] =	ssyncadd.s32 $0xFFFFC000  }
0x7e: {  	[spmem:s2] =	stream.indirect.scatter.add.f32 [tilespmem:s20], [sflag:$0x4], $0x80, s31, s19, $0xb8;
	[tilespmem:$0x1F000] =	vst v63  }
0x7f: {  	_ =	swait.ge [sflag:s22], $0x4000  }
0x80: {  	[sflag:s22] =	ssyncset.done $0x0  }
0x81: {  	s26 =	simm.s32 $0x180;
	s25 =	simm.s32 $0xFFFFB400;
	[sflag:s22] =	ssyncadd.s32 $0xFFFFC000  }
.LBB2_6:
0x82: {  	[tilespmem:s20], [sflag:$0x2] =	stream.indirect.gather [hbm4b:s4+s19], $0x80, s26, s19, $0xb8;
	[tilespmem:$0x1F000] =	vst v63  }
0x83: {  	s26 =	smov.u32 s25  }
0x84: {  	p0 =	sne.s32 s25, $0xFFFFFC00;
	s25 =	sadd.s32 $0x400, s25;
	_ =	swait.ge [sflag:s21], $0x4000  }
0x85: {  	s26 =	sshra.s32 s26, $0x2;
	[sflag:s21] =	ssyncset.done $0x0  }
0x86: {  	s28 =	sadd.s32 $0x2C00, s26;
	[sflag:s21] =	ssyncadd.s32 $0xFFFFC000  }
0x87: {  	[spmem:s2] =	stream.indirect.scatter.add.f32 [tilespmem:s16], [sflag:$0x4], $0x80, s28, s19, $0xb8;
	[tilespmem:$0x1F000] =	vst v63  }
0x88: {  	_ =	swait.ge [sflag:s22], $0x4000  }
0x89: {  	[sflag:s22] =	ssyncset.done $0x0  }
0x8a: {  	s28 =	sadd.s32 $0x1500, s26;
	[sflag:s22] =	ssyncadd.s32 $0xFFFFC000  }
0x8b: {  	[tilespmem:s16], [sflag:$0x1] =	stream.indirect.gather [hbm4b:s4+s19], $0x80, s28, s19, $0xb8;
	[tilespmem:$0x1F000] =	vst v63  }
0x8c: {  	_ =	swait.ge [sflag:s17], $0x4000  }
0x8d: {  	[sflag:s17] =	ssyncset.done $0x0  }
.Ltmp2:
0x8e: {  	s28 =	sadd.s32 $0x2C80, s26;
	[sflag:s17] =	ssyncadd.s32 $0xFFFFC000;
	(pc) =	sbr.rel @p0 .LBB2_6-.Ltmp2, $4  }
0x8f: {  	[spmem:s2] =	stream.indirect.scatter.add.f32 [tilespmem:s20], [sflag:$0x4], $0x80, s28, s19, $0xb8;
	[tilespmem:$0x1F000] =	vst v63  }
0x90: {  	_ =	swait.ge [sflag:s22], $0x4000  }
0x91: {  	[sflag:s22] =	ssyncset.done $0x0  }
0x92: {  	s26 =	sadd.s32 $0x1580, s26;
	[sflag:s22] =	ssyncadd.s32 $0xFFFFC000  }
0x93: {  	[tilespmem:s20], [sflag:$0x2] =	stream.indirect.gather [hbm4b:s4+s19], $0x80, s26, s19, $0xb8;
	[tilespmem:$0x1F000] =	vst v63  }
0x94: {  	_ =	swait.ge [sflag:s21], $0x4000  }
0x95: {  	[sflag:s21] =	ssyncset.done $0x0  }
0x96: {  	[sflag:s21] =	ssyncadd.s32 $0xFFFFC000  }
0x97: {  	_ =	swait.ge [sflag:s17], $0x4000  }
0x98: {  	s25 =	sshll.u32 s0, $0x6;
	s24 =	sadd.s32 $0x1, s24;
	[sflag:s17] =	ssyncset.done $0x0  }
0x99: {  	s31 =	sshrl.u32 s6, $0x3;
	p0 =	sne.s32 s24, s13;
	[sflag:s17] =	ssyncadd.s32 $0xFFFFC000  }
.Ltmp3:
0x9a: {  	s25 =	sor.u32 $0x1C04, s25;
	[bflag:$0x0] =	sbarrier.arrive $0xFFFF;
	(pc) =	sbr.rel @p0 .LBB2_1-.Ltmp3, $4  }
0x9b: {  	[hbm:s12], [sflag:s25] =	dma.local [spmem:s31], $0x2800  }
0x9c: {  	_ =	swait.ge [sflag:s22], $0x2800  }
0x9d: {  	[sflag:s22] =	ssyncset.done $0x0  }
0x9e: {  	[sflag:s22] =	ssyncadd.s32 $0xFFFFD800  }
0x9f: {  	_ =	sfence.sel $0x180000  }
0xa0: {  	[bflag:$0x0] =	sbarrier.arrive $0xFFFF  }
0xa1: {  	p0 =	sne.s32 s0, $0x0;
	_ =	strace $0x9000004A  }
0xa2: {  	s0 =	sadd.s32 @!p0 $0x100000, s1;
	[bflag:$0x2] =	sbarrier.arrive $0xFFFF  }
0xa3: {  	[sflag:s0] =	ssyncadd.tile.s32 @!p0 $0x1;
	_ =	shalt  }
.Lfunc_end2:
_tile_overlayer_lowered:
.L_overlay_start_2:
0xa4: {  	(tag) =	ssettag $0x2  }
0xa5: {  	s0 =	rddreg [dreg:$0x0];
	s2 =	stileid.u32  }
0xa6: {  	s1 =	rddreg [dreg:$0x1];
	p0 =	sne.s32 s2, $0x0  }
0xa7: {  	s3 =	rddreg [dreg:$0x2];
	[bflag:$0x3] =	sbarrier.arrive $0xFFFF;
	s2 =	simm.s32 @!p0 $0x1C04  }
0xa8: {  	[timem:s3], [sflag:s2] =	dma.local @!p0 [hbm:s0], s1  }
0xa9: {  	s0 =	simm.s32 @!p0 $0x4  }
0xaa: {  	_ =	swait.ge @!p0 [sflag:s0], s1  }
0xab: {  	s1 =	ssub.s32 @!p0 $0x0, s1;
	[sflag:s0] =	ssyncset.done @!p0 $0x0  }
0xac: {  	[sflag:s0] =	ssyncadd.s32 @!p0 s1  }
0xad: {  	[bflag:$0x3] =	sbarrier.arrive $0xFFFF  }
0xae: {  	_ =	shalt  }

</sc_bundles>
